<compile_context>
chip_gen: v7x
topology: tpu7x:2x2x1
jax: 0.10.2.dev20260603
libtpu: 0.0.44.dev20260713+nightly
codegen_flags: <defaults>
</compile_context>

<pallas_src>
import functools

import jax
import jax.numpy as jnp
from jax import lax
from jax.experimental import pallas as pl
from jax.experimental.pallas import tpu as pltpu
from jax.experimental.pallas import tpu_sc as plsc

N = 10000
E = 160000
FEAT = 256
HID = 256
OUT = 40

NP = 10240
HALF = 128
NC = 2
NS = 16
CHUNK = 128
ACH = 128
EP = 163840
ECH_T = EP // NS // ACH
PH = 2
PCH = ECH_T // PH
DCH_T = EP // (NC * NS) // CHUNK
RPT = NP // NS
ROWB = 1024


def _mesh():
    return plsc.VectorSubcoreMesh(core_axis_name="c", subcore_axis_name="s")


def _deg_body(dst_hbm, out, dst_v, ones_v, zero_v, acc):
    c = lax.axis_index("c")
    s = lax.axis_index("s")
    wid = c * NS + s

    def zloop(i, _):
        zero_v[pl.ds(i * 16, 16)] = jnp.zeros((16,), jnp.float32)
        return 0

    lax.fori_loop(0, RPT // 16, zloop, 0)

    def oloop(i, _):
        ones_v[pl.ds(i * 16, 16)] = jnp.ones((16,), jnp.float32)
        return 0

    lax.fori_loop(0, CHUNK // 16, oloop, 0)

    pltpu.sync_copy(dst_hbm.at[wid], dst_v)
    pltpu.sync_copy(zero_v, acc.at[pl.ds(s * RPT, RPT)])
    plsc.subcore_barrier()

    def body(j, _):
        pltpu.sync_copy(ones_v, acc.at[dst_v.at[j]], add=True)
        return 0

    lax.fori_loop(0, DCH_T, body, 0)
    plsc.subcore_barrier()
    pltpu.sync_copy(acc.at[pl.ds(s * RPT, RPT)], out.at[c, pl.ds(s * RPT, RPT)])


_deg_kernel = functools.partial(
    pl.kernel,
    out_type=jax.ShapeDtypeStruct((NC, NP), jnp.float32),
    mesh=_mesh(),
    scratch_types=[
        pltpu.VMEM((DCH_T, CHUNK), jnp.int32),
        pltpu.VMEM((CHUNK,), jnp.float32),
        pltpu.VMEM((RPT,), jnp.float32),
        pltpu.VMEM_SHARED((NP,), jnp.float32),
    ],
)(_deg_body)


def _agg_body(ga_hbm, gb_hbm, src_hbm, dst_hbm, outa, outb,
              src_v, dst_v, rows, acc, sem0, sem1):
    c = lax.axis_index("c")
    s = lax.axis_index("s")
    sems = (sem0, sem1)

    def run(g_hbm, out_hbm):
        pltpu.sync_copy(g_hbm.at[pl.ds(s * RPT, RPT)], acc.at[pl.ds(s * RPT, RPT)])
        plsc.subcore_barrier()
        for p in range(PH):
            pltpu.sync_copy(src_hbm.at[s, pl.ds(p * PCH, PCH)], src_v)
            pltpu.sync_copy(dst_hbm.at[s, pl.ds(p * PCH, PCH)], dst_v)
            for b in range(2):
                pltpu.async_copy(g_hbm.at[src_v.at[b]], rows.at[b], sems[b])

            def body(i, _):
                j = i * 2
                for b in range(2):
                    pltpu.make_async_copy(
                        g_hbm.at[pl.ds(0, ACH)], rows.at[b], sems[b]).wait()
                    pltpu.sync_copy(rows.at[b], acc.at[dst_v.at[j + b]], add=True)

                    @pl.when(j + b + 2 < PCH)
                    def _():
                        pltpu.async_copy(
                            g_hbm.at[src_v.at[j + b + 2]], rows.at[b], sems[b])
                return 0

            lax.fori_loop(0, PCH // 2, body, 0)
        plsc.subcore_barrier()
        pltpu.sync_copy(acc.at[pl.ds(s * RPT, RPT)], out_hbm.at[pl.ds(s * RPT, RPT)])

    @pl.when(c == 0)
    def _():
        run(ga_hbm, outa)

    @pl.when(c == 1)
    def _():
        run(gb_hbm, outb)


_agg_kernel = functools.partial(
    pl.kernel,
    out_type=(jax.ShapeDtypeStruct((NP, HALF), jnp.float32),
              jax.ShapeDtypeStruct((NP, HALF), jnp.float32)),
    mesh=_mesh(),
    scratch_types=[
        pltpu.VMEM((PCH, ACH), jnp.int32),
        pltpu.VMEM((PCH, ACH), jnp.int32),
        pltpu.VMEM((2, ACH, HALF), jnp.float32),
        pltpu.VMEM_SHARED((NP, HALF), jnp.float32),
        pltpu.SemaphoreType.DMA,
        pltpu.SemaphoreType.DMA,
    ],
)(_agg_body)


def _mm1_body(x_ref, w_ref, dega_ref, degb_ref, ga_ref, gb_ref, dinv_ref):
    dinv = lax.rsqrt(dega_ref[...] + degb_ref[...] + 1.0)
    h = jnp.dot(x_ref[...], w_ref[...], preferred_element_type=jnp.float32)
    g = h * dinv[:, None]
    ga_ref[...] = g[:, :HALF]
    gb_ref[...] = g[:, HALF:]
    dinv_ref[...] = dinv


def _mm2_body(acca_ref, accb_ref, dinv_ref, b_ref, w_ref, ga_ref, gb_ref):
    dinv = dinv_ref[...]
    acc = jnp.concatenate([acca_ref[...], accb_ref[...]], axis=1)
    h = jnp.maximum(acc * dinv[:, None] + b_ref[...][None, :], 0.0)
    g = jnp.dot(h, w_ref[...], preferred_element_type=jnp.float32) * dinv[:, None]
    ga_ref[...] = g[:, :HALF]
    gb_ref[...] = g[:, HALF:]


def _head_body(acca_ref, accb_ref, dinv_ref, b_ref, w_ref, bfc_ref, out_ref):
    dinv = dinv_ref[...]
    acc = jnp.concatenate([acca_ref[...], accb_ref[...]], axis=1)
    e = jnp.maximum(acc * dinv[:, None] + b_ref[...][None, :], 0.0)
    out_ref[...] = (jnp.dot(e, w_ref[...], preferred_element_type=jnp.float32)
                    + bfc_ref[...][None, :])


_GRID = (NP // ROWB,)


def _row_spec(cols):
    return pl.BlockSpec((ROWB, cols), lambda i: (i, 0))


def _vec_spec():
    return pl.BlockSpec((ROWB,), lambda i: (i,))


def _full_spec(r, c):
    return pl.BlockSpec((r, c), lambda i: (0, 0))


def _full1_spec(n):
    return pl.BlockSpec((n,), lambda i: (0,))


_mm1_call = pl.pallas_call(
    _mm1_body,
    grid=_GRID,
    in_specs=[_row_spec(FEAT), _full_spec(FEAT, HID), _vec_spec(), _vec_spec()],
    out_specs=(_row_spec(HALF), _row_spec(HALF), _vec_spec()),
    out_shape=(jax.ShapeDtypeStruct((NP, HALF), jnp.float32),
               jax.ShapeDtypeStruct((NP, HALF), jnp.float32),
               jax.ShapeDtypeStruct((NP,), jnp.float32)),
)

_mm2_call = pl.pallas_call(
    _mm2_body,
    grid=_GRID,
    in_specs=[_row_spec(HALF), _row_spec(HALF), _vec_spec(),
              _full1_spec(HID), _full_spec(HID, HID)],
    out_specs=(_row_spec(HALF), _row_spec(HALF)),
    out_shape=(jax.ShapeDtypeStruct((NP, HALF), jnp.float32),
               jax.ShapeDtypeStruct((NP, HALF), jnp.float32)),
)

_head_call = pl.pallas_call(
    _head_body,
    grid=_GRID,
    in_specs=[_row_spec(HALF), _row_spec(HALF), _vec_spec(),
              _full1_spec(HID), _full_spec(HID, OUT), _full1_spec(OUT)],
    out_specs=_row_spec(OUT),
    out_shape=jax.ShapeDtypeStruct((N, OUT), jnp.float32),
)


def kernel(x, edge_index, W1, b1, W2, b2, Wfc, bfc):
    src = edge_index[0]
    dst = edge_index[1]
    npad = EP - E
    pad_ids = (N + jnp.arange(npad, dtype=jnp.int32) % (NP - N)).astype(jnp.int32)
    srcp = jnp.concatenate([src, pad_ids])
    dstp = jnp.concatenate([dst, pad_ids])
    src_t = srcp.reshape(NS, ECH_T, ACH)
    dst_t = dstp.reshape(NS, ECH_T, ACH)
    dst_d = dstp.reshape(NC * NS, DCH_T, CHUNK)

    deg = _deg_kernel(dst_d)
    ga1, gb1, dinv = _mm1_call(x, W1, deg[0], deg[1])
    acc1a, acc1b = _agg_kernel(ga1, gb1, src_t, dst_t)
    ga2, gb2 = _mm2_call(acc1a, acc1b, dinv, b1, W2)
    acc2a, acc2b = _agg_kernel(ga2, gb2, src_t, dst_t)
    return _head_call(acc2a, acc2b, dinv, b2, Wfc, bfc)

# --- scband reference (transcript-rebuilt; emitter-appended) ---
"""Pipeline reference for scband-gcn-48730698941113 (READ-ONLY COPY).

The authoritative reference and input builder live on the scoring server;
editing this copy changes nothing except your own understanding.
"""

import jax, jax.numpy as jnp
import numpy as np

N = 10000
E = 160000
FEAT = 256
HID = 256
OUT = 40


def glorot(key, shape):
    fan_in, fan_out = shape[0], shape[1]
    scale = jnp.sqrt(2.0 / (fan_in + fan_out))
    return jax.random.normal(key, shape, dtype=jnp.float32) * scale


def setup_inputs(seed: int = 0) -> dict:
    key = jax.random.key(seed)
    ks = jax.random.split(key, 8)
    x = jax.random.normal(ks[0], (N, FEAT), dtype=jnp.float32)
    edge_index = jax.random.randint(ks[1], (2, E), 0, N, dtype=jnp.int32)
    W1 = glorot(ks[2], (FEAT, HID))
    b1 = jnp.zeros((HID,), dtype=jnp.float32)
    W2 = glorot(ks[3], (HID, HID))
    b2 = jnp.zeros((HID,), dtype=jnp.float32)
    Wfc = glorot(ks[4], (HID, OUT))
    bfc = jnp.zeros((OUT,), dtype=jnp.float32)
    return {"x": x, "edge_index": edge_index, "W1": W1, "b1": b1, "W2": W2, "b2": b2, "Wfc": Wfc, "bfc": bfc}


def gcn_conv(x, edge_index, W, b):
    # GCNConv: x' = D^-1/2 (A + I) D^-1/2 (x W) + b
    h = x @ W
    src = edge_index[0]
    dst = edge_index[1]
    loop = jnp.arange(N, dtype=src.dtype)
    src = jnp.concatenate([src, loop])
    dst = jnp.concatenate([dst, loop])
    deg = jnp.zeros((N,), jnp.float32).at[dst].add(1.0)
    dinv = jnp.where(deg > 0, jax.lax.rsqrt(deg), 0.0)
    norm = dinv[src] * dinv[dst]
    msg = h[src] * norm[:, None]
    out = jnp.zeros((N, h.shape[1]), jnp.float32).at[dst].add(msg)
    return out + b


def reference(x, edge_index, W1, b1, W2, b2, Wfc, bfc):
    # conv1 + relu (dropout is identity in eval mode)
    h = jax.nn.relu(gcn_conv(x, edge_index, W1, b1))
    # conv2 (num_layers == 2)
    h2 = gcn_conv(h, edge_index, W2, b2)
    embed = jax.nn.relu(h2)
    logits = embed @ Wfc + bfc
    return logits

if __name__ == "__main__":
    import jax
    _d = setup_inputs()
    print(jax.jit(kernel)(*tuple(_d.values())))

</pallas_src>

<mosaic_0001>
#map = affine_map<(d0, d1) -> (0, 0)>
#map1 = affine_map<(d0, d1) -> (0, 0, 0)>
module attributes {stable_mosaic.version = 14 : i64} {
  func.func @_agg_body(%arg0: i32, %arg1: i32, %arg2: memref<10240x128xf32, #tpu.memory_space<hbm>>, %arg3: memref<10240x128xf32, #tpu.memory_space<hbm>>, %arg4: memref<16x80x128xi32, #tpu.memory_space<hbm>>, %arg5: memref<16x80x128xi32, #tpu.memory_space<hbm>>, %arg6: memref<10240x128xf32, #tpu.memory_space<hbm>>, %arg7: memref<10240x128xf32, #tpu.memory_space<hbm>>, %arg8: memref<40x128xi32, #tpu.memory_space<vmem>>, %arg9: memref<40x128xi32, #tpu.memory_space<vmem>>, %arg10: memref<2x128x128xf32, #tpu.memory_space<vmem>>, %arg11: memref<10240x128xf32, #tpu.memory_space<vmem_shared>>, %arg12: memref<!tpu.dma_semaphore, #tpu.memory_space<semaphore_mem>>, %arg13: memref<!tpu.dma_semaphore, #tpu.memory_space<semaphore_mem>>) attributes {dimension_semantics = [#tpu.dimension_semantics<core_parallel>, #tpu.dimension_semantics<subcore_parallel>], iteration_bounds = array<i64: 2, 16>, scalar_prefetch = 0 : i64, scratch_operands = 6 : i64, tpu.core_type = #tpu.core_type<sc_vector_subcore>, window_params = [{transform_indices = #map}, {transform_indices = #map}, {transform_indices = #map1}, {transform_indices = #map1}, {transform_indices = #map}, {transform_indices = #map}]} {
    %eq3A = arith.constant 0 : i32
    %eq3A_0 = arith.cmpi eq, %arg0, %eq3A : i32
    %convert_element_type3A = arith.extui %eq3A_0 : i1 to i32
    %cond3A = arith.constant 0 : i32
    %cond3A_1 = arith.cmpi ne, %convert_element_type3A, %cond3A : i32
    scf.if %cond3A_1 {
      %mul3A = arith.constant 640 : i32
      %mul3A_7 = arith.muli %arg1, %mul3A : i32
      %mul3A_8 = arith.constant 640 : i32
      %mul3A_9 = arith.muli %arg1, %mul3A_8 : i32
      "tpu.region"() ({
        %run_scoped3A = tpu.sem_alloc : memref<!tpu.dma_semaphore, #tpu.memory_space<semaphore_mem>>
        %dma_start3A_75 = arith.constant 0 : i32
        %dma_start3A_76 = tpu.memref_slice %arg11[%mul3A_9, %dma_start3A_75] : memref<10240x128xf32, #tpu.memory_space<vmem_shared>> -> memref<640x128xf32, #tpu.memory_space<vmem_shared>>
        %dma_start3A_77 = arith.constant 0 : i32
        %dma_start3A_78 = tpu.memref_slice %arg2[%mul3A_7, %dma_start3A_77] : memref<10240x128xf32, #tpu.memory_space<hbm>> -> memref<640x128xf32, #tpu.memory_space<hbm>>
        tpu.enqueue_dma source(%dma_start3A_78 : memref<640x128xf32, #tpu.memory_space<hbm>>) target(%dma_start3A_76 : memref<640x128xf32, #tpu.memory_space<vmem_shared>>) target_semaphore(%run_scoped3A : memref<!tpu.dma_semaphore, #tpu.memory_space<semaphore_mem>>)
        %dma_wait3A = arith.constant 0 : i32
        %dma_wait3A_79 = tpu.memref_slice %arg11[%mul3A_9, %dma_wait3A] : memref<10240x128xf32, #tpu.memory_space<vmem_shared>> -> memref<640x128xf32, #tpu.memory_space<vmem_shared>>
        %dma_wait3A_80 = arith.constant 0 : i32
        %dma_wait3A_81 = tpu.memref_slice %arg2[%mul3A_7, %dma_wait3A_80] : memref<10240x128xf32, #tpu.memory_space<hbm>> -> memref<640x128xf32, #tpu.memory_space<hbm>>
        tpu.wait_dma2 semaphore(%run_scoped3A : memref<!tpu.dma_semaphore, #tpu.memory_space<semaphore_mem>>) src(%dma_wait3A_81 : memref<640x128xf32, #tpu.memory_space<hbm>>) dst(%dma_wait3A_79 : memref<640x128xf32, #tpu.memory_space<vmem_shared>>)
        tpu.yield
      }) : () -> ()
      %barrier3A = arith.constant 0 : index
      tpu.barrier barrier_id(%barrier3A)
      "tpu.region"() ({
        %run_scoped3A = tpu.sem_alloc : memref<!tpu.dma_semaphore, #tpu.memory_space<semaphore_mem>>
        %dma_start3A_75 = arith.constant 0 : i32
        %dma_start3A_76 = arith.constant 0 : i32
        %dma_start3A_77 = tpu.memref_slice %arg4[%arg1, %dma_start3A_75, %dma_start3A_76] : memref<16x80x128xi32, #tpu.memory_space<hbm>> -> memref<1x40x128xi32, #tpu.memory_space<hbm>>
        %dma_start3A_78 = tpu.memref_squeeze %dma_start3A_77 : memref<1x40x128xi32, #tpu.memory_space<hbm>> -> memref<40x128xi32, #tpu.memory_space<hbm>>
        %dma_start3A_79 = arith.constant 0 : i32
        %dma_start3A_80 = arith.constant 0 : i32
        %dma_start3A_81 = tpu.memref_slice %arg4[%arg1, %dma_start3A_79, %dma_start3A_80] : memref<16x80x128xi32, #tpu.memory_space<hbm>> -> memref<1x40x128xi32, #tpu.memory_space<hbm>>
        %dma_start3A_82 = tpu.memref_squeeze %dma_start3A_81 : memref<1x40x128xi32, #tpu.memory_space<hbm>> -> memref<40x128xi32, #tpu.memory_space<hbm>>
        tpu.enqueue_dma source(%dma_start3A_82 : memref<40x128xi32, #tpu.memory_space<hbm>>) target(%arg8 : memref<40x128xi32, #tpu.memory_space<vmem>>) target_semaphore(%run_scoped3A : memref<!tpu.dma_semaphore, #tpu.memory_space<semaphore_mem>>)
        %dma_wait3A = arith.constant 0 : i32
        %dma_wait3A_83 = arith.constant 0 : i32
        %dma_wait3A_84 = tpu.memref_slice %arg4[%arg1, %dma_wait3A, %dma_wait3A_83] : memref<16x80x128xi32, #tpu.memory_space<hbm>> -> memref<1x40x128xi32, #tpu.memory_space<hbm>>
        %dma_wait3A_85 = tpu.memref_squeeze %dma_wait3A_84 : memref<1x40x128xi32, #tpu.memory_space<hbm>> -> memref<40x128xi32, #tpu.memory_space<hbm>>
        %dma_wait3A_86 = arith.constant 0 : i32
        %dma_wait3A_87 = arith.constant 0 : i32
        %dma_wait3A_88 = tpu.memref_slice %arg4[%arg1, %dma_wait3A_86, %dma_wait3A_87] : memref<16x80x128xi32, #tpu.memory_space<hbm>> -> memref<1x40x128xi32, #tpu.memory_space<hbm>>
        %dma_wait3A_89 = tpu.memref_squeeze %dma_wait3A_88 : memref<1x40x128xi32, #tpu.memory_space<hbm>> -> memref<40x128xi32, #tpu.memory_space<hbm>>
        tpu.wait_dma2 semaphore(%run_scoped3A : memref<!tpu.dma_semaphore, #tpu.memory_space<semaphore_mem>>) src(%dma_wait3A_89 : memref<40x128xi32, #tpu.memory_space<hbm>>) dst(%arg8 : memref<40x128xi32, #tpu.memory_space<vmem>>)
        tpu.yield
      }) : () -> ()
      "tpu.region"() ({
        %run_scoped3A = tpu.sem_alloc : memref<!tpu.dma_semaphore, #tpu.memory_space<semaphore_mem>>
        %dma_start3A_75 = arith.constant 0 : i32
        %dma_start3A_76 = arith.constant 0 : i32
        %dma_start3A_77 = tpu.memref_slice %arg5[%arg1, %dma_start3A_75, %dma_start3A_76] : memref<16x80x128xi32, #tpu.memory_space<hbm>> -> memref<1x40x128xi32, #tpu.memory_space<hbm>>
        %dma_start3A_78 = tpu.memref_squeeze %dma_start3A_77 : memref<1x40x128xi32, #tpu.memory_space<hbm>> -> memref<40x128xi32, #tpu.memory_space<hbm>>
        %dma_start3A_79 = arith.constant 0 : i32
        %dma_start3A_80 = arith.constant 0 : i32
        %dma_start3A_81 = tpu.memref_slice %arg5[%arg1, %dma_start3A_79, %dma_start3A_80] : memref<16x80x128xi32, #tpu.memory_space<hbm>> -> memref<1x40x128xi32, #tpu.memory_space<hbm>>
        %dma_start3A_82 = tpu.memref_squeeze %dma_start3A_81 : memref<1x40x128xi32, #tpu.memory_space<hbm>> -> memref<40x128xi32, #tpu.memory_space<hbm>>
        tpu.enqueue_dma source(%dma_start3A_82 : memref<40x128xi32, #tpu.memory_space<hbm>>) target(%arg9 : memref<40x128xi32, #tpu.memory_space<vmem>>) target_semaphore(%run_scoped3A : memref<!tpu.dma_semaphore, #tpu.memory_space<semaphore_mem>>)
        %dma_wait3A = arith.constant 0 : i32
        %dma_wait3A_83 = arith.constant 0 : i32
        %dma_wait3A_84 = tpu.memref_slice %arg5[%arg1, %dma_wait3A, %dma_wait3A_83] : memref<16x80x128xi32, #tpu.memory_space<hbm>> -> memref<1x40x128xi32, #tpu.memory_space<hbm>>
        %dma_wait3A_85 = tpu.memref_squeeze %dma_wait3A_84 : memref<1x40x128xi32, #tpu.memory_space<hbm>> -> memref<40x128xi32, #tpu.memory_space<hbm>>
        %dma_wait3A_86 = arith.constant 0 : i32
        %dma_wait3A_87 = arith.constant 0 : i32
        %dma_wait3A_88 = tpu.memref_slice %arg5[%arg1, %dma_wait3A_86, %dma_wait3A_87] : memref<16x80x128xi32, #tpu.memory_space<hbm>> -> memref<1x40x128xi32, #tpu.memory_space<hbm>>
        %dma_wait3A_89 = tpu.memref_squeeze %dma_wait3A_88 : memref<1x40x128xi32, #tpu.memory_space<hbm>> -> memref<40x128xi32, #tpu.memory_space<hbm>>
        tpu.wait_dma2 semaphore(%run_scoped3A : memref<!tpu.dma_semaphore, #tpu.memory_space<semaphore_mem>>) src(%dma_wait3A_89 : memref<40x128xi32, #tpu.memory_space<hbm>>) dst(%arg9 : memref<40x128xi32, #tpu.memory_space<vmem>>)
        tpu.yield
      }) : () -> ()
      %dma_start3A = arith.constant 0 : i32
      %dma_start3A_10 = arith.constant 0 : i32
      %dma_start3A_11 = arith.constant 0 : i32
      %dma_start3A_12 = arith.constant 0 : i32
      %dma_start3A_13 = tpu.memref_slice %arg10[%dma_start3A_10, %dma_start3A_11, %dma_start3A_12] : memref<2x128x128xf32, #tpu.memory_space<vmem>> -> memref<1x128x128xf32, #tpu.memory_space<vmem>>
      %dma_start3A_14 = tpu.memref_squeeze %dma_start3A_13 : memref<1x128x128xf32, #tpu.memory_space<vmem>> -> memref<128x128xf32, #tpu.memory_space<vmem>>
      %dma_start3A_15 = arith.constant 0 : i32
      %dma_start3A_16 = tpu.memref_slice %arg8[%dma_start3A, %dma_start3A_15] : memref<40x128xi32, #tpu.memory_space<vmem>> -> memref<1x128xi32, #tpu.memory_space<vmem>>
      %dma_start3A_17 = tpu.memref_squeeze %dma_start3A_16 : memref<1x128xi32, #tpu.memory_space<vmem>> -> memref<128xi32, #tpu.memory_space<vmem>>
      %dma_start3A_18 = arith.constant 0 : i32
      %dma_start3A_19 = arith.constant 0 : i32
      %dma_start3A_20 = tpu.memref_slice %arg2[%dma_start3A_18, %dma_start3A_19] : memref<10240x128xf32, #tpu.memory_space<hbm>> -> memref<10240x128xf32, #tpu.memory_space<hbm>>
      tpu.enqueue_indirect_dma source(%dma_start3A_20 : memref<10240x128xf32, #tpu.memory_space<hbm>>) target(%dma_start3A_14 : memref<128x128xf32, #tpu.memory_space<vmem>>) offsets(%dma_start3A_17 : memref<128xi32, #tpu.memory_space<vmem>>) semaphore(%arg12 : memref<!tpu.dma_semaphore, #tpu.memory_space<semaphore_mem>>)
      %dma_start3A_21 = arith.constant 1 : i32
      %dma_start3A_22 = arith.constant 1 : i32
      %dma_start3A_23 = arith.constant 0 : i32
      %dma_start3A_24 = arith.constant 0 : i32
      %dma_start3A_25 = tpu.memref_slice %arg10[%dma_start3A_22, %dma_start3A_23, %dma_start3A_24] : memref<2x128x128xf32, #tpu.memory_space<vmem>> -> memref<1x128x128xf32, #tpu.memory_space<vmem>>
      %dma_start3A_26 = tpu.memref_squeeze %dma_start3A_25 : memref<1x128x128xf32, #tpu.memory_space<vmem>> -> memref<128x128xf32, #tpu.memory_space<vmem>>
      %dma_start3A_27 = arith.constant 0 : i32
      %dma_start3A_28 = tpu.memref_slice %arg8[%dma_start3A_21, %dma_start3A_27] : memref<40x128xi32, #tpu.memory_space<vmem>> -> memref<1x128xi32, #tpu.memory_space<vmem>>
      %dma_start3A_29 = tpu.memref_squeeze %dma_start3A_28 : memref<1x128xi32, #tpu.memory_space<vmem>> -> memref<128xi32, #tpu.memory_space<vmem>>
      %dma_start3A_30 = arith.constant 0 : i32
      %dma_start3A_31 = arith.constant 0 : i32
      %dma_start3A_32 = tpu.memref_slice %arg2[%dma_start3A_30, %dma_start3A_31] : memref<10240x128xf32, #tpu.memory_space<hbm>> -> memref<10240x128xf32, #tpu.memory_space<hbm>>
      tpu.enqueue_indirect_dma source(%dma_start3A_32 : memref<10240x128xf32, #tpu.memory_space<hbm>>) target(%dma_start3A_26 : memref<128x128xf32, #tpu.memory_space<vmem>>) offsets(%dma_start3A_29 : memref<128xi32, #tpu.memory_space<vmem>>) semaphore(%arg13 : memref<!tpu.dma_semaphore, #tpu.memory_space<semaphore_mem>>)
      %scan3A = arith.constant 0 : i32
      %scan3A_33 = arith.constant 0 : i32
      %scan3A_34 = arith.constant 20 : i32
      %scan3A_35 = arith.addi %scan3A_33, %scan3A_34 : i32
      %scan3A_36 = arith.constant 1 : i32
      %scan3A_37 = scf.for %scan3A_75 = %scan3A_33 to %scan3A_35 step %scan3A_36 iter_args(%scan3A_76 = %scan3A) -> (i32)  : i32 {
        %mul3A_77 = arith.constant 2 : i32
        %mul3A_78 = arith.muli %scan3A_75, %mul3A_77 : i32
        %dma_wait3A = arith.constant 0 : i32
        %dma_wait3A_79 = arith.constant 0 : i32
        %dma_wait3A_80 = arith.constant 0 : i32
        %dma_wait3A_81 = tpu.memref_slice %arg10[%dma_wait3A, %dma_wait3A_79, %dma_wait3A_80] : memref<2x128x128xf32, #tpu.memory_space<vmem>> -> memref<1x128x128xf32, #tpu.memory_space<vmem>>
        %dma_wait3A_82 = tpu.memref_squeeze %dma_wait3A_81 : memref<1x128x128xf32, #tpu.memory_space<vmem>> -> memref<128x128xf32, #tpu.memory_space<vmem>>
        %dma_wait3A_83 = arith.constant 0 : i32
        %dma_wait3A_84 = arith.constant 0 : i32
        %dma_wait3A_85 = tpu.memref_slice %arg2[%dma_wait3A_83, %dma_wait3A_84] : memref<10240x128xf32, #tpu.memory_space<hbm>> -> memref<128x128xf32, #tpu.memory_space<hbm>>
        %dma_wait3A_86 = arith.constant 0 : i32
        %dma_wait3A_87 = arith.constant 0 : i32
        %dma_wait3A_88 = tpu.memref_slice %arg10[%dma_wait3A, %dma_wait3A_86, %dma_wait3A_87] : memref<2x128x128xf32, #tpu.memory_space<vmem>> -> memref<1x128x128xf32, #tpu.memory_space<vmem>>
        %dma_wait3A_89 = tpu.memref_squeeze %dma_wait3A_88 : memref<1x128x128xf32, #tpu.memory_space<vmem>> -> memref<128x128xf32, #tpu.memory_space<vmem>>
        %dma_wait3A_90 = arith.constant 0 : i32
        %dma_wait3A_91 = arith.constant 0 : i32
        %dma_wait3A_92 = tpu.memref_slice %arg2[%dma_wait3A_90, %dma_wait3A_91] : memref<10240x128xf32, #tpu.memory_space<hbm>> -> memref<128x128xf32, #tpu.memory_space<hbm>>
        tpu.wait_dma2 semaphore(%arg12 : memref<!tpu.dma_semaphore, #tpu.memory_space<semaphore_mem>>) src(%dma_wait3A_92 : memref<128x128xf32, #tpu.memory_space<hbm>>) dst(%dma_wait3A_89 : memref<128x128xf32, #tpu.memory_space<vmem>>)
        %add3A = arith.constant 0 : i32
        %add3A_93 = arith.addi %mul3A_78, %add3A : i32
        %run_scoped3A = arith.constant 0 : i32
        "tpu.region"() ({
          %run_scoped3A_130 = tpu.sem_alloc : memref<!tpu.dma_semaphore, #tpu.memory_space<semaphore_mem>>
          %dma_start3A_131 = arith.constant 0 : i32
          %dma_start3A_132 = arith.constant 0 : i32
          %dma_start3A_133 = tpu.memref_slice %arg10[%run_scoped3A, %dma_start3A_131, %dma_start3A_132] : memref<2x128x128xf32, #tpu.memory_space<vmem>> -> memref<1x128x128xf32, #tpu.memory_space<vmem>>
          %dma_start3A_134 = tpu.memref_squeeze %dma_start3A_133 : memref<1x128x128xf32, #tpu.memory_space<vmem>> -> memref<128x128xf32, #tpu.memory_space<vmem>>
          %dma_start3A_135 = arith.constant 0 : i32
          %dma_start3A_136 = tpu.memref_slice %arg9[%add3A_93, %dma_start3A_135] : memref<40x128xi32, #tpu.memory_space<vmem>> -> memref<1x128xi32, #tpu.memory_space<vmem>>
          %dma_start3A_137 = tpu.memref_squeeze %dma_start3A_136 : memref<1x128xi32, #tpu.memory_space<vmem>> -> memref<128xi32, #tpu.memory_space<vmem>>
          %dma_start3A_138 = arith.constant 0 : i32
          %dma_start3A_139 = arith.constant 0 : i32
          %dma_start3A_140 = tpu.memref_slice %arg11[%dma_start3A_138, %dma_start3A_139] : memref<10240x128xf32, #tpu.memory_space<vmem_shared>> -> memref<10240x128xf32, #tpu.memory_space<vmem_shared>>
          tpu.enqueue_indirect_dma source(%dma_start3A_134 : memref<128x128xf32, #tpu.memory_space<vmem>>) target(%dma_start3A_140 : memref<10240x128xf32, #tpu.memory_space<vmem_shared>>) offsets(%dma_start3A_137 : memref<128xi32, #tpu.memory_space<vmem>>) semaphore(%run_scoped3A_130 : memref<!tpu.dma_semaphore, #tpu.memory_space<semaphore_mem>>) {add = true}
          %dma_wait3A_141 = arith.constant 0 : i32
          %dma_wait3A_142 = arith.constant 0 : i32
          %dma_wait3A_143 = tpu.memref_slice %arg10[%run_scoped3A, %dma_wait3A_141, %dma_wait3A_142] : memref<2x128x128xf32, #tpu.memory_space<vmem>> -> memref<1x128x128xf32, #tpu.memory_space<vmem>>
          %dma_wait3A_144 = tpu.memref_squeeze %dma_wait3A_143 : memref<1x128x128xf32, #tpu.memory_space<vmem>> -> memref<128x128xf32, #tpu.memory_space<vmem>>
          %dma_wait3A_145 = arith.constant 0 : i32
          %dma_wait3A_146 = tpu.memref_slice %arg9[%add3A_93, %dma_wait3A_145] : memref<40x128xi32, #tpu.memory_space<vmem>> -> memref<1x128xi32, #tpu.memory_space<vmem>>
          %dma_wait3A_147 = tpu.memref_squeeze %dma_wait3A_146 : memref<1x128xi32, #tpu.memory_space<vmem>> -> memref<128xi32, #tpu.memory_space<vmem>>
          %dma_wait3A_148 = arith.constant 0 : i32
          %dma_wait3A_149 = arith.constant 0 : i32
          %dma_wait3A_150 = tpu.memref_slice %arg11[%dma_wait3A_148, %dma_wait3A_149] : memref<10240x128xf32, #tpu.memory_space<vmem_shared>> -> memref<10240x128xf32, #tpu.memory_space<vmem_shared>>
          tpu.wait_indirect_dma semaphore(%run_scoped3A_130 : memref<!tpu.dma_semaphore, #tpu.memory_space<semaphore_mem>>) src(%dma_wait3A_144 : memref<128x128xf32, #tpu.memory_space<vmem>>) dst(%dma_wait3A_150 : memref<10240x128xf32, #tpu.memory_space<vmem_shared>>)
          tpu.yield
        }) : () -> ()
        %add3A_94 = arith.constant 0 : i32
        %add3A_95 = arith.addi %mul3A_78, %add3A_94 : i32
        %add3A_96 = arith.constant 2 : i32
        %add3A_97 = arith.addi %add3A_95, %add3A_96 : i32
        %lt3A = arith.constant 40 : i32
        %lt3A_98 = arith.cmpi slt, %add3A_97, %lt3A : i32
        %convert_element_type3A_99 = arith.extui %lt3A_98 : i1 to i32
        %cond3A_100 = arith.constant 0 : i32
        %cond3A_101 = arith.cmpi ne, %convert_element_type3A_99, %cond3A_100 : i32
        scf.if %cond3A_101 {
          %add3A_130 = arith.constant 0 : i32
          %add3A_131 = arith.addi %mul3A_78, %add3A_130 : i32
          %add3A_132 = arith.constant 2 : i32
          %add3A_133 = arith.addi %add3A_131, %add3A_132 : i32
          %dma_start3A_134 = arith.constant 0 : i32
          %dma_start3A_135 = arith.constant 0 : i32
          %dma_start3A_136 = arith.constant 0 : i32
          %dma_start3A_137 = tpu.memref_slice %arg10[%dma_start3A_134, %dma_start3A_135, %dma_start3A_136] : memref<2x128x128xf32, #tpu.memory_space<vmem>> -> memref<1x128x128xf32, #tpu.memory_space<vmem>>
          %dma_start3A_138 = tpu.memref_squeeze %dma_start3A_137 : memref<1x128x128xf32, #tpu.memory_space<vmem>> -> memref<128x128xf32, #tpu.memory_space<vmem>>
          %dma_start3A_139 = arith.constant 0 : i32
          %dma_start3A_140 = tpu.memref_slice %arg8[%add3A_133, %dma_start3A_139] : memref<40x128xi32, #tpu.memory_space<vmem>> -> memref<1x128xi32, #tpu.memory_space<vmem>>
          %dma_start3A_141 = tpu.memref_squeeze %dma_start3A_140 : memref<1x128xi32, #tpu.memory_space<vmem>> -> memref<128xi32, #tpu.memory_space<vmem>>
          %dma_start3A_142 = arith.constant 0 : i32
          %dma_start3A_143 = arith.constant 0 : i32
          %dma_start3A_144 = tpu.memref_slice %arg2[%dma_start3A_142, %dma_start3A_143] : memref<10240x128xf32, #tpu.memory_space<hbm>> -> memref<10240x128xf32, #tpu.memory_space<hbm>>
          tpu.enqueue_indirect_dma source(%dma_start3A_144 : memref<10240x128xf32, #tpu.memory_space<hbm>>) target(%dma_start3A_138 : memref<128x128xf32, #tpu.memory_space<vmem>>) offsets(%dma_start3A_141 : memref<128xi32, #tpu.memory_space<vmem>>) semaphore(%arg12 : memref<!tpu.dma_semaphore, #tpu.memory_space<semaphore_mem>>)
        } else {
        }
        %dma_wait3A_102 = arith.constant 1 : i32
        %dma_wait3A_103 = arith.constant 0 : i32
        %dma_wait3A_104 = arith.constant 0 : i32
        %dma_wait3A_105 = tpu.memref_slice %arg10[%dma_wait3A_102, %dma_wait3A_103, %dma_wait3A_104] : memref<2x128x128xf32, #tpu.memory_space<vmem>> -> memref<1x128x128xf32, #tpu.memory_space<vmem>>
        %dma_wait3A_106 = tpu.memref_squeeze %dma_wait3A_105 : memref<1x128x128xf32, #tpu.memory_space<vmem>> -> memref<128x128xf32, #tpu.memory_space<vmem>>
        %dma_wait3A_107 = arith.constant 0 : i32
        %dma_wait3A_108 = arith.constant 0 : i32
        %dma_wait3A_109 = tpu.memref_slice %arg2[%dma_wait3A_107, %dma_wait3A_108] : memref<10240x128xf32, #tpu.memory_space<hbm>> -> memref<128x128xf32, #tpu.memory_space<hbm>>
        %dma_wait3A_110 = arith.constant 0 : i32
        %dma_wait3A_111 = arith.constant 0 : i32
        %dma_wait3A_112 = tpu.memref_slice %arg10[%dma_wait3A_102, %dma_wait3A_110, %dma_wait3A_111] : memref<2x128x128xf32, #tpu.memory_space<vmem>> -> memref<1x128x128xf32, #tpu.memory_space<vmem>>
        %dma_wait3A_113 = tpu.memref_squeeze %dma_wait3A_112 : memref<1x128x128xf32, #tpu.memory_space<vmem>> -> memref<128x128xf32, #tpu.memory_space<vmem>>
        %dma_wait3A_114 = arith.constant 0 : i32
        %dma_wait3A_115 = arith.constant 0 : i32
        %dma_wait3A_116 = tpu.memref_slice %arg2[%dma_wait3A_114, %dma_wait3A_115] : memref<10240x128xf32, #tpu.memory_space<hbm>> -> memref<128x128xf32, #tpu.memory_space<hbm>>
        tpu.wait_dma2 semaphore(%arg13 : memref<!tpu.dma_semaphore, #tpu.memory_space<semaphore_mem>>) src(%dma_wait3A_116 : memref<128x128xf32, #tpu.memory_space<hbm>>) dst(%dma_wait3A_113 : memref<128x128xf32, #tpu.memory_space<vmem>>)
        %add3A_117 = arith.constant 1 : i32
        %add3A_118 = arith.addi %mul3A_78, %add3A_117 : i32
        %run_scoped3A_119 = arith.constant 1 : i32
        "tpu.region"() ({
          %run_scoped3A_130 = tpu.sem_alloc : memref<!tpu.dma_semaphore, #tpu.memory_space<semaphore_mem>>
          %dma_start3A_131 = arith.constant 0 : i32
          %dma_start3A_132 = arith.constant 0 : i32
          %dma_start3A_133 = tpu.memref_slice %arg10[%run_scoped3A_119, %dma_start3A_131, %dma_start3A_132] : memref<2x128x128xf32, #tpu.memory_space<vmem>> -> memref<1x128x128xf32, #tpu.memory_space<vmem>>
          %dma_start3A_134 = tpu.memref_squeeze %dma_start3A_133 : memref<1x128x128xf32, #tpu.memory_space<vmem>> -> memref<128x128xf32, #tpu.memory_space<vmem>>
          %dma_start3A_135 = arith.constant 0 : i32
          %dma_start3A_136 = tpu.memref_slice %arg9[%add3A_118, %dma_start3A_135] : memref<40x128xi32, #tpu.memory_space<vmem>> -> memref<1x128xi32, #tpu.memory_space<vmem>>
          %dma_start3A_137 = tpu.memref_squeeze %dma_start3A_136 : memref<1x128xi32, #tpu.memory_space<vmem>> -> memref<128xi32, #tpu.memory_space<vmem>>
          %dma_start3A_138 = arith.constant 0 : i32
          %dma_start3A_139 = arith.constant 0 : i32
          %dma_start3A_140 = tpu.memref_slice %arg11[%dma_start3A_138, %dma_start3A_139] : memref<10240x128xf32, #tpu.memory_space<vmem_shared>> -> memref<10240x128xf32, #tpu.memory_space<vmem_shared>>
          tpu.enqueue_indirect_dma source(%dma_start3A_134 : memref<128x128xf32, #tpu.memory_space<vmem>>) target(%dma_start3A_140 : memref<10240x128xf32, #tpu.memory_space<vmem_shared>>) offsets(%dma_start3A_137 : memref<128xi32, #tpu.memory_space<vmem>>) semaphore(%run_scoped3A_130 : memref<!tpu.dma_semaphore, #tpu.memory_space<semaphore_mem>>) {add = true}
          %dma_wait3A_141 = arith.constant 0 : i32
          %dma_wait3A_142 = arith.constant 0 : i32
          %dma_wait3A_143 = tpu.memref_slice %arg10[%run_scoped3A_119, %dma_wait3A_141, %dma_wait3A_142] : memref<2x128x128xf32, #tpu.memory_space<vmem>> -> memref<1x128x128xf32, #tpu.memory_space<vmem>>
          %dma_wait3A_144 = tpu.memref_squeeze %dma_wait3A_143 : memref<1x128x128xf32, #tpu.memory_space<vmem>> -> memref<128x128xf32, #tpu.memory_space<vmem>>
          %dma_wait3A_145 = arith.constant 0 : i32
          %dma_wait3A_146 = tpu.memref_slice %arg9[%add3A_118, %dma_wait3A_145] : memref<40x128xi32, #tpu.memory_space<vmem>> -> memref<1x128xi32, #tpu.memory_space<vmem>>
          %dma_wait3A_147 = tpu.memref_squeeze %dma_wait3A_146 : memref<1x128xi32, #tpu.memory_space<vmem>> -> memref<128xi32, #tpu.memory_space<vmem>>
          %dma_wait3A_148 = arith.constant 0 : i32
          %dma_wait3A_149 = arith.constant 0 : i32
          %dma_wait3A_150 = tpu.memref_slice %arg11[%dma_wait3A_148, %dma_wait3A_149] : memref<10240x128xf32, #tpu.memory_space<vmem_shared>> -> memref<10240x128xf32, #tpu.memory_space<vmem_shared>>
          tpu.wait_indirect_dma semaphore(%run_scoped3A_130 : memref<!tpu.dma_semaphore, #tpu.memory_space<semaphore_mem>>) src(%dma_wait3A_144 : memref<128x128xf32, #tpu.memory_space<vmem>>) dst(%dma_wait3A_150 : memref<10240x128xf32, #tpu.memory_space<vmem_shared>>)
          tpu.yield
        }) : () -> ()
        %add3A_120 = arith.constant 1 : i32
        %add3A_121 = arith.addi %mul3A_78, %add3A_120 : i32
        %add3A_122 = arith.constant 2 : i32
        %add3A_123 = arith.addi %add3A_121, %add3A_122 : i32
        %lt3A_124 = arith.constant 40 : i32
        %lt3A_125 = arith.cmpi slt, %add3A_123, %lt3A_124 : i32
        %convert_element_type3A_126 = arith.extui %lt3A_125 : i1 to i32
        %cond3A_127 = arith.constant 0 : i32
        %cond3A_128 = arith.cmpi ne, %convert_element_type3A_126, %cond3A_127 : i32
        scf.if %cond3A_128 {
          %add3A_130 = arith.constant 1 : i32
          %add3A_131 = arith.addi %mul3A_78, %add3A_130 : i32
          %add3A_132 = arith.constant 2 : i32
          %add3A_133 = arith.addi %add3A_131, %add3A_132 : i32
          %dma_start3A_134 = arith.constant 1 : i32
          %dma_start3A_135 = arith.constant 0 : i32
          %dma_start3A_136 = arith.constant 0 : i32
          %dma_start3A_137 = tpu.memref_slice %arg10[%dma_start3A_134, %dma_start3A_135, %dma_start3A_136] : memref<2x128x128xf32, #tpu.memory_space<vmem>> -> memref<1x128x128xf32, #tpu.memory_space<vmem>>
          %dma_start3A_138 = tpu.memref_squeeze %dma_start3A_137 : memref<1x128x128xf32, #tpu.memory_space<vmem>> -> memref<128x128xf32, #tpu.memory_space<vmem>>
          %dma_start3A_139 = arith.constant 0 : i32
          %dma_start3A_140 = tpu.memref_slice %arg8[%add3A_133, %dma_start3A_139] : memref<40x128xi32, #tpu.memory_space<vmem>> -> memref<1x128xi32, #tpu.memory_space<vmem>>
          %dma_start3A_141 = tpu.memref_squeeze %dma_start3A_140 : memref<1x128xi32, #tpu.memory_space<vmem>> -> memref<128xi32, #tpu.memory_space<vmem>>
          %dma_start3A_142 = arith.constant 0 : i32
          %dma_start3A_143 = arith.constant 0 : i32
          %dma_start3A_144 = tpu.memref_slice %arg2[%dma_start3A_142, %dma_start3A_143] : memref<10240x128xf32, #tpu.memory_space<hbm>> -> memref<10240x128xf32, #tpu.memory_space<hbm>>
          tpu.enqueue_indirect_dma source(%dma_start3A_144 : memref<10240x128xf32, #tpu.memory_space<hbm>>) target(%dma_start3A_138 : memref<128x128xf32, #tpu.memory_space<vmem>>) offsets(%dma_start3A_141 : memref<128xi32, #tpu.memory_space<vmem>>) semaphore(%arg13 : memref<!tpu.dma_semaphore, #tpu.memory_space<semaphore_mem>>)
        } else {
        }
        %scan3A_129 = arith.constant 0 : i32
        scf.yield %scan3A_129 : i32
      }
      %scan3A_38 = arith.constant 20 : i32
      "tpu.region"() ({
        %run_scoped3A = tpu.sem_alloc : memref<!tpu.dma_semaphore, #tpu.memory_space<semaphore_mem>>
        %dma_start3A_75 = arith.constant 40 : i32
        %dma_start3A_76 = arith.constant 0 : i32
        %dma_start3A_77 = tpu.memref_slice %arg4[%arg1, %dma_start3A_75, %dma_start3A_76] : memref<16x80x128xi32, #tpu.memory_space<hbm>> -> memref<1x40x128xi32, #tpu.memory_space<hbm>>
        %dma_start3A_78 = tpu.memref_squeeze %dma_start3A_77 : memref<1x40x128xi32, #tpu.memory_space<hbm>> -> memref<40x128xi32, #tpu.memory_space<hbm>>
        %dma_start3A_79 = arith.constant 40 : i32
        %dma_start3A_80 = arith.constant 0 : i32
        %dma_start3A_81 = tpu.memref_slice %arg4[%arg1, %dma_start3A_79, %dma_start3A_80] : memref<16x80x128xi32, #tpu.memory_space<hbm>> -> memref<1x40x128xi32, #tpu.memory_space<hbm>>
        %dma_start3A_82 = tpu.memref_squeeze %dma_start3A_81 : memref<1x40x128xi32, #tpu.memory_space<hbm>> -> memref<40x128xi32, #tpu.memory_space<hbm>>
        tpu.enqueue_dma source(%dma_start3A_82 : memref<40x128xi32, #tpu.memory_space<hbm>>) target(%arg8 : memref<40x128xi32, #tpu.memory_space<vmem>>) target_semaphore(%run_scoped3A : memref<!tpu.dma_semaphore, #tpu.memory_space<semaphore_mem>>)
        %dma_wait3A = arith.constant 40 : i32
        %dma_wait3A_83 = arith.constant 0 : i32
        %dma_wait3A_84 = tpu.memref_slice %arg4[%arg1, %dma_wait3A, %dma_wait3A_83] : memref<16x80x128xi32, #tpu.memory_space<hbm>> -> memref<1x40x128xi32, #tpu.memory_space<hbm>>
        %dma_wait3A_85 = tpu.memref_squeeze %dma_wait3A_84 : memref<1x40x128xi32, #tpu.memory_space<hbm>> -> memref<40x128xi32, #tpu.memory_space<hbm>>
        %dma_wait3A_86 = arith.constant 40 : i32
        %dma_wait3A_87 = arith.constant 0 : i32
        %dma_wait3A_88 = tpu.memref_slice %arg4[%arg1, %dma_wait3A_86, %dma_wait3A_87] : memref<16x80x128xi32, #tpu.memory_space<hbm>> -> memref<1x40x128xi32, #tpu.memory_space<hbm>>
        %dma_wait3A_89 = tpu.memref_squeeze %dma_wait3A_88 : memref<1x40x128xi32, #tpu.memory_space<hbm>> -> memref<40x128xi32, #tpu.memory_space<hbm>>
        tpu.wait_dma2 semaphore(%run_scoped3A : memref<!tpu.dma_semaphore, #tpu.memory_space<semaphore_mem>>) src(%dma_wait3A_89 : memref<40x128xi32, #tpu.memory_space<hbm>>) dst(%arg8 : memref<40x128xi32, #tpu.memory_space<vmem>>)
        tpu.yield
      }) : () -> ()
      "tpu.region"() ({
        %run_scoped3A = tpu.sem_alloc : memref<!tpu.dma_semaphore, #tpu.memory_space<semaphore_mem>>
        %dma_start3A_75 = arith.constant 40 : i32
        %dma_start3A_76 = arith.constant 0 : i32
        %dma_start3A_77 = tpu.memref_slice %arg5[%arg1, %dma_start3A_75, %dma_start3A_76] : memref<16x80x128xi32, #tpu.memory_space<hbm>> -> memref<1x40x128xi32, #tpu.memory_space<hbm>>
        %dma_start3A_78 = tpu.memref_squeeze %dma_start3A_77 : memref<1x40x128xi32, #tpu.memory_space<hbm>> -> memref<40x128xi32, #tpu.memory_space<hbm>>
        %dma_start3A_79 = arith.constant 40 : i32
        %dma_start3A_80 = arith.constant 0 : i32
        %dma_start3A_81 = tpu.memref_slice %arg5[%arg1, %dma_start3A_79, %dma_start3A_80] : memref<16x80x128xi32, #tpu.memory_space<hbm>> -> memref<1x40x128xi32, #tpu.memory_space<hbm>>
        %dma_start3A_82 = tpu.memref_squeeze %dma_start3A_81 : memref<1x40x128xi32, #tpu.memory_space<hbm>> -> memref<40x128xi32, #tpu.memory_space<hbm>>
        tpu.enqueue_dma source(%dma_start3A_82 : memref<40x128xi32, #tpu.memory_space<hbm>>) target(%arg9 : memref<40x128xi32, #tpu.memory_space<vmem>>) target_semaphore(%run_scoped3A : memref<!tpu.dma_semaphore, #tpu.memory_space<semaphore_mem>>)
        %dma_wait3A = arith.constant 40 : i32
        %dma_wait3A_83 = arith.constant 0 : i32
        %dma_wait3A_84 = tpu.memref_slice %arg5[%arg1, %dma_wait3A, %dma_wait3A_83] : memref<16x80x128xi32, #tpu.memory_space<hbm>> -> memref<1x40x128xi32, #tpu.memory_space<hbm>>
        %dma_wait3A_85 = tpu.memref_squeeze %dma_wait3A_84 : memref<1x40x128xi32, #tpu.memory_space<hbm>> -> memref<40x128xi32, #tpu.memory_space<hbm>>
        %dma_wait3A_86 = arith.constant 40 : i32
        %dma_wait3A_87 = arith.constant 0 : i32
        %dma_wait3A_88 = tpu.memref_slice %arg5[%arg1, %dma_wait3A_86, %dma_wait3A_87] : memref<16x80x128xi32, #tpu.memory_space<hbm>> -> memref<1x40x128xi32, #tpu.memory_space<hbm>>
        %dma_wait3A_89 = tpu.memref_squeeze %dma_wait3A_88 : memref<1x40x128xi32, #tpu.memory_space<hbm>> -> memref<40x128xi32, #tpu.memory_space<hbm>>
        tpu.wait_dma2 semaphore(%run_scoped3A : memref<!tpu.dma_semaphore, #tpu.memory_space<semaphore_mem>>) src(%dma_wait3A_89 : memref<40x128xi32, #tpu.memory_space<hbm>>) dst(%arg9 : memref<40x128xi32, #tpu.memory_space<vmem>>)
        tpu.yield
      }) : () -> ()
      %dma_start3A_39 = arith.constant 0 : i32
      %dma_start3A_40 = arith.constant 0 : i32
      %dma_start3A_41 = arith.constant 0 : i32
      %dma_start3A_42 = arith.constant 0 : i32
      %dma_start3A_43 = tpu.memref_slice %arg10[%dma_start3A_40, %dma_start3A_41, %dma_start3A_42] : memref<2x128x128xf32, #tpu.memory_space<vmem>> -> memref<1x128x128xf32, #tpu.memory_space<vmem>>
      %dma_start3A_44 = tpu.memref_squeeze %dma_start3A_43 : memref<1x128x128xf32, #tpu.memory_space<vmem>> -> memref<128x128xf32, #tpu.memory_space<vmem>>
      %dma_start3A_45 = arith.constant 0 : i32
      %dma_start3A_46 = tpu.memref_slice %arg8[%dma_start3A_39, %dma_start3A_45] : memref<40x128xi32, #tpu.memory_space<vmem>> -> memref<1x128xi32, #tpu.memory_space<vmem>>
      %dma_start3A_47 = tpu.memref_squeeze %dma_start3A_46 : memref<1x128xi32, #tpu.memory_space<vmem>> -> memref<128xi32, #tpu.memory_space<vmem>>
      %dma_start3A_48 = arith.constant 0 : i32
      %dma_start3A_49 = arith.constant 0 : i32
      %dma_start3A_50 = tpu.memref_slice %arg2[%dma_start3A_48, %dma_start3A_49] : memref<10240x128xf32, #tpu.memory_space<hbm>> -> memref<10240x128xf32, #tpu.memory_space<hbm>>
      tpu.enqueue_indirect_dma source(%dma_start3A_50 : memref<10240x128xf32, #tpu.memory_space<hbm>>) target(%dma_start3A_44 : memref<128x128xf32, #tpu.memory_space<vmem>>) offsets(%dma_start3A_47 : memref<128xi32, #tpu.memory_space<vmem>>) semaphore(%arg12 : memref<!tpu.dma_semaphore, #tpu.memory_space<semaphore_mem>>)
      %dma_start3A_51 = arith.constant 1 : i32
      %dma_start3A_52 = arith.constant 1 : i32
      %dma_start3A_53 = arith.constant 0 : i32
      %dma_start3A_54 = arith.constant 0 : i32
      %dma_start3A_55 = tpu.memref_slice %arg10[%dma_start3A_52, %dma_start3A_53, %dma_start3A_54] : memref<2x128x128xf32, #tpu.memory_space<vmem>> -> memref<1x128x128xf32, #tpu.memory_space<vmem>>
      %dma_start3A_56 = tpu.memref_squeeze %dma_start3A_55 : memref<1x128x128xf32, #tpu.memory_space<vmem>> -> memref<128x128xf32, #tpu.memory_space<vmem>>
      %dma_start3A_57 = arith.constant 0 : i32
      %dma_start3A_58 = tpu.memref_slice %arg8[%dma_start3A_51, %dma_start3A_57] : memref<40x128xi32, #tpu.memory_space<vmem>> -> memref<1x128xi32, #tpu.memory_space<vmem>>
      %dma_start3A_59 = tpu.memref_squeeze %dma_start3A_58 : memref<1x128xi32, #tpu.memory_space<vmem>> -> memref<128xi32, #tpu.memory_space<vmem>>
      %dma_start3A_60 = arith.constant 0 : i32
      %dma_start3A_61 = arith.constant 0 : i32
      %dma_start3A_62 = tpu.memref_slice %arg2[%dma_start3A_60, %dma_start3A_61] : memref<10240x128xf32, #tpu.memory_space<hbm>> -> memref<10240x128xf32, #tpu.memory_space<hbm>>
      tpu.enqueue_indirect_dma source(%dma_start3A_62 : memref<10240x128xf32, #tpu.memory_space<hbm>>) target(%dma_start3A_56 : memref<128x128xf32, #tpu.memory_space<vmem>>) offsets(%dma_start3A_59 : memref<128xi32, #tpu.memory_space<vmem>>) semaphore(%arg13 : memref<!tpu.dma_semaphore, #tpu.memory_space<semaphore_mem>>)
      %scan3A_63 = arith.constant 0 : i32
      %scan3A_64 = arith.constant 0 : i32
      %scan3A_65 = arith.constant 20 : i32
      %scan3A_66 = arith.addi %scan3A_64, %scan3A_65 : i32
      %scan3A_67 = arith.constant 1 : i32
      %scan3A_68 = scf.for %scan3A_75 = %scan3A_64 to %scan3A_66 step %scan3A_67 iter_args(%scan3A_76 = %scan3A_63) -> (i32)  : i32 {
        %mul3A_77 = arith.constant 2 : i32
        %mul3A_78 = arith.muli %scan3A_75, %mul3A_77 : i32
        %dma_wait3A = arith.constant 0 : i32
        %dma_wait3A_79 = arith.constant 0 : i32
        %dma_wait3A_80 = arith.constant 0 : i32
        %dma_wait3A_81 = tpu.memref_slice %arg10[%dma_wait3A, %dma_wait3A_79, %dma_wait3A_80] : memref<2x128x128xf32, #tpu.memory_space<vmem>> -> memref<1x128x128xf32, #tpu.memory_space<vmem>>
        %dma_wait3A_82 = tpu.memref_squeeze %dma_wait3A_81 : memref<1x128x128xf32, #tpu.memory_space<vmem>> -> memref<128x128xf32, #tpu.memory_space<vmem>>
        %dma_wait3A_83 = arith.constant 0 : i32
        %dma_wait3A_84 = arith.constant 0 : i32
        %dma_wait3A_85 = tpu.memref_slice %arg2[%dma_wait3A_83, %dma_wait3A_84] : memref<10240x128xf32, #tpu.memory_space<hbm>> -> memref<128x128xf32, #tpu.memory_space<hbm>>
        %dma_wait3A_86 = arith.constant 0 : i32
        %dma_wait3A_87 = arith.constant 0 : i32
        %dma_wait3A_88 = tpu.memref_slice %arg10[%dma_wait3A, %dma_wait3A_86, %dma_wait3A_87] : memref<2x128x128xf32, #tpu.memory_space<vmem>> -> memref<1x128x128xf32, #tpu.memory_space<vmem>>
        %dma_wait3A_89 = tpu.memref_squeeze %dma_wait3A_88 : memref<1x128x128xf32, #tpu.memory_space<vmem>> -> memref<128x128xf32, #tpu.memory_space<vmem>>
        %dma_wait3A_90 = arith.constant 0 : i32
        %dma_wait3A_91 = arith.constant 0 : i32
        %dma_wait3A_92 = tpu.memref_slice %arg2[%dma_wait3A_90, %dma_wait3A_91] : memref<10240x128xf32, #tpu.memory_space<hbm>> -> memref<128x128xf32, #tpu.memory_space<hbm>>
        tpu.wait_dma2 semaphore(%arg12 : memref<!tpu.dma_semaphore, #tpu.memory_space<semaphore_mem>>) src(%dma_wait3A_92 : memref<128x128xf32, #tpu.memory_space<hbm>>) dst(%dma_wait3A_89 : memref<128x128xf32, #tpu.memory_space<vmem>>)
        %add3A = arith.constant 0 : i32
        %add3A_93 = arith.addi %mul3A_78, %add3A : i32
        %run_scoped3A = arith.constant 0 : i32
        "tpu.region"() ({
          %run_scoped3A_130 = tpu.sem_alloc : memref<!tpu.dma_semaphore, #tpu.memory_space<semaphore_mem>>
          %dma_start3A_131 = arith.constant 0 : i32
          %dma_start3A_132 = arith.constant 0 : i32
          %dma_start3A_133 = tpu.memref_slice %arg10[%run_scoped3A, %dma_start3A_131, %dma_start3A_132] : memref<2x128x128xf32, #tpu.memory_space<vmem>> -> memref<1x128x128xf32, #tpu.memory_space<vmem>>
          %dma_start3A_134 = tpu.memref_squeeze %dma_start3A_133 : memref<1x128x128xf32, #tpu.memory_space<vmem>> -> memref<128x128xf32, #tpu.memory_space<vmem>>
          %dma_start3A_135 = arith.constant 0 : i32
          %dma_start3A_136 = tpu.memref_slice %arg9[%add3A_93, %dma_start3A_135] : memref<40x128xi32, #tpu.memory_space<vmem>> -> memref<1x128xi32, #tpu.memory_space<vmem>>
          %dma_start3A_137 = tpu.memref_squeeze %dma_start3A_136 : memref<1x128xi32, #tpu.memory_space<vmem>> -> memref<128xi32, #tpu.memory_space<vmem>>
          %dma_start3A_138 = arith.constant 0 : i32
          %dma_start3A_139 = arith.constant 0 : i32
          %dma_start3A_140 = tpu.memref_slice %arg11[%dma_start3A_138, %dma_start3A_139] : memref<10240x128xf32, #tpu.memory_space<vmem_shared>> -> memref<10240x128xf32, #tpu.memory_space<vmem_shared>>
          tpu.enqueue_indirect_dma source(%dma_start3A_134 : memref<128x128xf32, #tpu.memory_space<vmem>>) target(%dma_start3A_140 : memref<10240x128xf32, #tpu.memory_space<vmem_shared>>) offsets(%dma_start3A_137 : memref<128xi32, #tpu.memory_space<vmem>>) semaphore(%run_scoped3A_130 : memref<!tpu.dma_semaphore, #tpu.memory_space<semaphore_mem>>) {add = true}
          %dma_wait3A_141 = arith.constant 0 : i32
          %dma_wait3A_142 = arith.constant 0 : i32
          %dma_wait3A_143 = tpu.memref_slice %arg10[%run_scoped3A, %dma_wait3A_141, %dma_wait3A_142] : memref<2x128x128xf32, #tpu.memory_space<vmem>> -> memref<1x128x128xf32, #tpu.memory_space<vmem>>
          %dma_wait3A_144 = tpu.memref_squeeze %dma_wait3A_143 : memref<1x128x128xf32, #tpu.memory_space<vmem>> -> memref<128x128xf32, #tpu.memory_space<vmem>>
          %dma_wait3A_145 = arith.constant 0 : i32
          %dma_wait3A_146 = tpu.memref_slice %arg9[%add3A_93, %dma_wait3A_145] : memref<40x128xi32, #tpu.memory_space<vmem>> -> memref<1x128xi32, #tpu.memory_space<vmem>>
          %dma_wait3A_147 = tpu.memref_squeeze %dma_wait3A_146 : memref<1x128xi32, #tpu.memory_space<vmem>> -> memref<128xi32, #tpu.memory_space<vmem>>
          %dma_wait3A_148 = arith.constant 0 : i32
          %dma_wait3A_149 = arith.constant 0 : i32
          %dma_wait3A_150 = tpu.memref_slice %arg11[%dma_wait3A_148, %dma_wait3A_149] : memref<10240x128xf32, #tpu.memory_space<vmem_shared>> -> memref<10240x128xf32, #tpu.memory_space<vmem_shared>>
          tpu.wait_indirect_dma semaphore(%run_scoped3A_130 : memref<!tpu.dma_semaphore, #tpu.memory_space<semaphore_mem>>) src(%dma_wait3A_144 : memref<128x128xf32, #tpu.memory_space<vmem>>) dst(%dma_wait3A_150 : memref<10240x128xf32, #tpu.memory_space<vmem_shared>>)
          tpu.yield
        }) : () -> ()
        %add3A_94 = arith.constant 0 : i32
        %add3A_95 = arith.addi %mul3A_78, %add3A_94 : i32
        %add3A_96 = arith.constant 2 : i32
        %add3A_97 = arith.addi %add3A_95, %add3A_96 : i32
        %lt3A = arith.constant 40 : i32
        %lt3A_98 = arith.cmpi slt, %add3A_97, %lt3A : i32
        %convert_element_type3A_99 = arith.extui %lt3A_98 : i1 to i32
        %cond3A_100 = arith.constant 0 : i32
        %cond3A_101 = arith.cmpi ne, %convert_element_type3A_99, %cond3A_100 : i32
        scf.if %cond3A_101 {
          %add3A_130 = arith.constant 0 : i32
          %add3A_131 = arith.addi %mul3A_78, %add3A_130 : i32
          %add3A_132 = arith.constant 2 : i32
          %add3A_133 = arith.addi %add3A_131, %add3A_132 : i32
          %dma_start3A_134 = arith.constant 0 : i32
          %dma_start3A_135 = arith.constant 0 : i32
          %dma_start3A_136 = arith.constant 0 : i32
          %dma_start3A_137 = tpu.memref_slice %arg10[%dma_start3A_134, %dma_start3A_135, %dma_start3A_136] : memref<2x128x128xf32, #tpu.memory_space<vmem>> -> memref<1x128x128xf32, #tpu.memory_space<vmem>>
          %dma_start3A_138 = tpu.memref_squeeze %dma_start3A_137 : memref<1x128x128xf32, #tpu.memory_space<vmem>> -> memref<128x128xf32, #tpu.memory_space<vmem>>
          %dma_start3A_139 = arith.constant 0 : i32
          %dma_start3A_140 = tpu.memref_slice %arg8[%add3A_133, %dma_start3A_139] : memref<40x128xi32, #tpu.memory_space<vmem>> -> memref<1x128xi32, #tpu.memory_space<vmem>>
          %dma_start3A_141 = tpu.memref_squeeze %dma_start3A_140 : memref<1x128xi32, #tpu.memory_space<vmem>> -> memref<128xi32, #tpu.memory_space<vmem>>
          %dma_start3A_142 = arith.constant 0 : i32
          %dma_start3A_143 = arith.constant 0 : i32
          %dma_start3A_144 = tpu.memref_slice %arg2[%dma_start3A_142, %dma_start3A_143] : memref<10240x128xf32, #tpu.memory_space<hbm>> -> memref<10240x128xf32, #tpu.memory_space<hbm>>
          tpu.enqueue_indirect_dma source(%dma_start3A_144 : memref<10240x128xf32, #tpu.memory_space<hbm>>) target(%dma_start3A_138 : memref<128x128xf32, #tpu.memory_space<vmem>>) offsets(%dma_start3A_141 : memref<128xi32, #tpu.memory_space<vmem>>) semaphore(%arg12 : memref<!tpu.dma_semaphore, #tpu.memory_space<semaphore_mem>>)
        } else {
        }
        %dma_wait3A_102 = arith.constant 1 : i32
        %dma_wait3A_103 = arith.constant 0 : i32
        %dma_wait3A_104 = arith.constant 0 : i32
        %dma_wait3A_105 = tpu.memref_slice %arg10[%dma_wait3A_102, %dma_wait3A_103, %dma_wait3A_104] : memref<2x128x128xf32, #tpu.memory_space<vmem>> -> memref<1x128x128xf32, #tpu.memory_space<vmem>>
        %dma_wait3A_106 = tpu.memref_squeeze %dma_wait3A_105 : memref<1x128x128xf32, #tpu.memory_space<vmem>> -> memref<128x128xf32, #tpu.memory_space<vmem>>
        %dma_wait3A_107 = arith.constant 0 : i32
        %dma_wait3A_108 = arith.constant 0 : i32
        %dma_wait3A_109 = tpu.memref_slice %arg2[%dma_wait3A_107, %dma_wait3A_108] : memref<10240x128xf32, #tpu.memory_space<hbm>> -> memref<128x128xf32, #tpu.memory_space<hbm>>
        %dma_wait3A_110 = arith.constant 0 : i32
        %dma_wait3A_111 = arith.constant 0 : i32
        %dma_wait3A_112 = tpu.memref_slice %arg10[%dma_wait3A_102, %dma_wait3A_110, %dma_wait3A_111] : memref<2x128x128xf32, #tpu.memory_space<vmem>> -> memref<1x128x128xf32, #tpu.memory_space<vmem>>
        %dma_wait3A_113 = tpu.memref_squeeze %dma_wait3A_112 : memref<1x128x128xf32, #tpu.memory_space<vmem>> -> memref<128x128xf32, #tpu.memory_space<vmem>>
        %dma_wait3A_114 = arith.constant 0 : i32
        %dma_wait3A_115 = arith.constant 0 : i32
        %dma_wait3A_116 = tpu.memref_slice %arg2[%dma_wait3A_114, %dma_wait3A_115] : memref<10240x128xf32, #tpu.memory_space<hbm>> -> memref<128x128xf32, #tpu.memory_space<hbm>>
        tpu.wait_dma2 semaphore(%arg13 : memref<!tpu.dma_semaphore, #tpu.memory_space<semaphore_mem>>) src(%dma_wait3A_116 : memref<128x128xf32, #tpu.memory_space<hbm>>) dst(%dma_wait3A_113 : memref<128x128xf32, #tpu.memory_space<vmem>>)
        %add3A_117 = arith.constant 1 : i32
        %add3A_118 = arith.addi %mul3A_78, %add3A_117 : i32
        %run_scoped3A_119 = arith.constant 1 : i32
        "tpu.region"() ({
          %run_scoped3A_130 = tpu.sem_alloc : memref<!tpu.dma_semaphore, #tpu.memory_space<semaphore_mem>>
          %dma_start3A_131 = arith.constant 0 : i32
          %dma_start3A_132 = arith.constant 0 : i32
          %dma_start3A_133 = tpu.memref_slice %arg10[%run_scoped3A_119, %dma_start3A_131, %dma_start3A_132] : memref<2x128x128xf32, #tpu.memory_space<vmem>> -> memref<1x128x128xf32, #tpu.memory_space<vmem>>
          %dma_start3A_134 = tpu.memref_squeeze %dma_start3A_133 : memref<1x128x128xf32, #tpu.memory_space<vmem>> -> memref<128x128xf32, #tpu.memory_space<vmem>>
          %dma_start3A_135 = arith.constant 0 : i32
          %dma_start3A_136 = tpu.memref_slice %arg9[%add3A_118, %dma_start3A_135] : memref<40x128xi32, #tpu.memory_space<vmem>> -> memref<1x128xi32, #tpu.memory_space<vmem>>
          %dma_start3A_137 = tpu.memref_squeeze %dma_start3A_136 : memref<1x128xi32, #tpu.memory_space<vmem>> -> memref<128xi32, #tpu.memory_space<vmem>>
          %dma_start3A_138 = arith.constant 0 : i32
          %dma_start3A_139 = arith.constant 0 : i32
          %dma_start3A_140 = tpu.memref_slice %arg11[%dma_start3A_138, %dma_start3A_139] : memref<10240x128xf32, #tpu.memory_space<vmem_shared>> -> memref<10240x128xf32, #tpu.memory_space<vmem_shared>>
          tpu.enqueue_indirect_dma source(%dma_start3A_134 : memref<128x128xf32, #tpu.memory_space<vmem>>) target(%dma_start3A_140 : memref<10240x128xf32, #tpu.memory_space<vmem_shared>>) offsets(%dma_start3A_137 : memref<128xi32, #tpu.memory_space<vmem>>) semaphore(%run_scoped3A_130 : memref<!tpu.dma_semaphore, #tpu.memory_space<semaphore_mem>>) {add = true}
          %dma_wait3A_141 = arith.constant 0 : i32
          %dma_wait3A_142 = arith.constant 0 : i32
          %dma_wait3A_143 = tpu.memref_slice %arg10[%run_scoped3A_119, %dma_wait3A_141, %dma_wait3A_142] : memref<2x128x128xf32, #tpu.memory_space<vmem>> -> memref<1x128x128xf32, #tpu.memory_space<vmem>>
          %dma_wait3A_144 = tpu.memref_squeeze %dma_wait3A_143 : memref<1x128x128xf32, #tpu.memory_space<vmem>> -> memref<128x128xf32, #tpu.memory_space<vmem>>
          %dma_wait3A_145 = arith.constant 0 : i32
          %dma_wait3A_146 = tpu.memref_slice %arg9[%add3A_118, %dma_wait3A_145] : memref<40x128xi32, #tpu.memory_space<vmem>> -> memref<1x128xi32, #tpu.memory_space<vmem>>
          %dma_wait3A_147 = tpu.memref_squeeze %dma_wait3A_146 : memref<1x128xi32, #tpu.memory_space<vmem>> -> memref<128xi32, #tpu.memory_space<vmem>>
          %dma_wait3A_148 = arith.constant 0 : i32
          %dma_wait3A_149 = arith.constant 0 : i32
          %dma_wait3A_150 = tpu.memref_slice %arg11[%dma_wait3A_148, %dma_wait3A_149] : memref<10240x128xf32, #tpu.memory_space<vmem_shared>> -> memref<10240x128xf32, #tpu.memory_space<vmem_shared>>
          tpu.wait_indirect_dma semaphore(%run_scoped3A_130 : memref<!tpu.dma_semaphore, #tpu.memory_space<semaphore_mem>>) src(%dma_wait3A_144 : memref<128x128xf32, #tpu.memory_space<vmem>>) dst(%dma_wait3A_150 : memref<10240x128xf32, #tpu.memory_space<vmem_shared>>)
          tpu.yield
        }) : () -> ()
        %add3A_120 = arith.constant 1 : i32
        %add3A_121 = arith.addi %mul3A_78, %add3A_120 : i32
        %add3A_122 = arith.constant 2 : i32
        %add3A_123 = arith.addi %add3A_121, %add3A_122 : i32
        %lt3A_124 = arith.constant 40 : i32
        %lt3A_125 = arith.cmpi slt, %add3A_123, %lt3A_124 : i32
        %convert_element_type3A_126 = arith.extui %lt3A_125 : i1 to i32
        %cond3A_127 = arith.constant 0 : i32
        %cond3A_128 = arith.cmpi ne, %convert_element_type3A_126, %cond3A_127 : i32
        scf.if %cond3A_128 {
          %add3A_130 = arith.constant 1 : i32
          %add3A_131 = arith.addi %mul3A_78, %add3A_130 : i32
          %add3A_132 = arith.constant 2 : i32
          %add3A_133 = arith.addi %add3A_131, %add3A_132 : i32
          %dma_start3A_134 = arith.constant 1 : i32
          %dma_start3A_135 = arith.constant 0 : i32
          %dma_start3A_136 = arith.constant 0 : i32
          %dma_start3A_137 = tpu.memref_slice %arg10[%dma_start3A_134, %dma_start3A_135, %dma_start3A_136] : memref<2x128x128xf32, #tpu.memory_space<vmem>> -> memref<1x128x128xf32, #tpu.memory_space<vmem>>
          %dma_start3A_138 = tpu.memref_squeeze %dma_start3A_137 : memref<1x128x128xf32, #tpu.memory_space<vmem>> -> memref<128x128xf32, #tpu.memory_space<vmem>>
          %dma_start3A_139 = arith.constant 0 : i32
          %dma_start3A_140 = tpu.memref_slice %arg8[%add3A_133, %dma_start3A_139] : memref<40x128xi32, #tpu.memory_space<vmem>> -> memref<1x128xi32, #tpu.memory_space<vmem>>
          %dma_start3A_141 = tpu.memref_squeeze %dma_start3A_140 : memref<1x128xi32, #tpu.memory_space<vmem>> -> memref<128xi32, #tpu.memory_space<vmem>>
          %dma_start3A_142 = arith.constant 0 : i32
          %dma_start3A_143 = arith.constant 0 : i32
          %dma_start3A_144 = tpu.memref_slice %arg2[%dma_start3A_142, %dma_start3A_143] : memref<10240x128xf32, #tpu.memory_space<hbm>> -> memref<10240x128xf32, #tpu.memory_space<hbm>>
          tpu.enqueue_indirect_dma source(%dma_start3A_144 : memref<10240x128xf32, #tpu.memory_space<hbm>>) target(%dma_start3A_138 : memref<128x128xf32, #tpu.memory_space<vmem>>) offsets(%dma_start3A_141 : memref<128xi32, #tpu.memory_space<vmem>>) semaphore(%arg13 : memref<!tpu.dma_semaphore, #tpu.memory_space<semaphore_mem>>)
        } else {
        }
        %scan3A_129 = arith.constant 0 : i32
        scf.yield %scan3A_129 : i32
      }
      %scan3A_69 = arith.constant 20 : i32
      %barrier3A_70 = arith.constant 0 : index
      tpu.barrier barrier_id(%barrier3A_70)
      %mul3A_71 = arith.constant 640 : i32
      %mul3A_72 = arith.muli %arg1, %mul3A_71 : i32
      %mul3A_73 = arith.constant 640 : i32
      %mul3A_74 = arith.muli %arg1, %mul3A_73 : i32
      "tpu.region"() ({
        %run_scoped3A = tpu.sem_alloc : memref<!tpu.dma_semaphore, #tpu.memory_space<semaphore_mem>>
        %dma_start3A_75 = arith.constant 0 : i32
        %dma_start3A_76 = tpu.memref_slice %arg6[%mul3A_74, %dma_start3A_75] : memref<10240x128xf32, #tpu.memory_space<hbm>> -> memref<640x128xf32, #tpu.memory_space<hbm>>
        %dma_start3A_77 = arith.constant 0 : i32
        %dma_start3A_78 = tpu.memref_slice %arg11[%mul3A_72, %dma_start3A_77] : memref<10240x128xf32, #tpu.memory_space<vmem_shared>> -> memref<640x128xf32, #tpu.memory_space<vmem_shared>>
        tpu.enqueue_dma source(%dma_start3A_78 : memref<640x128xf32, #tpu.memory_space<vmem_shared>>) target(%dma_start3A_76 : memref<640x128xf32, #tpu.memory_space<hbm>>) target_semaphore(%run_scoped3A : memref<!tpu.dma_semaphore, #tpu.memory_space<semaphore_mem>>)
        %dma_wait3A = arith.constant 0 : i32
        %dma_wait3A_79 = tpu.memref_slice %arg6[%mul3A_74, %dma_wait3A] : memref<10240x128xf32, #tpu.memory_space<hbm>> -> memref<640x128xf32, #tpu.memory_space<hbm>>
        %dma_wait3A_80 = arith.constant 0 : i32
        %dma_wait3A_81 = tpu.memref_slice %arg11[%mul3A_72, %dma_wait3A_80] : memref<10240x128xf32, #tpu.memory_space<vmem_shared>> -> memref<640x128xf32, #tpu.memory_space<vmem_shared>>
        tpu.wait_dma2 semaphore(%run_scoped3A : memref<!tpu.dma_semaphore, #tpu.memory_space<semaphore_mem>>) src(%dma_wait3A_81 : memref<640x128xf32, #tpu.memory_space<vmem_shared>>) dst(%dma_wait3A_79 : memref<640x128xf32, #tpu.memory_space<hbm>>)
        tpu.yield
      }) : () -> ()
    } else {
    }
    %eq3A_2 = arith.constant 1 : i32
    %eq3A_3 = arith.cmpi eq, %arg0, %eq3A_2 : i32
    %convert_element_type3A_4 = arith.extui %eq3A_3 : i1 to i32
    %cond3A_5 = arith.constant 0 : i32
    %cond3A_6 = arith.cmpi ne, %convert_element_type3A_4, %cond3A_5 : i32
    scf.if %cond3A_6 {
      %mul3A = arith.constant 640 : i32
      %mul3A_7 = arith.muli %arg1, %mul3A : i32
      %mul3A_8 = arith.constant 640 : i32
      %mul3A_9 = arith.muli %arg1, %mul3A_8 : i32
      "tpu.region"() ({
        %run_scoped3A = tpu.sem_alloc : memref<!tpu.dma_semaphore, #tpu.memory_space<semaphore_mem>>
        %dma_start3A_75 = arith.constant 0 : i32
        %dma_start3A_76 = tpu.memref_slice %arg11[%mul3A_9, %dma_start3A_75] : memref<10240x128xf32, #tpu.memory_space<vmem_shared>> -> memref<640x128xf32, #tpu.memory_space<vmem_shared>>
        %dma_start3A_77 = arith.constant 0 : i32
        %dma_start3A_78 = tpu.memref_slice %arg3[%mul3A_7, %dma_start3A_77] : memref<10240x128xf32, #tpu.memory_space<hbm>> -> memref<640x128xf32, #tpu.memory_space<hbm>>
        tpu.enqueue_dma source(%dma_start3A_78 : memref<640x128xf32, #tpu.memory_space<hbm>>) target(%dma_start3A_76 : memref<640x128xf32, #tpu.memory_space<vmem_shared>>) target_semaphore(%run_scoped3A : memref<!tpu.dma_semaphore, #tpu.memory_space<semaphore_mem>>)
        %dma_wait3A = arith.constant 0 : i32
        %dma_wait3A_79 = tpu.memref_slice %arg11[%mul3A_9, %dma_wait3A] : memref<10240x128xf32, #tpu.memory_space<vmem_shared>> -> memref<640x128xf32, #tpu.memory_space<vmem_shared>>
        %dma_wait3A_80 = arith.constant 0 : i32
        %dma_wait3A_81 = tpu.memref_slice %arg3[%mul3A_7, %dma_wait3A_80] : memref<10240x128xf32, #tpu.memory_space<hbm>> -> memref<640x128xf32, #tpu.memory_space<hbm>>
        tpu.wait_dma2 semaphore(%run_scoped3A : memref<!tpu.dma_semaphore, #tpu.memory_space<semaphore_mem>>) src(%dma_wait3A_81 : memref<640x128xf32, #tpu.memory_space<hbm>>) dst(%dma_wait3A_79 : memref<640x128xf32, #tpu.memory_space<vmem_shared>>)
        tpu.yield
      }) : () -> ()
      %barrier3A = arith.constant 0 : index
      tpu.barrier barrier_id(%barrier3A)
      "tpu.region"() ({
        %run_scoped3A = tpu.sem_alloc : memref<!tpu.dma_semaphore, #tpu.memory_space<semaphore_mem>>
        %dma_start3A_75 = arith.constant 0 : i32
        %dma_start3A_76 = arith.constant 0 : i32
        %dma_start3A_77 = tpu.memref_slice %arg4[%arg1, %dma_start3A_75, %dma_start3A_76] : memref<16x80x128xi32, #tpu.memory_space<hbm>> -> memref<1x40x128xi32, #tpu.memory_space<hbm>>
        %dma_start3A_78 = tpu.memref_squeeze %dma_start3A_77 : memref<1x40x128xi32, #tpu.memory_space<hbm>> -> memref<40x128xi32, #tpu.memory_space<hbm>>
        %dma_start3A_79 = arith.constant 0 : i32
        %dma_start3A_80 = arith.constant 0 : i32
        %dma_start3A_81 = tpu.memref_slice %arg4[%arg1, %dma_start3A_79, %dma_start3A_80] : memref<16x80x128xi32, #tpu.memory_space<hbm>> -> memref<1x40x128xi32, #tpu.memory_space<hbm>>
        %dma_start3A_82 = tpu.memref_squeeze %dma_start3A_81 : memref<1x40x128xi32, #tpu.memory_space<hbm>> -> memref<40x128xi32, #tpu.memory_space<hbm>>
        tpu.enqueue_dma source(%dma_start3A_82 : memref<40x128xi32, #tpu.memory_space<hbm>>) target(%arg8 : memref<40x128xi32, #tpu.memory_space<vmem>>) target_semaphore(%run_scoped3A : memref<!tpu.dma_semaphore, #tpu.memory_space<semaphore_mem>>)
        %dma_wait3A = arith.constant 0 : i32
        %dma_wait3A_83 = arith.constant 0 : i32
        %dma_wait3A_84 = tpu.memref_slice %arg4[%arg1, %dma_wait3A, %dma_wait3A_83] : memref<16x80x128xi32, #tpu.memory_space<hbm>> -> memref<1x40x128xi32, #tpu.memory_space<hbm>>
        %dma_wait3A_85 = tpu.memref_squeeze %dma_wait3A_84 : memref<1x40x128xi32, #tpu.memory_space<hbm>> -> memref<40x128xi32, #tpu.memory_space<hbm>>
        %dma_wait3A_86 = arith.constant 0 : i32
        %dma_wait3A_87 = arith.constant 0 : i32
        %dma_wait3A_88 = tpu.memref_slice %arg4[%arg1, %dma_wait3A_86, %dma_wait3A_87] : memref<16x80x128xi32, #tpu.memory_space<hbm>> -> memref<1x40x128xi32, #tpu.memory_space<hbm>>
        %dma_wait3A_89 = tpu.memref_squeeze %dma_wait3A_88 : memref<1x40x128xi32, #tpu.memory_space<hbm>> -> memref<40x128xi32, #tpu.memory_space<hbm>>
        tpu.wait_dma2 semaphore(%run_scoped3A : memref<!tpu.dma_semaphore, #tpu.memory_space<semaphore_mem>>) src(%dma_wait3A_89 : memref<40x128xi32, #tpu.memory_space<hbm>>) dst(%arg8 : memref<40x128xi32, #tpu.memory_space<vmem>>)
        tpu.yield
      }) : () -> ()
      "tpu.region"() ({
        %run_scoped3A = tpu.sem_alloc : memref<!tpu.dma_semaphore, #tpu.memory_space<semaphore_mem>>
        %dma_start3A_75 = arith.constant 0 : i32
        %dma_start3A_76 = arith.constant 0 : i32
        %dma_start3A_77 = tpu.memref_slice %arg5[%arg1, %dma_start3A_75, %dma_start3A_76] : memref<16x80x128xi32, #tpu.memory_space<hbm>> -> memref<1x40x128xi32, #tpu.memory_space<hbm>>
        %dma_start3A_78 = tpu.memref_squeeze %dma_start3A_77 : memref<1x40x128xi32, #tpu.memory_space<hbm>> -> memref<40x128xi32, #tpu.memory_space<hbm>>
        %dma_start3A_79 = arith.constant 0 : i32
        %dma_start3A_80 = arith.constant 0 : i32
        %dma_start3A_81 = tpu.memref_slice %arg5[%arg1, %dma_start3A_79, %dma_start3A_80] : memref<16x80x128xi32, #tpu.memory_space<hbm>> -> memref<1x40x128xi32, #tpu.memory_space<hbm>>
        %dma_start3A_82 = tpu.memref_squeeze %dma_start3A_81 : memref<1x40x128xi32, #tpu.memory_space<hbm>> -> memref<40x128xi32, #tpu.memory_space<hbm>>
        tpu.enqueue_dma source(%dma_start3A_82 : memref<40x128xi32, #tpu.memory_space<hbm>>) target(%arg9 : memref<40x128xi32, #tpu.memory_space<vmem>>) target_semaphore(%run_scoped3A : memref<!tpu.dma_semaphore, #tpu.memory_space<semaphore_mem>>)
        %dma_wait3A = arith.constant 0 : i32
        %dma_wait3A_83 = arith.constant 0 : i32
        %dma_wait3A_84 = tpu.memref_slice %arg5[%arg1, %dma_wait3A, %dma_wait3A_83] : memref<16x80x128xi32, #tpu.memory_space<hbm>> -> memref<1x40x128xi32, #tpu.memory_space<hbm>>
        %dma_wait3A_85 = tpu.memref_squeeze %dma_wait3A_84 : memref<1x40x128xi32, #tpu.memory_space<hbm>> -> memref<40x128xi32, #tpu.memory_space<hbm>>
        %dma_wait3A_86 = arith.constant 0 : i32
        %dma_wait3A_87 = arith.constant 0 : i32
        %dma_wait3A_88 = tpu.memref_slice %arg5[%arg1, %dma_wait3A_86, %dma_wait3A_87] : memref<16x80x128xi32, #tpu.memory_space<hbm>> -> memref<1x40x128xi32, #tpu.memory_space<hbm>>
        %dma_wait3A_89 = tpu.memref_squeeze %dma_wait3A_88 : memref<1x40x128xi32, #tpu.memory_space<hbm>> -> memref<40x128xi32, #tpu.memory_space<hbm>>
        tpu.wait_dma2 semaphore(%run_scoped3A : memref<!tpu.dma_semaphore, #tpu.memory_space<semaphore_mem>>) src(%dma_wait3A_89 : memref<40x128xi32, #tpu.memory_space<hbm>>) dst(%arg9 : memref<40x128xi32, #tpu.memory_space<vmem>>)
        tpu.yield
      }) : () -> ()
      %dma_start3A = arith.constant 0 : i32
      %dma_start3A_10 = arith.constant 0 : i32
      %dma_start3A_11 = arith.constant 0 : i32
      %dma_start3A_12 = arith.constant 0 : i32
      %dma_start3A_13 = tpu.memref_slice %arg10[%dma_start3A_10, %dma_start3A_11, %dma_start3A_12] : memref<2x128x128xf32, #tpu.memory_space<vmem>> -> memref<1x128x128xf32, #tpu.memory_space<vmem>>
      %dma_start3A_14 = tpu.memref_squeeze %dma_start3A_13 : memref<1x128x128xf32, #tpu.memory_space<vmem>> -> memref<128x128xf32, #tpu.memory_space<vmem>>
      %dma_start3A_15 = arith.constant 0 : i32
      %dma_start3A_16 = tpu.memref_slice %arg8[%dma_start3A, %dma_start3A_15] : memref<40x128xi32, #tpu.memory_space<vmem>> -> memref<1x128xi32, #tpu.memory_space<vmem>>
      %dma_start3A_17 = tpu.memref_squeeze %dma_start3A_16 : memref<1x128xi32, #tpu.memory_space<vmem>> -> memref<128xi32, #tpu.memory_space<vmem>>
      %dma_start3A_18 = arith.constant 0 : i32
      %dma_start3A_19 = arith.constant 0 : i32
      %dma_start3A_20 = tpu.memref_slice %arg3[%dma_start3A_18, %dma_start3A_19] : memref<10240x128xf32, #tpu.memory_space<hbm>> -> memref<10240x128xf32, #tpu.memory_space<hbm>>
      tpu.enqueue_indirect_dma source(%dma_start3A_20 : memref<10240x128xf32, #tpu.memory_space<hbm>>) target(%dma_start3A_14 : memref<128x128xf32, #tpu.memory_space<vmem>>) offsets(%dma_start3A_17 : memref<128xi32, #tpu.memory_space<vmem>>) semaphore(%arg12 : memref<!tpu.dma_semaphore, #tpu.memory_space<semaphore_mem>>)
      %dma_start3A_21 = arith.constant 1 : i32
      %dma_start3A_22 = arith.constant 1 : i32
      %dma_start3A_23 = arith.constant 0 : i32
      %dma_start3A_24 = arith.constant 0 : i32
      %dma_start3A_25 = tpu.memref_slice %arg10[%dma_start3A_22, %dma_start3A_23, %dma_start3A_24] : memref<2x128x128xf32, #tpu.memory_space<vmem>> -> memref<1x128x128xf32, #tpu.memory_space<vmem>>
      %dma_start3A_26 = tpu.memref_squeeze %dma_start3A_25 : memref<1x128x128xf32, #tpu.memory_space<vmem>> -> memref<128x128xf32, #tpu.memory_space<vmem>>
      %dma_start3A_27 = arith.constant 0 : i32
      %dma_start3A_28 = tpu.memref_slice %arg8[%dma_start3A_21, %dma_start3A_27] : memref<40x128xi32, #tpu.memory_space<vmem>> -> memref<1x128xi32, #tpu.memory_space<vmem>>
      %dma_start3A_29 = tpu.memref_squeeze %dma_start3A_28 : memref<1x128xi32, #tpu.memory_space<vmem>> -> memref<128xi32, #tpu.memory_space<vmem>>
      %dma_start3A_30 = arith.constant 0 : i32
      %dma_start3A_31 = arith.constant 0 : i32
      %dma_start3A_32 = tpu.memref_slice %arg3[%dma_start3A_30, %dma_start3A_31] : memref<10240x128xf32, #tpu.memory_space<hbm>> -> memref<10240x128xf32, #tpu.memory_space<hbm>>
      tpu.enqueue_indirect_dma source(%dma_start3A_32 : memref<10240x128xf32, #tpu.memory_space<hbm>>) target(%dma_start3A_26 : memref<128x128xf32, #tpu.memory_space<vmem>>) offsets(%dma_start3A_29 : memref<128xi32, #tpu.memory_space<vmem>>) semaphore(%arg13 : memref<!tpu.dma_semaphore, #tpu.memory_space<semaphore_mem>>)
      %scan3A = arith.constant 0 : i32
      %scan3A_33 = arith.constant 0 : i32
      %scan3A_34 = arith.constant 20 : i32
      %scan3A_35 = arith.addi %scan3A_33, %scan3A_34 : i32
      %scan3A_36 = arith.constant 1 : i32
      %scan3A_37 = scf.for %scan3A_75 = %scan3A_33 to %scan3A_35 step %scan3A_36 iter_args(%scan3A_76 = %scan3A) -> (i32)  : i32 {
        %mul3A_77 = arith.constant 2 : i32
        %mul3A_78 = arith.muli %scan3A_75, %mul3A_77 : i32
        %dma_wait3A = arith.constant 0 : i32
        %dma_wait3A_79 = arith.constant 0 : i32
        %dma_wait3A_80 = arith.constant 0 : i32
        %dma_wait3A_81 = tpu.memref_slice %arg10[%dma_wait3A, %dma_wait3A_79, %dma_wait3A_80] : memref<2x128x128xf32, #tpu.memory_space<vmem>> -> memref<1x128x128xf32, #tpu.memory_space<vmem>>
        %dma_wait3A_82 = tpu.memref_squeeze %dma_wait3A_81 : memref<1x128x128xf32, #tpu.memory_space<vmem>> -> memref<128x128xf32, #tpu.memory_space<vmem>>
        %dma_wait3A_83 = arith.constant 0 : i32
        %dma_wait3A_84 = arith.constant 0 : i32
        %dma_wait3A_85 = tpu.memref_slice %arg3[%dma_wait3A_83, %dma_wait3A_84] : memref<10240x128xf32, #tpu.memory_space<hbm>> -> memref<128x128xf32, #tpu.memory_space<hbm>>
        %dma_wait3A_86 = arith.constant 0 : i32
        %dma_wait3A_87 = arith.constant 0 : i32
        %dma_wait3A_88 = tpu.memref_slice %arg10[%dma_wait3A, %dma_wait3A_86, %dma_wait3A_87] : memref<2x128x128xf32, #tpu.memory_space<vmem>> -> memref<1x128x128xf32, #tpu.memory_space<vmem>>
        %dma_wait3A_89 = tpu.memref_squeeze %dma_wait3A_88 : memref<1x128x128xf32, #tpu.memory_space<vmem>> -> memref<128x128xf32, #tpu.memory_space<vmem>>
        %dma_wait3A_90 = arith.constant 0 : i32
        %dma_wait3A_91 = arith.constant 0 : i32
        %dma_wait3A_92 = tpu.memref_slice %arg3[%dma_wait3A_90, %dma_wait3A_91] : memref<10240x128xf32, #tpu.memory_space<hbm>> -> memref<128x128xf32, #tpu.memory_space<hbm>>
        tpu.wait_dma2 semaphore(%arg12 : memref<!tpu.dma_semaphore, #tpu.memory_space<semaphore_mem>>) src(%dma_wait3A_92 : memref<128x128xf32, #tpu.memory_space<hbm>>) dst(%dma_wait3A_89 : memref<128x128xf32, #tpu.memory_space<vmem>>)
        %add3A = arith.constant 0 : i32
        %add3A_93 = arith.addi %mul3A_78, %add3A : i32
        %run_scoped3A = arith.constant 0 : i32
        "tpu.region"() ({
          %run_scoped3A_130 = tpu.sem_alloc : memref<!tpu.dma_semaphore, #tpu.memory_space<semaphore_mem>>
          %dma_start3A_131 = arith.constant 0 : i32
          %dma_start3A_132 = arith.constant 0 : i32
          %dma_start3A_133 = tpu.memref_slice %arg10[%run_scoped3A, %dma_start3A_131, %dma_start3A_132] : memref<2x128x128xf32, #tpu.memory_space<vmem>> -> memref<1x128x128xf32, #tpu.memory_space<vmem>>
          %dma_start3A_134 = tpu.memref_squeeze %dma_start3A_133 : memref<1x128x128xf32, #tpu.memory_space<vmem>> -> memref<128x128xf32, #tpu.memory_space<vmem>>
          %dma_start3A_135 = arith.constant 0 : i32
          %dma_start3A_136 = tpu.memref_slice %arg9[%add3A_93, %dma_start3A_135] : memref<40x128xi32, #tpu.memory_space<vmem>> -> memref<1x128xi32, #tpu.memory_space<vmem>>
          %dma_start3A_137 = tpu.memref_squeeze %dma_start3A_136 : memref<1x128xi32, #tpu.memory_space<vmem>> -> memref<128xi32, #tpu.memory_space<vmem>>
          %dma_start3A_138 = arith.constant 0 : i32
          %dma_start3A_139 = arith.constant 0 : i32
          %dma_start3A_140 = tpu.memref_slice %arg11[%dma_start3A_138, %dma_start3A_139] : memref<10240x128xf32, #tpu.memory_space<vmem_shared>> -> memref<10240x128xf32, #tpu.memory_space<vmem_shared>>
          tpu.enqueue_indirect_dma source(%dma_start3A_134 : memref<128x128xf32, #tpu.memory_space<vmem>>) target(%dma_start3A_140 : memref<10240x128xf32, #tpu.memory_space<vmem_shared>>) offsets(%dma_start3A_137 : memref<128xi32, #tpu.memory_space<vmem>>) semaphore(%run_scoped3A_130 : memref<!tpu.dma_semaphore, #tpu.memory_space<semaphore_mem>>) {add = true}
          %dma_wait3A_141 = arith.constant 0 : i32
          %dma_wait3A_142 = arith.constant 0 : i32
          %dma_wait3A_143 = tpu.memref_slice %arg10[%run_scoped3A, %dma_wait3A_141, %dma_wait3A_142] : memref<2x128x128xf32, #tpu.memory_space<vmem>> -> memref<1x128x128xf32, #tpu.memory_space<vmem>>
          %dma_wait3A_144 = tpu.memref_squeeze %dma_wait3A_143 : memref<1x128x128xf32, #tpu.memory_space<vmem>> -> memref<128x128xf32, #tpu.memory_space<vmem>>
          %dma_wait3A_145 = arith.constant 0 : i32
          %dma_wait3A_146 = tpu.memref_slice %arg9[%add3A_93, %dma_wait3A_145] : memref<40x128xi32, #tpu.memory_space<vmem>> -> memref<1x128xi32, #tpu.memory_space<vmem>>
          %dma_wait3A_147 = tpu.memref_squeeze %dma_wait3A_146 : memref<1x128xi32, #tpu.memory_space<vmem>> -> memref<128xi32, #tpu.memory_space<vmem>>
          %dma_wait3A_148 = arith.constant 0 : i32
          %dma_wait3A_149 = arith.constant 0 : i32
          %dma_wait3A_150 = tpu.memref_slice %arg11[%dma_wait3A_148, %dma_wait3A_149] : memref<10240x128xf32, #tpu.memory_space<vmem_shared>> -> memref<10240x128xf32, #tpu.memory_space<vmem_shared>>
          tpu.wait_indirect_dma semaphore(%run_scoped3A_130 : memref<!tpu.dma_semaphore, #tpu.memory_space<semaphore_mem>>) src(%dma_wait3A_144 : memref<128x128xf32, #tpu.memory_space<vmem>>) dst(%dma_wait3A_150 : memref<10240x128xf32, #tpu.memory_space<vmem_shared>>)
          tpu.yield
        }) : () -> ()
        %add3A_94 = arith.constant 0 : i32
        %add3A_95 = arith.addi %mul3A_78, %add3A_94 : i32
        %add3A_96 = arith.constant 2 : i32
        %add3A_97 = arith.addi %add3A_95, %add3A_96 : i32
        %lt3A = arith.constant 40 : i32
        %lt3A_98 = arith.cmpi slt, %add3A_97, %lt3A : i32
        %convert_element_type3A_99 = arith.extui %lt3A_98 : i1 to i32
        %cond3A_100 = arith.constant 0 : i32
        %cond3A_101 = arith.cmpi ne, %convert_element_type3A_99, %cond3A_100 : i32
        scf.if %cond3A_101 {
          %add3A_130 = arith.constant 0 : i32
          %add3A_131 = arith.addi %mul3A_78, %add3A_130 : i32
          %add3A_132 = arith.constant 2 : i32
          %add3A_133 = arith.addi %add3A_131, %add3A_132 : i32
          %dma_start3A_134 = arith.constant 0 : i32
          %dma_start3A_135 = arith.constant 0 : i32
          %dma_start3A_136 = arith.constant 0 : i32
          %dma_start3A_137 = tpu.memref_slice %arg10[%dma_start3A_134, %dma_start3A_135, %dma_start3A_136] : memref<2x128x128xf32, #tpu.memory_space<vmem>> -> memref<1x128x128xf32, #tpu.memory_space<vmem>>
          %dma_start3A_138 = tpu.memref_squeeze %dma_start3A_137 : memref<1x128x128xf32, #tpu.memory_space<vmem>> -> memref<128x128xf32, #tpu.memory_space<vmem>>
          %dma_start3A_139 = arith.constant 0 : i32
          %dma_start3A_140 = tpu.memref_slice %arg8[%add3A_133, %dma_start3A_139] : memref<40x128xi32, #tpu.memory_space<vmem>> -> memref<1x128xi32, #tpu.memory_space<vmem>>
          %dma_start3A_141 = tpu.memref_squeeze %dma_start3A_140 : memref<1x128xi32, #tpu.memory_space<vmem>> -> memref<128xi32, #tpu.memory_space<vmem>>
          %dma_start3A_142 = arith.constant 0 : i32
          %dma_start3A_143 = arith.constant 0 : i32
          %dma_start3A_144 = tpu.memref_slice %arg3[%dma_start3A_142, %dma_start3A_143] : memref<10240x128xf32, #tpu.memory_space<hbm>> -> memref<10240x128xf32, #tpu.memory_space<hbm>>
          tpu.enqueue_indirect_dma source(%dma_start3A_144 : memref<10240x128xf32, #tpu.memory_space<hbm>>) target(%dma_start3A_138 : memref<128x128xf32, #tpu.memory_space<vmem>>) offsets(%dma_start3A_141 : memref<128xi32, #tpu.memory_space<vmem>>) semaphore(%arg12 : memref<!tpu.dma_semaphore, #tpu.memory_space<semaphore_mem>>)
        } else {
        }
        %dma_wait3A_102 = arith.constant 1 : i32
        %dma_wait3A_103 = arith.constant 0 : i32
        %dma_wait3A_104 = arith.constant 0 : i32
        %dma_wait3A_105 = tpu.memref_slice %arg10[%dma_wait3A_102, %dma_wait3A_103, %dma_wait3A_104] : memref<2x128x128xf32, #tpu.memory_space<vmem>> -> memref<1x128x128xf32, #tpu.memory_space<vmem>>
        %dma_wait3A_106 = tpu.memref_squeeze %dma_wait3A_105 : memref<1x128x128xf32, #tpu.memory_space<vmem>> -> memref<128x128xf32, #tpu.memory_space<vmem>>
        %dma_wait3A_107 = arith.constant 0 : i32
        %dma_wait3A_108 = arith.constant 0 : i32
        %dma_wait3A_109 = tpu.memref_slice %arg3[%dma_wait3A_107, %dma_wait3A_108] : memref<10240x128xf32, #tpu.memory_space<hbm>> -> memref<128x128xf32, #tpu.memory_space<hbm>>
        %dma_wait3A_110 = arith.constant 0 : i32
        %dma_wait3A_111 = arith.constant 0 : i32
        %dma_wait3A_112 = tpu.memref_slice %arg10[%dma_wait3A_102, %dma_wait3A_110, %dma_wait3A_111] : memref<2x128x128xf32, #tpu.memory_space<vmem>> -> memref<1x128x128xf32, #tpu.memory_space<vmem>>
        %dma_wait3A_113 = tpu.memref_squeeze %dma_wait3A_112 : memref<1x128x128xf32, #tpu.memory_space<vmem>> -> memref<128x128xf32, #tpu.memory_space<vmem>>
        %dma_wait3A_114 = arith.constant 0 : i32
        %dma_wait3A_115 = arith.constant 0 : i32
        %dma_wait3A_116 = tpu.memref_slice %arg3[%dma_wait3A_114, %dma_wait3A_115] : memref<10240x128xf32, #tpu.memory_space<hbm>> -> memref<128x128xf32, #tpu.memory_space<hbm>>
        tpu.wait_dma2 semaphore(%arg13 : memref<!tpu.dma_semaphore, #tpu.memory_space<semaphore_mem>>) src(%dma_wait3A_116 : memref<128x128xf32, #tpu.memory_space<hbm>>) dst(%dma_wait3A_113 : memref<128x128xf32, #tpu.memory_space<vmem>>)
        %add3A_117 = arith.constant 1 : i32
        %add3A_118 = arith.addi %mul3A_78, %add3A_117 : i32
        %run_scoped3A_119 = arith.constant 1 : i32
        "tpu.region"() ({
          %run_scoped3A_130 = tpu.sem_alloc : memref<!tpu.dma_semaphore, #tpu.memory_space<semaphore_mem>>
          %dma_start3A_131 = arith.constant 0 : i32
          %dma_start3A_132 = arith.constant 0 : i32
          %dma_start3A_133 = tpu.memref_slice %arg10[%run_scoped3A_119, %dma_start3A_131, %dma_start3A_132] : memref<2x128x128xf32, #tpu.memory_space<vmem>> -> memref<1x128x128xf32, #tpu.memory_space<vmem>>
          %dma_start3A_134 = tpu.memref_squeeze %dma_start3A_133 : memref<1x128x128xf32, #tpu.memory_space<vmem>> -> memref<128x128xf32, #tpu.memory_space<vmem>>
          %dma_start3A_135 = arith.constant 0 : i32
          %dma_start3A_136 = tpu.memref_slice %arg9[%add3A_118, %dma_start3A_135] : memref<40x128xi32, #tpu.memory_space<vmem>> -> memref<1x128xi32, #tpu.memory_space<vmem>>
          %dma_start3A_137 = tpu.memref_squeeze %dma_start3A_136 : memref<1x128xi32, #tpu.memory_space<vmem>> -> memref<128xi32, #tpu.memory_space<vmem>>
          %dma_start3A_138 = arith.constant 0 : i32
          %dma_start3A_139 = arith.constant 0 : i32
          %dma_start3A_140 = tpu.memref_slice %arg11[%dma_start3A_138, %dma_start3A_139] : memref<10240x128xf32, #tpu.memory_space<vmem_shared>> -> memref<10240x128xf32, #tpu.memory_space<vmem_shared>>
          tpu.enqueue_indirect_dma source(%dma_start3A_134 : memref<128x128xf32, #tpu.memory_space<vmem>>) target(%dma_start3A_140 : memref<10240x128xf32, #tpu.memory_space<vmem_shared>>) offsets(%dma_start3A_137 : memref<128xi32, #tpu.memory_space<vmem>>) semaphore(%run_scoped3A_130 : memref<!tpu.dma_semaphore, #tpu.memory_space<semaphore_mem>>) {add = true}
          %dma_wait3A_141 = arith.constant 0 : i32
          %dma_wait3A_142 = arith.constant 0 : i32
          %dma_wait3A_143 = tpu.memref_slice %arg10[%run_scoped3A_119, %dma_wait3A_141, %dma_wait3A_142] : memref<2x128x128xf32, #tpu.memory_space<vmem>> -> memref<1x128x128xf32, #tpu.memory_space<vmem>>
          %dma_wait3A_144 = tpu.memref_squeeze %dma_wait3A_143 : memref<1x128x128xf32, #tpu.memory_space<vmem>> -> memref<128x128xf32, #tpu.memory_space<vmem>>
          %dma_wait3A_145 = arith.constant 0 : i32
          %dma_wait3A_146 = tpu.memref_slice %arg9[%add3A_118, %dma_wait3A_145] : memref<40x128xi32, #tpu.memory_space<vmem>> -> memref<1x128xi32, #tpu.memory_space<vmem>>
          %dma_wait3A_147 = tpu.memref_squeeze %dma_wait3A_146 : memref<1x128xi32, #tpu.memory_space<vmem>> -> memref<128xi32, #tpu.memory_space<vmem>>
          %dma_wait3A_148 = arith.constant 0 : i32
          %dma_wait3A_149 = arith.constant 0 : i32
          %dma_wait3A_150 = tpu.memref_slice %arg11[%dma_wait3A_148, %dma_wait3A_149] : memref<10240x128xf32, #tpu.memory_space<vmem_shared>> -> memref<10240x128xf32, #tpu.memory_space<vmem_shared>>
          tpu.wait_indirect_dma semaphore(%run_scoped3A_130 : memref<!tpu.dma_semaphore, #tpu.memory_space<semaphore_mem>>) src(%dma_wait3A_144 : memref<128x128xf32, #tpu.memory_space<vmem>>) dst(%dma_wait3A_150 : memref<10240x128xf32, #tpu.memory_space<vmem_shared>>)
          tpu.yield
        }) : () -> ()
        %add3A_120 = arith.constant 1 : i32
        %add3A_121 = arith.addi %mul3A_78, %add3A_120 : i32
        %add3A_122 = arith.constant 2 : i32
        %add3A_123 = arith.addi %add3A_121, %add3A_122 : i32
        %lt3A_124 = arith.constant 40 : i32
        %lt3A_125 = arith.cmpi slt, %add3A_123, %lt3A_124 : i32
        %convert_element_type3A_126 = arith.extui %lt3A_125 : i1 to i32
        %cond3A_127 = arith.constant 0 : i32
        %cond3A_128 = arith.cmpi ne, %convert_element_type3A_126, %cond3A_127 : i32
        scf.if %cond3A_128 {
          %add3A_130 = arith.constant 1 : i32
          %add3A_131 = arith.addi %mul3A_78, %add3A_130 : i32
          %add3A_132 = arith.constant 2 : i32
          %add3A_133 = arith.addi %add3A_131, %add3A_132 : i32
          %dma_start3A_134 = arith.constant 1 : i32
          %dma_start3A_135 = arith.constant 0 : i32
          %dma_start3A_136 = arith.constant 0 : i32
          %dma_start3A_137 = tpu.memref_slice %arg10[%dma_start3A_134, %dma_start3A_135, %dma_start3A_136] : memref<2x128x128xf32, #tpu.memory_space<vmem>> -> memref<1x128x128xf32, #tpu.memory_space<vmem>>
          %dma_start3A_138 = tpu.memref_squeeze %dma_start3A_137 : memref<1x128x128xf32, #tpu.memory_space<vmem>> -> memref<128x128xf32, #tpu.memory_space<vmem>>
          %dma_start3A_139 = arith.constant 0 : i32
          %dma_start3A_140 = tpu.memref_slice %arg8[%add3A_133, %dma_start3A_139] : memref<40x128xi32, #tpu.memory_space<vmem>> -> memref<1x128xi32, #tpu.memory_space<vmem>>
          %dma_start3A_141 = tpu.memref_squeeze %dma_start3A_140 : memref<1x128xi32, #tpu.memory_space<vmem>> -> memref<128xi32, #tpu.memory_space<vmem>>
          %dma_start3A_142 = arith.constant 0 : i32
          %dma_start3A_143 = arith.constant 0 : i32
          %dma_start3A_144 = tpu.memref_slice %arg3[%dma_start3A_142, %dma_start3A_143] : memref<10240x128xf32, #tpu.memory_space<hbm>> -> memref<10240x128xf32, #tpu.memory_space<hbm>>
          tpu.enqueue_indirect_dma source(%dma_start3A_144 : memref<10240x128xf32, #tpu.memory_space<hbm>>) target(%dma_start3A_138 : memref<128x128xf32, #tpu.memory_space<vmem>>) offsets(%dma_start3A_141 : memref<128xi32, #tpu.memory_space<vmem>>) semaphore(%arg13 : memref<!tpu.dma_semaphore, #tpu.memory_space<semaphore_mem>>)
        } else {
        }
        %scan3A_129 = arith.constant 0 : i32
        scf.yield %scan3A_129 : i32
      }
      %scan3A_38 = arith.constant 20 : i32
      "tpu.region"() ({
        %run_scoped3A = tpu.sem_alloc : memref<!tpu.dma_semaphore, #tpu.memory_space<semaphore_mem>>
        %dma_start3A_75 = arith.constant 40 : i32
        %dma_start3A_76 = arith.constant 0 : i32
        %dma_start3A_77 = tpu.memref_slice %arg4[%arg1, %dma_start3A_75, %dma_start3A_76] : memref<16x80x128xi32, #tpu.memory_space<hbm>> -> memref<1x40x128xi32, #tpu.memory_space<hbm>>
        %dma_start3A_78 = tpu.memref_squeeze %dma_start3A_77 : memref<1x40x128xi32, #tpu.memory_space<hbm>> -> memref<40x128xi32, #tpu.memory_space<hbm>>
        %dma_start3A_79 = arith.constant 40 : i32
        %dma_start3A_80 = arith.constant 0 : i32
        %dma_start3A_81 = tpu.memref_slice %arg4[%arg1, %dma_start3A_79, %dma_start3A_80] : memref<16x80x128xi32, #tpu.memory_space<hbm>> -> memref<1x40x128xi32, #tpu.memory_space<hbm>>
        %dma_start3A_82 = tpu.memref_squeeze %dma_start3A_81 : memref<1x40x128xi32, #tpu.memory_space<hbm>> -> memref<40x128xi32, #tpu.memory_space<hbm>>
        tpu.enqueue_dma source(%dma_start3A_82 : memref<40x128xi32, #tpu.memory_space<hbm>>) target(%arg8 : memref<40x128xi32, #tpu.memory_space<vmem>>) target_semaphore(%run_scoped3A : memref<!tpu.dma_semaphore, #tpu.memory_space<semaphore_mem>>)
        %dma_wait3A = arith.constant 40 : i32
        %dma_wait3A_83 = arith.constant 0 : i32
        %dma_wait3A_84 = tpu.memref_slice %arg4[%arg1, %dma_wait3A, %dma_wait3A_83] : memref<16x80x128xi32, #tpu.memory_space<hbm>> -> memref<1x40x128xi32, #tpu.memory_space<hbm>>
        %dma_wait3A_85 = tpu.memref_squeeze %dma_wait3A_84 : memref<1x40x128xi32, #tpu.memory_space<hbm>> -> memref<40x128xi32, #tpu.memory_space<hbm>>
        %dma_wait3A_86 = arith.constant 40 : i32
        %dma_wait3A_87 = arith.constant 0 : i32
        %dma_wait3A_88 = tpu.memref_slice %arg4[%arg1, %dma_wait3A_86, %dma_wait3A_87] : memref<16x80x128xi32, #tpu.memory_space<hbm>> -> memref<1x40x128xi32, #tpu.memory_space<hbm>>
        %dma_wait3A_89 = tpu.memref_squeeze %dma_wait3A_88 : memref<1x40x128xi32, #tpu.memory_space<hbm>> -> memref<40x128xi32, #tpu.memory_space<hbm>>
        tpu.wait_dma2 semaphore(%run_scoped3A : memref<!tpu.dma_semaphore, #tpu.memory_space<semaphore_mem>>) src(%dma_wait3A_89 : memref<40x128xi32, #tpu.memory_space<hbm>>) dst(%arg8 : memref<40x128xi32, #tpu.memory_space<vmem>>)
        tpu.yield
      }) : () -> ()
      "tpu.region"() ({
        %run_scoped3A = tpu.sem_alloc : memref<!tpu.dma_semaphore, #tpu.memory_space<semaphore_mem>>
        %dma_start3A_75 = arith.constant 40 : i32
        %dma_start3A_76 = arith.constant 0 : i32
        %dma_start3A_77 = tpu.memref_slice %arg5[%arg1, %dma_start3A_75, %dma_start3A_76] : memref<16x80x128xi32, #tpu.memory_space<hbm>> -> memref<1x40x128xi32, #tpu.memory_space<hbm>>
        %dma_start3A_78 = tpu.memref_squeeze %dma_start3A_77 : memref<1x40x128xi32, #tpu.memory_space<hbm>> -> memref<40x128xi32, #tpu.memory_space<hbm>>
        %dma_start3A_79 = arith.constant 40 : i32
        %dma_start3A_80 = arith.constant 0 : i32
        %dma_start3A_81 = tpu.memref_slice %arg5[%arg1, %dma_start3A_79, %dma_start3A_80] : memref<16x80x128xi32, #tpu.memory_space<hbm>> -> memref<1x40x128xi32, #tpu.memory_space<hbm>>
        %dma_start3A_82 = tpu.memref_squeeze %dma_start3A_81 : memref<1x40x128xi32, #tpu.memory_space<hbm>> -> memref<40x128xi32, #tpu.memory_space<hbm>>
        tpu.enqueue_dma source(%dma_start3A_82 : memref<40x128xi32, #tpu.memory_space<hbm>>) target(%arg9 : memref<40x128xi32, #tpu.memory_space<vmem>>) target_semaphore(%run_scoped3A : memref<!tpu.dma_semaphore, #tpu.memory_space<semaphore_mem>>)
        %dma_wait3A = arith.constant 40 : i32
        %dma_wait3A_83 = arith.constant 0 : i32
        %dma_wait3A_84 = tpu.memref_slice %arg5[%arg1, %dma_wait3A, %dma_wait3A_83] : memref<16x80x128xi32, #tpu.memory_space<hbm>> -> memref<1x40x128xi32, #tpu.memory_space<hbm>>
        %dma_wait3A_85 = tpu.memref_squeeze %dma_wait3A_84 : memref<1x40x128xi32, #tpu.memory_space<hbm>> -> memref<40x128xi32, #tpu.memory_space<hbm>>
        %dma_wait3A_86 = arith.constant 40 : i32
        %dma_wait3A_87 = arith.constant 0 : i32
        %dma_wait3A_88 = tpu.memref_slice %arg5[%arg1, %dma_wait3A_86, %dma_wait3A_87] : memref<16x80x128xi32, #tpu.memory_space<hbm>> -> memref<1x40x128xi32, #tpu.memory_space<hbm>>
        %dma_wait3A_89 = tpu.memref_squeeze %dma_wait3A_88 : memref<1x40x128xi32, #tpu.memory_space<hbm>> -> memref<40x128xi32, #tpu.memory_space<hbm>>
        tpu.wait_dma2 semaphore(%run_scoped3A : memref<!tpu.dma_semaphore, #tpu.memory_space<semaphore_mem>>) src(%dma_wait3A_89 : memref<40x128xi32, #tpu.memory_space<hbm>>) dst(%arg9 : memref<40x128xi32, #tpu.memory_space<vmem>>)
        tpu.yield
      }) : () -> ()
      %dma_start3A_39 = arith.constant 0 : i32
      %dma_start3A_40 = arith.constant 0 : i32
      %dma_start3A_41 = arith.constant 0 : i32
      %dma_start3A_42 = arith.constant 0 : i32
      %dma_start3A_43 = tpu.memref_slice %arg10[%dma_start3A_40, %dma_start3A_41, %dma_start3A_42] : memref<2x128x128xf32, #tpu.memory_space<vmem>> -> memref<1x128x128xf32, #tpu.memory_space<vmem>>
      %dma_start3A_44 = tpu.memref_squeeze %dma_start3A_43 : memref<1x128x128xf32, #tpu.memory_space<vmem>> -> memref<128x128xf32, #tpu.memory_space<vmem>>
      %dma_start3A_45 = arith.constant 0 : i32
      %dma_start3A_46 = tpu.memref_slice %arg8[%dma_start3A_39, %dma_start3A_45] : memref<40x128xi32, #tpu.memory_space<vmem>> -> memref<1x128xi32, #tpu.memory_space<vmem>>
      %dma_start3A_47 = tpu.memref_squeeze %dma_start3A_46 : memref<1x128xi32, #tpu.memory_space<vmem>> -> memref<128xi32, #tpu.memory_space<vmem>>
      %dma_start3A_48 = arith.constant 0 : i32
      %dma_start3A_49 = arith.constant 0 : i32
      %dma_start3A_50 = tpu.memref_slice %arg3[%dma_start3A_48, %dma_start3A_49] : memref<10240x128xf32, #tpu.memory_space<hbm>> -> memref<10240x128xf32, #tpu.memory_space<hbm>>
      tpu.enqueue_indirect_dma source(%dma_start3A_50 : memref<10240x128xf32, #tpu.memory_space<hbm>>) target(%dma_start3A_44 : memref<128x128xf32, #tpu.memory_space<vmem>>) offsets(%dma_start3A_47 : memref<128xi32, #tpu.memory_space<vmem>>) semaphore(%arg12 : memref<!tpu.dma_semaphore, #tpu.memory_space<semaphore_mem>>)
      %dma_start3A_51 = arith.constant 1 : i32
      %dma_start3A_52 = arith.constant 1 : i32
      %dma_start3A_53 = arith.constant 0 : i32
      %dma_start3A_54 = arith.constant 0 : i32
      %dma_start3A_55 = tpu.memref_slice %arg10[%dma_start3A_52, %dma_start3A_53, %dma_start3A_54] : memref<2x128x128xf32, #tpu.memory_space<vmem>> -> memref<1x128x128xf32, #tpu.memory_space<vmem>>
      %dma_start3A_56 = tpu.memref_squeeze %dma_start3A_55 : memref<1x128x128xf32, #tpu.memory_space<vmem>> -> memref<128x128xf32, #tpu.memory_space<vmem>>
      %dma_start3A_57 = arith.constant 0 : i32
      %dma_start3A_58 = tpu.memref_slice %arg8[%dma_start3A_51, %dma_start3A_57] : memref<40x128xi32, #tpu.memory_space<vmem>> -> memref<1x128xi32, #tpu.memory_space<vmem>>
      %dma_start3A_59 = tpu.memref_squeeze %dma_start3A_58 : memref<1x128xi32, #tpu.memory_space<vmem>> -> memref<128xi32, #tpu.memory_space<vmem>>
      %dma_start3A_60 = arith.constant 0 : i32
      %dma_start3A_61 = arith.constant 0 : i32
      %dma_start3A_62 = tpu.memref_slice %arg3[%dma_start3A_60, %dma_start3A_61] : memref<10240x128xf32, #tpu.memory_space<hbm>> -> memref<10240x128xf32, #tpu.memory_space<hbm>>
      tpu.enqueue_indirect_dma source(%dma_start3A_62 : memref<10240x128xf32, #tpu.memory_space<hbm>>) target(%dma_start3A_56 : memref<128x128xf32, #tpu.memory_space<vmem>>) offsets(%dma_start3A_59 : memref<128xi32, #tpu.memory_space<vmem>>) semaphore(%arg13 : memref<!tpu.dma_semaphore, #tpu.memory_space<semaphore_mem>>)
      %scan3A_63 = arith.constant 0 : i32
      %scan3A_64 = arith.constant 0 : i32
      %scan3A_65 = arith.constant 20 : i32
      %scan3A_66 = arith.addi %scan3A_64, %scan3A_65 : i32
      %scan3A_67 = arith.constant 1 : i32
      %scan3A_68 = scf.for %scan3A_75 = %scan3A_64 to %scan3A_66 step %scan3A_67 iter_args(%scan3A_76 = %scan3A_63) -> (i32)  : i32 {
        %mul3A_77 = arith.constant 2 : i32
        %mul3A_78 = arith.muli %scan3A_75, %mul3A_77 : i32
        %dma_wait3A = arith.constant 0 : i32
        %dma_wait3A_79 = arith.constant 0 : i32
        %dma_wait3A_80 = arith.constant 0 : i32
        %dma_wait3A_81 = tpu.memref_slice %arg10[%dma_wait3A, %dma_wait3A_79, %dma_wait3A_80] : memref<2x128x128xf32, #tpu.memory_space<vmem>> -> memref<1x128x128xf32, #tpu.memory_space<vmem>>
        %dma_wait3A_82 = tpu.memref_squeeze %dma_wait3A_81 : memref<1x128x128xf32, #tpu.memory_space<vmem>> -> memref<128x128xf32, #tpu.memory_space<vmem>>
        %dma_wait3A_83 = arith.constant 0 : i32
        %dma_wait3A_84 = arith.constant 0 : i32
        %dma_wait3A_85 = tpu.memref_slice %arg3[%dma_wait3A_83, %dma_wait3A_84] : memref<10240x128xf32, #tpu.memory_space<hbm>> -> memref<128x128xf32, #tpu.memory_space<hbm>>
        %dma_wait3A_86 = arith.constant 0 : i32
        %dma_wait3A_87 = arith.constant 0 : i32
        %dma_wait3A_88 = tpu.memref_slice %arg10[%dma_wait3A, %dma_wait3A_86, %dma_wait3A_87] : memref<2x128x128xf32, #tpu.memory_space<vmem>> -> memref<1x128x128xf32, #tpu.memory_space<vmem>>
        %dma_wait3A_89 = tpu.memref_squeeze %dma_wait3A_88 : memref<1x128x128xf32, #tpu.memory_space<vmem>> -> memref<128x128xf32, #tpu.memory_space<vmem>>
        %dma_wait3A_90 = arith.constant 0 : i32
        %dma_wait3A_91 = arith.constant 0 : i32
        %dma_wait3A_92 = tpu.memref_slice %arg3[%dma_wait3A_90, %dma_wait3A_91] : memref<10240x128xf32, #tpu.memory_space<hbm>> -> memref<128x128xf32, #tpu.memory_space<hbm>>
        tpu.wait_dma2 semaphore(%arg12 : memref<!tpu.dma_semaphore, #tpu.memory_space<semaphore_mem>>) src(%dma_wait3A_92 : memref<128x128xf32, #tpu.memory_space<hbm>>) dst(%dma_wait3A_89 : memref<128x128xf32, #tpu.memory_space<vmem>>)
        %add3A = arith.constant 0 : i32
        %add3A_93 = arith.addi %mul3A_78, %add3A : i32
        %run_scoped3A = arith.constant 0 : i32
        "tpu.region"() ({
          %run_scoped3A_130 = tpu.sem_alloc : memref<!tpu.dma_semaphore, #tpu.memory_space<semaphore_mem>>
          %dma_start3A_131 = arith.constant 0 : i32
          %dma_start3A_132 = arith.constant 0 : i32
          %dma_start3A_133 = tpu.memref_slice %arg10[%run_scoped3A, %dma_start3A_131, %dma_start3A_132] : memref<2x128x128xf32, #tpu.memory_space<vmem>> -> memref<1x128x128xf32, #tpu.memory_space<vmem>>
          %dma_start3A_134 = tpu.memref_squeeze %dma_start3A_133 : memref<1x128x128xf32, #tpu.memory_space<vmem>> -> memref<128x128xf32, #tpu.memory_space<vmem>>
          %dma_start3A_135 = arith.constant 0 : i32
          %dma_start3A_136 = tpu.memref_slice %arg9[%add3A_93, %dma_start3A_135] : memref<40x128xi32, #tpu.memory_space<vmem>> -> memref<1x128xi32, #tpu.memory_space<vmem>>
          %dma_start3A_137 = tpu.memref_squeeze %dma_start3A_136 : memref<1x128xi32, #tpu.memory_space<vmem>> -> memref<128xi32, #tpu.memory_space<vmem>>
          %dma_start3A_138 = arith.constant 0 : i32
          %dma_start3A_139 = arith.constant 0 : i32
          %dma_start3A_140 = tpu.memref_slice %arg11[%dma_start3A_138, %dma_start3A_139] : memref<10240x128xf32, #tpu.memory_space<vmem_shared>> -> memref<10240x128xf32, #tpu.memory_space<vmem_shared>>
          tpu.enqueue_indirect_dma source(%dma_start3A_134 : memref<128x128xf32, #tpu.memory_space<vmem>>) target(%dma_start3A_140 : memref<10240x128xf32, #tpu.memory_space<vmem_shared>>) offsets(%dma_start3A_137 : memref<128xi32, #tpu.memory_space<vmem>>) semaphore(%run_scoped3A_130 : memref<!tpu.dma_semaphore, #tpu.memory_space<semaphore_mem>>) {add = true}
          %dma_wait3A_141 = arith.constant 0 : i32
          %dma_wait3A_142 = arith.constant 0 : i32
          %dma_wait3A_143 = tpu.memref_slice %arg10[%run_scoped3A, %dma_wait3A_141, %dma_wait3A_142] : memref<2x128x128xf32, #tpu.memory_space<vmem>> -> memref<1x128x128xf32, #tpu.memory_space<vmem>>
          %dma_wait3A_144 = tpu.memref_squeeze %dma_wait3A_143 : memref<1x128x128xf32, #tpu.memory_space<vmem>> -> memref<128x128xf32, #tpu.memory_space<vmem>>
          %dma_wait3A_145 = arith.constant 0 : i32
          %dma_wait3A_146 = tpu.memref_slice %arg9[%add3A_93, %dma_wait3A_145] : memref<40x128xi32, #tpu.memory_space<vmem>> -> memref<1x128xi32, #tpu.memory_space<vmem>>
          %dma_wait3A_147 = tpu.memref_squeeze %dma_wait3A_146 : memref<1x128xi32, #tpu.memory_space<vmem>> -> memref<128xi32, #tpu.memory_space<vmem>>
          %dma_wait3A_148 = arith.constant 0 : i32
          %dma_wait3A_149 = arith.constant 0 : i32
          %dma_wait3A_150 = tpu.memref_slice %arg11[%dma_wait3A_148, %dma_wait3A_149] : memref<10240x128xf32, #tpu.memory_space<vmem_shared>> -> memref<10240x128xf32, #tpu.memory_space<vmem_shared>>
          tpu.wait_indirect_dma semaphore(%run_scoped3A_130 : memref<!tpu.dma_semaphore, #tpu.memory_space<semaphore_mem>>) src(%dma_wait3A_144 : memref<128x128xf32, #tpu.memory_space<vmem>>) dst(%dma_wait3A_150 : memref<10240x128xf32, #tpu.memory_space<vmem_shared>>)
          tpu.yield
        }) : () -> ()
        %add3A_94 = arith.constant 0 : i32
        %add3A_95 = arith.addi %mul3A_78, %add3A_94 : i32
        %add3A_96 = arith.constant 2 : i32
        %add3A_97 = arith.addi %add3A_95, %add3A_96 : i32
        %lt3A = arith.constant 40 : i32
        %lt3A_98 = arith.cmpi slt, %add3A_97, %lt3A : i32
        %convert_element_type3A_99 = arith.extui %lt3A_98 : i1 to i32
        %cond3A_100 = arith.constant 0 : i32
        %cond3A_101 = arith.cmpi ne, %convert_element_type3A_99, %cond3A_100 : i32
        scf.if %cond3A_101 {
          %add3A_130 = arith.constant 0 : i32
          %add3A_131 = arith.addi %mul3A_78, %add3A_130 : i32
          %add3A_132 = arith.constant 2 : i32
          %add3A_133 = arith.addi %add3A_131, %add3A_132 : i32
          %dma_start3A_134 = arith.constant 0 : i32
          %dma_start3A_135 = arith.constant 0 : i32
          %dma_start3A_136 = arith.constant 0 : i32
          %dma_start3A_137 = tpu.memref_slice %arg10[%dma_start3A_134, %dma_start3A_135, %dma_start3A_136] : memref<2x128x128xf32, #tpu.memory_space<vmem>> -> memref<1x128x128xf32, #tpu.memory_space<vmem>>
          %dma_start3A_138 = tpu.memref_squeeze %dma_start3A_137 : memref<1x128x128xf32, #tpu.memory_space<vmem>> -> memref<128x128xf32, #tpu.memory_space<vmem>>
          %dma_start3A_139 = arith.constant 0 : i32
          %dma_start3A_140 = tpu.memref_slice %arg8[%add3A_133, %dma_start3A_139] : memref<40x128xi32, #tpu.memory_space<vmem>> -> memref<1x128xi32, #tpu.memory_space<vmem>>
          %dma_start3A_141 = tpu.memref_squeeze %dma_start3A_140 : memref<1x128xi32, #tpu.memory_space<vmem>> -> memref<128xi32, #tpu.memory_space<vmem>>
          %dma_start3A_142 = arith.constant 0 : i32
          %dma_start3A_143 = arith.constant 0 : i32
          %dma_start3A_144 = tpu.memref_slice %arg3[%dma_start3A_142, %dma_start3A_143] : memref<10240x128xf32, #tpu.memory_space<hbm>> -> memref<10240x128xf32, #tpu.memory_space<hbm>>
          tpu.enqueue_indirect_dma source(%dma_start3A_144 : memref<10240x128xf32, #tpu.memory_space<hbm>>) target(%dma_start3A_138 : memref<128x128xf32, #tpu.memory_space<vmem>>) offsets(%dma_start3A_141 : memref<128xi32, #tpu.memory_space<vmem>>) semaphore(%arg12 : memref<!tpu.dma_semaphore, #tpu.memory_space<semaphore_mem>>)
        } else {
        }
        %dma_wait3A_102 = arith.constant 1 : i32
        %dma_wait3A_103 = arith.constant 0 : i32
        %dma_wait3A_104 = arith.constant 0 : i32
        %dma_wait3A_105 = tpu.memref_slice %arg10[%dma_wait3A_102, %dma_wait3A_103, %dma_wait3A_104] : memref<2x128x128xf32, #tpu.memory_space<vmem>> -> memref<1x128x128xf32, #tpu.memory_space<vmem>>
        %dma_wait3A_106 = tpu.memref_squeeze %dma_wait3A_105 : memref<1x128x128xf32, #tpu.memory_space<vmem>> -> memref<128x128xf32, #tpu.memory_space<vmem>>
        %dma_wait3A_107 = arith.constant 0 : i32
        %dma_wait3A_108 = arith.constant 0 : i32
        %dma_wait3A_109 = tpu.memref_slice %arg3[%dma_wait3A_107, %dma_wait3A_108] : memref<10240x128xf32, #tpu.memory_space<hbm>> -> memref<128x128xf32, #tpu.memory_space<hbm>>
        %dma_wait3A_110 = arith.constant 0 : i32
        %dma_wait3A_111 = arith.constant 0 : i32
        %dma_wait3A_112 = tpu.memref_slice %arg10[%dma_wait3A_102, %dma_wait3A_110, %dma_wait3A_111] : memref<2x128x128xf32, #tpu.memory_space<vmem>> -> memref<1x128x128xf32, #tpu.memory_space<vmem>>
        %dma_wait3A_113 = tpu.memref_squeeze %dma_wait3A_112 : memref<1x128x128xf32, #tpu.memory_space<vmem>> -> memref<128x128xf32, #tpu.memory_space<vmem>>
        %dma_wait3A_114 = arith.constant 0 : i32
        %dma_wait3A_115 = arith.constant 0 : i32
        %dma_wait3A_116 = tpu.memref_slice %arg3[%dma_wait3A_114, %dma_wait3A_115] : memref<10240x128xf32, #tpu.memory_space<hbm>> -> memref<128x128xf32, #tpu.memory_space<hbm>>
        tpu.wait_dma2 semaphore(%arg13 : memref<!tpu.dma_semaphore, #tpu.memory_space<semaphore_mem>>) src(%dma_wait3A_116 : memref<128x128xf32, #tpu.memory_space<hbm>>) dst(%dma_wait3A_113 : memref<128x128xf32, #tpu.memory_space<vmem>>)
        %add3A_117 = arith.constant 1 : i32
        %add3A_118 = arith.addi %mul3A_78, %add3A_117 : i32
        %run_scoped3A_119 = arith.constant 1 : i32
        "tpu.region"() ({
          %run_scoped3A_130 = tpu.sem_alloc : memref<!tpu.dma_semaphore, #tpu.memory_space<semaphore_mem>>
          %dma_start3A_131 = arith.constant 0 : i32
          %dma_start3A_132 = arith.constant 0 : i32
          %dma_start3A_133 = tpu.memref_slice %arg10[%run_scoped3A_119, %dma_start3A_131, %dma_start3A_132] : memref<2x128x128xf32, #tpu.memory_space<vmem>> -> memref<1x128x128xf32, #tpu.memory_space<vmem>>
          %dma_start3A_134 = tpu.memref_squeeze %dma_start3A_133 : memref<1x128x128xf32, #tpu.memory_space<vmem>> -> memref<128x128xf32, #tpu.memory_space<vmem>>
          %dma_start3A_135 = arith.constant 0 : i32
          %dma_start3A_136 = tpu.memref_slice %arg9[%add3A_118, %dma_start3A_135] : memref<40x128xi32, #tpu.memory_space<vmem>> -> memref<1x128xi32, #tpu.memory_space<vmem>>
          %dma_start3A_137 = tpu.memref_squeeze %dma_start3A_136 : memref<1x128xi32, #tpu.memory_space<vmem>> -> memref<128xi32, #tpu.memory_space<vmem>>
          %dma_start3A_138 = arith.constant 0 : i32
          %dma_start3A_139 = arith.constant 0 : i32
          %dma_start3A_140 = tpu.memref_slice %arg11[%dma_start3A_138, %dma_start3A_139] : memref<10240x128xf32, #tpu.memory_space<vmem_shared>> -> memref<10240x128xf32, #tpu.memory_space<vmem_shared>>
          tpu.enqueue_indirect_dma source(%dma_start3A_134 : memref<128x128xf32, #tpu.memory_space<vmem>>) target(%dma_start3A_140 : memref<10240x128xf32, #tpu.memory_space<vmem_shared>>) offsets(%dma_start3A_137 : memref<128xi32, #tpu.memory_space<vmem>>) semaphore(%run_scoped3A_130 : memref<!tpu.dma_semaphore, #tpu.memory_space<semaphore_mem>>) {add = true}
          %dma_wait3A_141 = arith.constant 0 : i32
          %dma_wait3A_142 = arith.constant 0 : i32
          %dma_wait3A_143 = tpu.memref_slice %arg10[%run_scoped3A_119, %dma_wait3A_141, %dma_wait3A_142] : memref<2x128x128xf32, #tpu.memory_space<vmem>> -> memref<1x128x128xf32, #tpu.memory_space<vmem>>
          %dma_wait3A_144 = tpu.memref_squeeze %dma_wait3A_143 : memref<1x128x128xf32, #tpu.memory_space<vmem>> -> memref<128x128xf32, #tpu.memory_space<vmem>>
          %dma_wait3A_145 = arith.constant 0 : i32
          %dma_wait3A_146 = tpu.memref_slice %arg9[%add3A_118, %dma_wait3A_145] : memref<40x128xi32, #tpu.memory_space<vmem>> -> memref<1x128xi32, #tpu.memory_space<vmem>>
          %dma_wait3A_147 = tpu.memref_squeeze %dma_wait3A_146 : memref<1x128xi32, #tpu.memory_space<vmem>> -> memref<128xi32, #tpu.memory_space<vmem>>
          %dma_wait3A_148 = arith.constant 0 : i32
          %dma_wait3A_149 = arith.constant 0 : i32
          %dma_wait3A_150 = tpu.memref_slice %arg11[%dma_wait3A_148, %dma_wait3A_149] : memref<10240x128xf32, #tpu.memory_space<vmem_shared>> -> memref<10240x128xf32, #tpu.memory_space<vmem_shared>>
          tpu.wait_indirect_dma semaphore(%run_scoped3A_130 : memref<!tpu.dma_semaphore, #tpu.memory_space<semaphore_mem>>) src(%dma_wait3A_144 : memref<128x128xf32, #tpu.memory_space<vmem>>) dst(%dma_wait3A_150 : memref<10240x128xf32, #tpu.memory_space<vmem_shared>>)
          tpu.yield
        }) : () -> ()
        %add3A_120 = arith.constant 1 : i32
        %add3A_121 = arith.addi %mul3A_78, %add3A_120 : i32
        %add3A_122 = arith.constant 2 : i32
        %add3A_123 = arith.addi %add3A_121, %add3A_122 : i32
        %lt3A_124 = arith.constant 40 : i32
        %lt3A_125 = arith.cmpi slt, %add3A_123, %lt3A_124 : i32
        %convert_element_type3A_126 = arith.extui %lt3A_125 : i1 to i32
        %cond3A_127 = arith.constant 0 : i32
        %cond3A_128 = arith.cmpi ne, %convert_element_type3A_126, %cond3A_127 : i32
        scf.if %cond3A_128 {
          %add3A_130 = arith.constant 1 : i32
          %add3A_131 = arith.addi %mul3A_78, %add3A_130 : i32
          %add3A_132 = arith.constant 2 : i32
          %add3A_133 = arith.addi %add3A_131, %add3A_132 : i32
          %dma_start3A_134 = arith.constant 1 : i32
          %dma_start3A_135 = arith.constant 0 : i32
          %dma_start3A_136 = arith.constant 0 : i32
          %dma_start3A_137 = tpu.memref_slice %arg10[%dma_start3A_134, %dma_start3A_135, %dma_start3A_136] : memref<2x128x128xf32, #tpu.memory_space<vmem>> -> memref<1x128x128xf32, #tpu.memory_space<vmem>>
          %dma_start3A_138 = tpu.memref_squeeze %dma_start3A_137 : memref<1x128x128xf32, #tpu.memory_space<vmem>> -> memref<128x128xf32, #tpu.memory_space<vmem>>
          %dma_start3A_139 = arith.constant 0 : i32
          %dma_start3A_140 = tpu.memref_slice %arg8[%add3A_133, %dma_start3A_139] : memref<40x128xi32, #tpu.memory_space<vmem>> -> memref<1x128xi32, #tpu.memory_space<vmem>>
          %dma_start3A_141 = tpu.memref_squeeze %dma_start3A_140 : memref<1x128xi32, #tpu.memory_space<vmem>> -> memref<128xi32, #tpu.memory_space<vmem>>
          %dma_start3A_142 = arith.constant 0 : i32
          %dma_start3A_143 = arith.constant 0 : i32
          %dma_start3A_144 = tpu.memref_slice %arg3[%dma_start3A_142, %dma_start3A_143] : memref<10240x128xf32, #tpu.memory_space<hbm>> -> memref<10240x128xf32, #tpu.memory_space<hbm>>
          tpu.enqueue_indirect_dma source(%dma_start3A_144 : memref<10240x128xf32, #tpu.memory_space<hbm>>) target(%dma_start3A_138 : memref<128x128xf32, #tpu.memory_space<vmem>>) offsets(%dma_start3A_141 : memref<128xi32, #tpu.memory_space<vmem>>) semaphore(%arg13 : memref<!tpu.dma_semaphore, #tpu.memory_space<semaphore_mem>>)
        } else {
        }
        %scan3A_129 = arith.constant 0 : i32
        scf.yield %scan3A_129 : i32
      }
      %scan3A_69 = arith.constant 20 : i32
      %barrier3A_70 = arith.constant 0 : index
      tpu.barrier barrier_id(%barrier3A_70)
      %mul3A_71 = arith.constant 640 : i32
      %mul3A_72 = arith.muli %arg1, %mul3A_71 : i32
      %mul3A_73 = arith.constant 640 : i32
      %mul3A_74 = arith.muli %arg1, %mul3A_73 : i32
      "tpu.region"() ({
        %run_scoped3A = tpu.sem_alloc : memref<!tpu.dma_semaphore, #tpu.memory_space<semaphore_mem>>
        %dma_start3A_75 = arith.constant 0 : i32
        %dma_start3A_76 = tpu.memref_slice %arg7[%mul3A_74, %dma_start3A_75] : memref<10240x128xf32, #tpu.memory_space<hbm>> -> memref<640x128xf32, #tpu.memory_space<hbm>>
        %dma_start3A_77 = arith.constant 0 : i32
        %dma_start3A_78 = tpu.memref_slice %arg11[%mul3A_72, %dma_start3A_77] : memref<10240x128xf32, #tpu.memory_space<vmem_shared>> -> memref<640x128xf32, #tpu.memory_space<vmem_shared>>
        tpu.enqueue_dma source(%dma_start3A_78 : memref<640x128xf32, #tpu.memory_space<vmem_shared>>) target(%dma_start3A_76 : memref<640x128xf32, #tpu.memory_space<hbm>>) target_semaphore(%run_scoped3A : memref<!tpu.dma_semaphore, #tpu.memory_space<semaphore_mem>>)
        %dma_wait3A = arith.constant 0 : i32
        %dma_wait3A_79 = tpu.memref_slice %arg7[%mul3A_74, %dma_wait3A] : memref<10240x128xf32, #tpu.memory_space<hbm>> -> memref<640x128xf32, #tpu.memory_space<hbm>>
        %dma_wait3A_80 = arith.constant 0 : i32
        %dma_wait3A_81 = tpu.memref_slice %arg11[%mul3A_72, %dma_wait3A_80] : memref<10240x128xf32, #tpu.memory_space<vmem_shared>> -> memref<640x128xf32, #tpu.memory_space<vmem_shared>>
        tpu.wait_dma2 semaphore(%run_scoped3A : memref<!tpu.dma_semaphore, #tpu.memory_space<semaphore_mem>>) src(%dma_wait3A_81 : memref<640x128xf32, #tpu.memory_space<vmem_shared>>) dst(%dma_wait3A_79 : memref<640x128xf32, #tpu.memory_space<hbm>>)
        tpu.yield
      }) : () -> ()
    } else {
    }
    return
  }
}

#map = affine_map<(d0, d1) -> (0, 0)>
#map1 = affine_map<(d0, d1) -> (0, 0, 0)>
module attributes {stable_mosaic.version = 14 : i64} {
  func.func @_agg_body(%arg0: i32, %arg1: i32, %arg2: memref<10240x128xf32, #tpu.memory_space<hbm>>, %arg3: memref<10240x128xf32, #tpu.memory_space<hbm>>, %arg4: memref<16x80x128xi32, #tpu.memory_space<hbm>>, %arg5: memref<16x80x128xi32, #tpu.memory_space<hbm>>, %arg6: memref<10240x128xf32, #tpu.memory_space<hbm>>, %arg7: memref<10240x128xf32, #tpu.memory_space<hbm>>, %arg8: memref<40x128xi32, #tpu.memory_space<vmem>>, %arg9: memref<40x128xi32, #tpu.memory_space<vmem>>, %arg10: memref<2x128x128xf32, #tpu.memory_space<vmem>>, %arg11: memref<10240x128xf32, #tpu.memory_space<vmem_shared>>, %arg12: memref<!tpu.dma_semaphore, #tpu.memory_space<semaphore_mem>>, %arg13: memref<!tpu.dma_semaphore, #tpu.memory_space<semaphore_mem>>) attributes {dimension_semantics = [#tpu.dimension_semantics<core_parallel>, #tpu.dimension_semantics<subcore_parallel>], iteration_bounds = array<i64: 2, 16>, scalar_prefetch = 0 : i64, scratch_operands = 6 : i64, tpu.core_type = #tpu.core_type<sc_vector_subcore>, window_params = [{transform_indices = #map}, {transform_indices = #map}, {transform_indices = #map1}, {transform_indices = #map1}, {transform_indices = #map}, {transform_indices = #map}]} {
    %eq3A = arith.constant 0 : i32
    %eq3A_0 = arith.cmpi eq, %arg0, %eq3A : i32
    %convert_element_type3A = arith.extui %eq3A_0 : i1 to i32
    %cond3A = arith.constant 0 : i32
    %cond3A_1 = arith.cmpi ne, %convert_element_type3A, %cond3A : i32
    scf.if %cond3A_1 {
      %mul3A = arith.constant 640 : i32
      %mul3A_7 = arith.muli %arg1, %mul3A : i32
      %mul3A_8 = arith.constant 640 : i32
      %mul3A_9 = arith.muli %arg1, %mul3A_8 : i32
      "tpu.region"() ({
        %run_scoped3A = tpu.sem_alloc : memref<!tpu.dma_semaphore, #tpu.memory_space<semaphore_mem>>
        %dma_start3A_75 = arith.constant 0 : i32
        %dma_start3A_76 = tpu.memref_slice %arg11[%mul3A_9, %dma_start3A_75] : memref<10240x128xf32, #tpu.memory_space<vmem_shared>> -> memref<640x128xf32, #tpu.memory_space<vmem_shared>>
        %dma_start3A_77 = arith.constant 0 : i32
        %dma_start3A_78 = tpu.memref_slice %arg2[%mul3A_7, %dma_start3A_77] : memref<10240x128xf32, #tpu.memory_space<hbm>> -> memref<640x128xf32, #tpu.memory_space<hbm>>
        tpu.enqueue_dma source(%dma_start3A_78 : memref<640x128xf32, #tpu.memory_space<hbm>>) target(%dma_start3A_76 : memref<640x128xf32, #tpu.memory_space<vmem_shared>>) target_semaphore(%run_scoped3A : memref<!tpu.dma_semaphore, #tpu.memory_space<semaphore_mem>>)
        %dma_wait3A = arith.constant 0 : i32
        %dma_wait3A_79 = tpu.memref_slice %arg11[%mul3A_9, %dma_wait3A] : memref<10240x128xf32, #tpu.memory_space<vmem_shared>> -> memref<640x128xf32, #tpu.memory_space<vmem_shared>>
        %dma_wait3A_80 = arith.constant 0 : i32
        %dma_wait3A_81 = tpu.memref_slice %arg2[%mul3A_7, %dma_wait3A_80] : memref<10240x128xf32, #tpu.memory_space<hbm>> -> memref<640x128xf32, #tpu.memory_space<hbm>>
        tpu.wait_dma2 semaphore(%run_scoped3A : memref<!tpu.dma_semaphore, #tpu.memory_space<semaphore_mem>>) src(%dma_wait3A_81 : memref<640x128xf32, #tpu.memory_space<hbm>>) dst(%dma_wait3A_79 : memref<640x128xf32, #tpu.memory_space<vmem_shared>>)
        tpu.yield
      }) : () -> ()
      %barrier3A = arith.constant 0 : index
      tpu.barrier barrier_id(%barrier3A)
      "tpu.region"() ({
        %run_scoped3A = tpu.sem_alloc : memref<!tpu.dma_semaphore, #tpu.memory_space<semaphore_mem>>
        %dma_start3A_75 = arith.constant 0 : i32
        %dma_start3A_76 = arith.constant 0 : i32
        %dma_start3A_77 = tpu.memref_slice %arg4[%arg1, %dma_start3A_75, %dma_start3A_76] : memref<16x80x128xi32, #tpu.memory_space<hbm>> -> memref<1x40x128xi32, #tpu.memory_space<hbm>>
        %dma_start3A_78 = tpu.memref_squeeze %dma_start3A_77 : memref<1x40x128xi32, #tpu.memory_space<hbm>> -> memref<40x128xi32, #tpu.memory_space<hbm>>
        %dma_start3A_79 = arith.constant 0 : i32
        %dma_start3A_80 = arith.constant 0 : i32
        %dma_start3A_81 = tpu.memref_slice %arg4[%arg1, %dma_start3A_79, %dma_start3A_80] : memref<16x80x128xi32, #tpu.memory_space<hbm>> -> memref<1x40x128xi32, #tpu.memory_space<hbm>>
        %dma_start3A_82 = tpu.memref_squeeze %dma_start3A_81 : memref<1x40x128xi32, #tpu.memory_space<hbm>> -> memref<40x128xi32, #tpu.memory_space<hbm>>
        tpu.enqueue_dma source(%dma_start3A_82 : memref<40x128xi32, #tpu.memory_space<hbm>>) target(%arg8 : memref<40x128xi32, #tpu.memory_space<vmem>>) target_semaphore(%run_scoped3A : memref<!tpu.dma_semaphore, #tpu.memory_space<semaphore_mem>>)
        %dma_wait3A = arith.constant 0 : i32
        %dma_wait3A_83 = arith.constant 0 : i32
        %dma_wait3A_84 = tpu.memref_slice %arg4[%arg1, %dma_wait3A, %dma_wait3A_83] : memref<16x80x128xi32, #tpu.memory_space<hbm>> -> memref<1x40x128xi32, #tpu.memory_space<hbm>>
        %dma_wait3A_85 = tpu.memref_squeeze %dma_wait3A_84 : memref<1x40x128xi32, #tpu.memory_space<hbm>> -> memref<40x128xi32, #tpu.memory_space<hbm>>
        %dma_wait3A_86 = arith.constant 0 : i32
        %dma_wait3A_87 = arith.constant 0 : i32
        %dma_wait3A_88 = tpu.memref_slice %arg4[%arg1, %dma_wait3A_86, %dma_wait3A_87] : memref<16x80x128xi32, #tpu.memory_space<hbm>> -> memref<1x40x128xi32, #tpu.memory_space<hbm>>
        %dma_wait3A_89 = tpu.memref_squeeze %dma_wait3A_88 : memref<1x40x128xi32, #tpu.memory_space<hbm>> -> memref<40x128xi32, #tpu.memory_space<hbm>>
        tpu.wait_dma2 semaphore(%run_scoped3A : memref<!tpu.dma_semaphore, #tpu.memory_space<semaphore_mem>>) src(%dma_wait3A_89 : memref<40x128xi32, #tpu.memory_space<hbm>>) dst(%arg8 : memref<40x128xi32, #tpu.memory_space<vmem>>)
        tpu.yield
      }) : () -> ()
      "tpu.region"() ({
        %run_scoped3A = tpu.sem_alloc : memref<!tpu.dma_semaphore, #tpu.memory_space<semaphore_mem>>
        %dma_start3A_75 = arith.constant 0 : i32
        %dma_start3A_76 = arith.constant 0 : i32
        %dma_start3A_77 = tpu.memref_slice %arg5[%arg1, %dma_start3A_75, %dma_start3A_76] : memref<16x80x128xi32, #tpu.memory_space<hbm>> -> memref<1x40x128xi32, #tpu.memory_space<hbm>>
        %dma_start3A_78 = tpu.memref_squeeze %dma_start3A_77 : memref<1x40x128xi32, #tpu.memory_space<hbm>> -> memref<40x128xi32, #tpu.memory_space<hbm>>
        %dma_start3A_79 = arith.constant 0 : i32
        %dma_start3A_80 = arith.constant 0 : i32
        %dma_start3A_81 = tpu.memref_slice %arg5[%arg1, %dma_start3A_79, %dma_start3A_80] : memref<16x80x128xi32, #tpu.memory_space<hbm>> -> memref<1x40x128xi32, #tpu.memory_space<hbm>>
        %dma_start3A_82 = tpu.memref_squeeze %dma_start3A_81 : memref<1x40x128xi32, #tpu.memory_space<hbm>> -> memref<40x128xi32, #tpu.memory_space<hbm>>
        tpu.enqueue_dma source(%dma_start3A_82 : memref<40x128xi32, #tpu.memory_space<hbm>>) target(%arg9 : memref<40x128xi32, #tpu.memory_space<vmem>>) target_semaphore(%run_scoped3A : memref<!tpu.dma_semaphore, #tpu.memory_space<semaphore_mem>>)
        %dma_wait3A = arith.constant 0 : i32
        %dma_wait3A_83 = arith.constant 0 : i32
        %dma_wait3A_84 = tpu.memref_slice %arg5[%arg1, %dma_wait3A, %dma_wait3A_83] : memref<16x80x128xi32, #tpu.memory_space<hbm>> -> memref<1x40x128xi32, #tpu.memory_space<hbm>>
        %dma_wait3A_85 = tpu.memref_squeeze %dma_wait3A_84 : memref<1x40x128xi32, #tpu.memory_space<hbm>> -> memref<40x128xi32, #tpu.memory_space<hbm>>
        %dma_wait3A_86 = arith.constant 0 : i32
        %dma_wait3A_87 = arith.constant 0 : i32
        %dma_wait3A_88 = tpu.memref_slice %arg5[%arg1, %dma_wait3A_86, %dma_wait3A_87] : memref<16x80x128xi32, #tpu.memory_space<hbm>> -> memref<1x40x128xi32, #tpu.memory_space<hbm>>
        %dma_wait3A_89 = tpu.memref_squeeze %dma_wait3A_88 : memref<1x40x128xi32, #tpu.memory_space<hbm>> -> memref<40x128xi32, #tpu.memory_space<hbm>>
        tpu.wait_dma2 semaphore(%run_scoped3A : memref<!tpu.dma_semaphore, #tpu.memory_space<semaphore_mem>>) src(%dma_wait3A_89 : memref<40x128xi32, #tpu.memory_space<hbm>>) dst(%arg9 : memref<40x128xi32, #tpu.memory_space<vmem>>)
        tpu.yield
      }) : () -> ()
      %dma_start3A = arith.constant 0 : i32
      %dma_start3A_10 = arith.constant 0 : i32
      %dma_start3A_11 = arith.constant 0 : i32
      %dma_start3A_12 = arith.constant 0 : i32
      %dma_start3A_13 = tpu.memref_slice %arg10[%dma_start3A_10, %dma_start3A_11, %dma_start3A_12] : memref<2x128x128xf32, #tpu.memory_space<vmem>> -> memref<1x128x128xf32, #tpu.memory_space<vmem>>
      %dma_start3A_14 = tpu.memref_squeeze %dma_start3A_13 : memref<1x128x128xf32, #tpu.memory_space<vmem>> -> memref<128x128xf32, #tpu.memory_space<vmem>>
      %dma_start3A_15 = arith.constant 0 : i32
      %dma_start3A_16 = tpu.memref_slice %arg8[%dma_start3A, %dma_start3A_15] : memref<40x128xi32, #tpu.memory_space<vmem>> -> memref<1x128xi32, #tpu.memory_space<vmem>>
      %dma_start3A_17 = tpu.memref_squeeze %dma_start3A_16 : memref<1x128xi32, #tpu.memory_space<vmem>> -> memref<128xi32, #tpu.memory_space<vmem>>
      %dma_start3A_18 = arith.constant 0 : i32
      %dma_start3A_19 = arith.constant 0 : i32
      %dma_start3A_20 = tpu.memref_slice %arg2[%dma_start3A_18, %dma_start3A_19] : memref<10240x128xf32, #tpu.memory_space<hbm>> -> memref<10240x128xf32, #tpu.memory_space<hbm>>
      tpu.enqueue_indirect_dma source(%dma_start3A_20 : memref<10240x128xf32, #tpu.memory_space<hbm>>) target(%dma_start3A_14 : memref<128x128xf32, #tpu.memory_space<vmem>>) offsets(%dma_start3A_17 : memref<128xi32, #tpu.memory_space<vmem>>) semaphore(%arg12 : memref<!tpu.dma_semaphore, #tpu.memory_space<semaphore_mem>>)
      %dma_start3A_21 = arith.constant 1 : i32
      %dma_start3A_22 = arith.constant 1 : i32
      %dma_start3A_23 = arith.constant 0 : i32
      %dma_start3A_24 = arith.constant 0 : i32
      %dma_start3A_25 = tpu.memref_slice %arg10[%dma_start3A_22, %dma_start3A_23, %dma_start3A_24] : memref<2x128x128xf32, #tpu.memory_space<vmem>> -> memref<1x128x128xf32, #tpu.memory_space<vmem>>
      %dma_start3A_26 = tpu.memref_squeeze %dma_start3A_25 : memref<1x128x128xf32, #tpu.memory_space<vmem>> -> memref<128x128xf32, #tpu.memory_space<vmem>>
      %dma_start3A_27 = arith.constant 0 : i32
      %dma_start3A_28 = tpu.memref_slice %arg8[%dma_start3A_21, %dma_start3A_27] : memref<40x128xi32, #tpu.memory_space<vmem>> -> memref<1x128xi32, #tpu.memory_space<vmem>>
      %dma_start3A_29 = tpu.memref_squeeze %dma_start3A_28 : memref<1x128xi32, #tpu.memory_space<vmem>> -> memref<128xi32, #tpu.memory_space<vmem>>
      %dma_start3A_30 = arith.constant 0 : i32
      %dma_start3A_31 = arith.constant 0 : i32
      %dma_start3A_32 = tpu.memref_slice %arg2[%dma_start3A_30, %dma_start3A_31] : memref<10240x128xf32, #tpu.memory_space<hbm>> -> memref<10240x128xf32, #tpu.memory_space<hbm>>
      tpu.enqueue_indirect_dma source(%dma_start3A_32 : memref<10240x128xf32, #tpu.memory_space<hbm>>) target(%dma_start3A_26 : memref<128x128xf32, #tpu.memory_space<vmem>>) offsets(%dma_start3A_29 : memref<128xi32, #tpu.memory_space<vmem>>) semaphore(%arg13 : memref<!tpu.dma_semaphore, #tpu.memory_space<semaphore_mem>>)
      %scan3A = arith.constant 0 : i32
      %scan3A_33 = arith.constant 0 : i32
      %scan3A_34 = arith.constant 20 : i32
      %scan3A_35 = arith.addi %scan3A_33, %scan3A_34 : i32
      %scan3A_36 = arith.constant 1 : i32
      %scan3A_37 = scf.for %scan3A_75 = %scan3A_33 to %scan3A_35 step %scan3A_36 iter_args(%scan3A_76 = %scan3A) -> (i32)  : i32 {
        %mul3A_77 = arith.constant 2 : i32
        %mul3A_78 = arith.muli %scan3A_75, %mul3A_77 : i32
        %dma_wait3A = arith.constant 0 : i32
        %dma_wait3A_79 = arith.constant 0 : i32
        %dma_wait3A_80 = arith.constant 0 : i32
        %dma_wait3A_81 = tpu.memref_slice %arg10[%dma_wait3A, %dma_wait3A_79, %dma_wait3A_80] : memref<2x128x128xf32, #tpu.memory_space<vmem>> -> memref<1x128x128xf32, #tpu.memory_space<vmem>>
        %dma_wait3A_82 = tpu.memref_squeeze %dma_wait3A_81 : memref<1x128x128xf32, #tpu.memory_space<vmem>> -> memref<128x128xf32, #tpu.memory_space<vmem>>
        %dma_wait3A_83 = arith.constant 0 : i32
        %dma_wait3A_84 = arith.constant 0 : i32
        %dma_wait3A_85 = tpu.memref_slice %arg2[%dma_wait3A_83, %dma_wait3A_84] : memref<10240x128xf32, #tpu.memory_space<hbm>> -> memref<128x128xf32, #tpu.memory_space<hbm>>
        %dma_wait3A_86 = arith.constant 0 : i32
        %dma_wait3A_87 = arith.constant 0 : i32
        %dma_wait3A_88 = tpu.memref_slice %arg10[%dma_wait3A, %dma_wait3A_86, %dma_wait3A_87] : memref<2x128x128xf32, #tpu.memory_space<vmem>> -> memref<1x128x128xf32, #tpu.memory_space<vmem>>
        %dma_wait3A_89 = tpu.memref_squeeze %dma_wait3A_88 : memref<1x128x128xf32, #tpu.memory_space<vmem>> -> memref<128x128xf32, #tpu.memory_space<vmem>>
        %dma_wait3A_90 = arith.constant 0 : i32
        %dma_wait3A_91 = arith.constant 0 : i32
        %dma_wait3A_92 = tpu.memref_slice %arg2[%dma_wait3A_90, %dma_wait3A_91] : memref<10240x128xf32, #tpu.memory_space<hbm>> -> memref<128x128xf32, #tpu.memory_space<hbm>>
        tpu.wait_dma2 semaphore(%arg12 : memref<!tpu.dma_semaphore, #tpu.memory_space<semaphore_mem>>) src(%dma_wait3A_92 : memref<128x128xf32, #tpu.memory_space<hbm>>) dst(%dma_wait3A_89 : memref<128x128xf32, #tpu.memory_space<vmem>>)
        %add3A = arith.constant 0 : i32
        %add3A_93 = arith.addi %mul3A_78, %add3A : i32
        %run_scoped3A = arith.constant 0 : i32
        "tpu.region"() ({
          %run_scoped3A_130 = tpu.sem_alloc : memref<!tpu.dma_semaphore, #tpu.memory_space<semaphore_mem>>
          %dma_start3A_131 = arith.constant 0 : i32
          %dma_start3A_132 = arith.constant 0 : i32
          %dma_start3A_133 = tpu.memref_slice %arg10[%run_scoped3A, %dma_start3A_131, %dma_start3A_132] : memref<2x128x128xf32, #tpu.memory_space<vmem>> -> memref<1x128x128xf32, #tpu.memory_space<vmem>>
          %dma_start3A_134 = tpu.memref_squeeze %dma_start3A_133 : memref<1x128x128xf32, #tpu.memory_space<vmem>> -> memref<128x128xf32, #tpu.memory_space<vmem>>
          %dma_start3A_135 = arith.constant 0 : i32
          %dma_start3A_136 = tpu.memref_slice %arg9[%add3A_93, %dma_start3A_135] : memref<40x128xi32, #tpu.memory_space<vmem>> -> memref<1x128xi32, #tpu.memory_space<vmem>>
          %dma_start3A_137 = tpu.memref_squeeze %dma_start3A_136 : memref<1x128xi32, #tpu.memory_space<vmem>> -> memref<128xi32, #tpu.memory_space<vmem>>
          %dma_start3A_138 = arith.constant 0 : i32
          %dma_start3A_139 = arith.constant 0 : i32
          %dma_start3A_140 = tpu.memref_slice %arg11[%dma_start3A_138, %dma_start3A_139] : memref<10240x128xf32, #tpu.memory_space<vmem_shared>> -> memref<10240x128xf32, #tpu.memory_space<vmem_shared>>
          tpu.enqueue_indirect_dma source(%dma_start3A_134 : memref<128x128xf32, #tpu.memory_space<vmem>>) target(%dma_start3A_140 : memref<10240x128xf32, #tpu.memory_space<vmem_shared>>) offsets(%dma_start3A_137 : memref<128xi32, #tpu.memory_space<vmem>>) semaphore(%run_scoped3A_130 : memref<!tpu.dma_semaphore, #tpu.memory_space<semaphore_mem>>) {add = true}
          %dma_wait3A_141 = arith.constant 0 : i32
          %dma_wait3A_142 = arith.constant 0 : i32
          %dma_wait3A_143 = tpu.memref_slice %arg10[%run_scoped3A, %dma_wait3A_141, %dma_wait3A_142] : memref<2x128x128xf32, #tpu.memory_space<vmem>> -> memref<1x128x128xf32, #tpu.memory_space<vmem>>
          %dma_wait3A_144 = tpu.memref_squeeze %dma_wait3A_143 : memref<1x128x128xf32, #tpu.memory_space<vmem>> -> memref<128x128xf32, #tpu.memory_space<vmem>>
          %dma_wait3A_145 = arith.constant 0 : i32
          %dma_wait3A_146 = tpu.memref_slice %arg9[%add3A_93, %dma_wait3A_145] : memref<40x128xi32, #tpu.memory_space<vmem>> -> memref<1x128xi32, #tpu.memory_space<vmem>>
          %dma_wait3A_147 = tpu.memref_squeeze %dma_wait3A_146 : memref<1x128xi32, #tpu.memory_space<vmem>> -> memref<128xi32, #tpu.memory_space<vmem>>
          %dma_wait3A_148 = arith.constant 0 : i32
          %dma_wait3A_149 = arith.constant 0 : i32
          %dma_wait3A_150 = tpu.memref_slice %arg11[%dma_wait3A_148, %dma_wait3A_149] : memref<10240x128xf32, #tpu.memory_space<vmem_shared>> -> memref<10240x128xf32, #tpu.memory_space<vmem_shared>>
          tpu.wait_indirect_dma semaphore(%run_scoped3A_130 : memref<!tpu.dma_semaphore, #tpu.memory_space<semaphore_mem>>) src(%dma_wait3A_144 : memref<128x128xf32, #tpu.memory_space<vmem>>) dst(%dma_wait3A_150 : memref<10240x128xf32, #tpu.memory_space<vmem_shared>>)
          tpu.yield
        }) : () -> ()
        %add3A_94 = arith.constant 0 : i32
        %add3A_95 = arith.addi %mul3A_78, %add3A_94 : i32
        %add3A_96 = arith.constant 2 : i32
        %add3A_97 = arith.addi %add3A_95, %add3A_96 : i32
        %lt3A = arith.constant 40 : i32
        %lt3A_98 = arith.cmpi slt, %add3A_97, %lt3A : i32
        %convert_element_type3A_99 = arith.extui %lt3A_98 : i1 to i32
        %cond3A_100 = arith.constant 0 : i32
        %cond3A_101 = arith.cmpi ne, %convert_element_type3A_99, %cond3A_100 : i32
        scf.if %cond3A_101 {
          %add3A_130 = arith.constant 0 : i32
          %add3A_131 = arith.addi %mul3A_78, %add3A_130 : i32
          %add3A_132 = arith.constant 2 : i32
          %add3A_133 = arith.addi %add3A_131, %add3A_132 : i32
          %dma_start3A_134 = arith.constant 0 : i32
          %dma_start3A_135 = arith.constant 0 : i32
          %dma_start3A_136 = arith.constant 0 : i32
          %dma_start3A_137 = tpu.memref_slice %arg10[%dma_start3A_134, %dma_start3A_135, %dma_start3A_136] : memref<2x128x128xf32, #tpu.memory_space<vmem>> -> memref<1x128x128xf32, #tpu.memory_space<vmem>>
          %dma_start3A_138 = tpu.memref_squeeze %dma_start3A_137 : memref<1x128x128xf32, #tpu.memory_space<vmem>> -> memref<128x128xf32, #tpu.memory_space<vmem>>
          %dma_start3A_139 = arith.constant 0 : i32
          %dma_start3A_140 = tpu.memref_slice %arg8[%add3A_133, %dma_start3A_139] : memref<40x128xi32, #tpu.memory_space<vmem>> -> memref<1x128xi32, #tpu.memory_space<vmem>>
          %dma_start3A_141 = tpu.memref_squeeze %dma_start3A_140 : memref<1x128xi32, #tpu.memory_space<vmem>> -> memref<128xi32, #tpu.memory_space<vmem>>
          %dma_start3A_142 = arith.constant 0 : i32
          %dma_start3A_143 = arith.constant 0 : i32
          %dma_start3A_144 = tpu.memref_slice %arg2[%dma_start3A_142, %dma_start3A_143] : memref<10240x128xf32, #tpu.memory_space<hbm>> -> memref<10240x128xf32, #tpu.memory_space<hbm>>
          tpu.enqueue_indirect_dma source(%dma_start3A_144 : memref<10240x128xf32, #tpu.memory_space<hbm>>) target(%dma_start3A_138 : memref<128x128xf32, #tpu.memory_space<vmem>>) offsets(%dma_start3A_141 : memref<128xi32, #tpu.memory_space<vmem>>) semaphore(%arg12 : memref<!tpu.dma_semaphore, #tpu.memory_space<semaphore_mem>>)
        } else {
        }
        %dma_wait3A_102 = arith.constant 1 : i32
        %dma_wait3A_103 = arith.constant 0 : i32
        %dma_wait3A_104 = arith.constant 0 : i32
        %dma_wait3A_105 = tpu.memref_slice %arg10[%dma_wait3A_102, %dma_wait3A_103, %dma_wait3A_104] : memref<2x128x128xf32, #tpu.memory_space<vmem>> -> memref<1x128x128xf32, #tpu.memory_space<vmem>>
        %dma_wait3A_106 = tpu.memref_squeeze %dma_wait3A_105 : memref<1x128x128xf32, #tpu.memory_space<vmem>> -> memref<128x128xf32, #tpu.memory_space<vmem>>
        %dma_wait3A_107 = arith.constant 0 : i32
        %dma_wait3A_108 = arith.constant 0 : i32
        %dma_wait3A_109 = tpu.memref_slice %arg2[%dma_wait3A_107, %dma_wait3A_108] : memref<10240x128xf32, #tpu.memory_space<hbm>> -> memref<128x128xf32, #tpu.memory_space<hbm>>
        %dma_wait3A_110 = arith.constant 0 : i32
        %dma_wait3A_111 = arith.constant 0 : i32
        %dma_wait3A_112 = tpu.memref_slice %arg10[%dma_wait3A_102, %dma_wait3A_110, %dma_wait3A_111] : memref<2x128x128xf32, #tpu.memory_space<vmem>> -> memref<1x128x128xf32, #tpu.memory_space<vmem>>
        %dma_wait3A_113 = tpu.memref_squeeze %dma_wait3A_112 : memref<1x128x128xf32, #tpu.memory_space<vmem>> -> memref<128x128xf32, #tpu.memory_space<vmem>>
        %dma_wait3A_114 = arith.constant 0 : i32
        %dma_wait3A_115 = arith.constant 0 : i32
        %dma_wait3A_116 = tpu.memref_slice %arg2[%dma_wait3A_114, %dma_wait3A_115] : memref<10240x128xf32, #tpu.memory_space<hbm>> -> memref<128x128xf32, #tpu.memory_space<hbm>>
        tpu.wait_dma2 semaphore(%arg13 : memref<!tpu.dma_semaphore, #tpu.memory_space<semaphore_mem>>) src(%dma_wait3A_116 : memref<128x128xf32, #tpu.memory_space<hbm>>) dst(%dma_wait3A_113 : memref<128x128xf32, #tpu.memory_space<vmem>>)
        %add3A_117 = arith.constant 1 : i32
        %add3A_118 = arith.addi %mul3A_78, %add3A_117 : i32
        %run_scoped3A_119 = arith.constant 1 : i32
        "tpu.region"() ({
          %run_scoped3A_130 = tpu.sem_alloc : memref<!tpu.dma_semaphore, #tpu.memory_space<semaphore_mem>>
          %dma_start3A_131 = arith.constant 0 : i32
          %dma_start3A_132 = arith.constant 0 : i32
          %dma_start3A_133 = tpu.memref_slice %arg10[%run_scoped3A_119, %dma_start3A_131, %dma_start3A_132] : memref<2x128x128xf32, #tpu.memory_space<vmem>> -> memref<1x128x128xf32, #tpu.memory_space<vmem>>
          %dma_start3A_134 = tpu.memref_squeeze %dma_start3A_133 : memref<1x128x128xf32, #tpu.memory_space<vmem>> -> memref<128x128xf32, #tpu.memory_space<vmem>>
          %dma_start3A_135 = arith.constant 0 : i32
          %dma_start3A_136 = tpu.memref_slice %arg9[%add3A_118, %dma_start3A_135] : memref<40x128xi32, #tpu.memory_space<vmem>> -> memref<1x128xi32, #tpu.memory_space<vmem>>
          %dma_start3A_137 = tpu.memref_squeeze %dma_start3A_136 : memref<1x128xi32, #tpu.memory_space<vmem>> -> memref<128xi32, #tpu.memory_space<vmem>>
          %dma_start3A_138 = arith.constant 0 : i32
          %dma_start3A_139 = arith.constant 0 : i32
          %dma_start3A_140 = tpu.memref_slice %arg11[%dma_start3A_138, %dma_start3A_139] : memref<10240x128xf32, #tpu.memory_space<vmem_shared>> -> memref<10240x128xf32, #tpu.memory_space<vmem_shared>>
          tpu.enqueue_indirect_dma source(%dma_start3A_134 : memref<128x128xf32, #tpu.memory_space<vmem>>) target(%dma_start3A_140 : memref<10240x128xf32, #tpu.memory_space<vmem_shared>>) offsets(%dma_start3A_137 : memref<128xi32, #tpu.memory_space<vmem>>) semaphore(%run_scoped3A_130 : memref<!tpu.dma_semaphore, #tpu.memory_space<semaphore_mem>>) {add = true}
          %dma_wait3A_141 = arith.constant 0 : i32
          %dma_wait3A_142 = arith.constant 0 : i32
          %dma_wait3A_143 = tpu.memref_slice %arg10[%run_scoped3A_119, %dma_wait3A_141, %dma_wait3A_142] : memref<2x128x128xf32, #tpu.memory_space<vmem>> -> memref<1x128x128xf32, #tpu.memory_space<vmem>>
          %dma_wait3A_144 = tpu.memref_squeeze %dma_wait3A_143 : memref<1x128x128xf32, #tpu.memory_space<vmem>> -> memref<128x128xf32, #tpu.memory_space<vmem>>
          %dma_wait3A_145 = arith.constant 0 : i32
          %dma_wait3A_146 = tpu.memref_slice %arg9[%add3A_118, %dma_wait3A_145] : memref<40x128xi32, #tpu.memory_space<vmem>> -> memref<1x128xi32, #tpu.memory_space<vmem>>
          %dma_wait3A_147 = tpu.memref_squeeze %dma_wait3A_146 : memref<1x128xi32, #tpu.memory_space<vmem>> -> memref<128xi32, #tpu.memory_space<vmem>>
          %dma_wait3A_148 = arith.constant 0 : i32
          %dma_wait3A_149 = arith.constant 0 : i32
          %dma_wait3A_150 = tpu.memref_slice %arg11[%dma_wait3A_148, %dma_wait3A_149] : memref<10240x128xf32, #tpu.memory_space<vmem_shared>> -> memref<10240x128xf32, #tpu.memory_space<vmem_shared>>
          tpu.wait_indirect_dma semaphore(%run_scoped3A_130 : memref<!tpu.dma_semaphore, #tpu.memory_space<semaphore_mem>>) src(%dma_wait3A_144 : memref<128x128xf32, #tpu.memory_space<vmem>>) dst(%dma_wait3A_150 : memref<10240x128xf32, #tpu.memory_space<vmem_shared>>)
          tpu.yield
        }) : () -> ()
        %add3A_120 = arith.constant 1 : i32
        %add3A_121 = arith.addi %mul3A_78, %add3A_120 : i32
        %add3A_122 = arith.constant 2 : i32
        %add3A_123 = arith.addi %add3A_121, %add3A_122 : i32
        %lt3A_124 = arith.constant 40 : i32
        %lt3A_125 = arith.cmpi slt, %add3A_123, %lt3A_124 : i32
        %convert_element_type3A_126 = arith.extui %lt3A_125 : i1 to i32
        %cond3A_127 = arith.constant 0 : i32
        %cond3A_128 = arith.cmpi ne, %convert_element_type3A_126, %cond3A_127 : i32
        scf.if %cond3A_128 {
          %add3A_130 = arith.constant 1 : i32
          %add3A_131 = arith.addi %mul3A_78, %add3A_130 : i32
          %add3A_132 = arith.constant 2 : i32
          %add3A_133 = arith.addi %add3A_131, %add3A_132 : i32
          %dma_start3A_134 = arith.constant 1 : i32
          %dma_start3A_135 = arith.constant 0 : i32
          %dma_start3A_136 = arith.constant 0 : i32
          %dma_start3A_137 = tpu.memref_slice %arg10[%dma_start3A_134, %dma_start3A_135, %dma_start3A_136] : memref<2x128x128xf32, #tpu.memory_space<vmem>> -> memref<1x128x128xf32, #tpu.memory_space<vmem>>
          %dma_start3A_138 = tpu.memref_squeeze %dma_start3A_137 : memref<1x128x128xf32, #tpu.memory_space<vmem>> -> memref<128x128xf32, #tpu.memory_space<vmem>>
          %dma_start3A_139 = arith.constant 0 : i32
          %dma_start3A_140 = tpu.memref_slice %arg8[%add3A_133, %dma_start3A_139] : memref<40x128xi32, #tpu.memory_space<vmem>> -> memref<1x128xi32, #tpu.memory_space<vmem>>
          %dma_start3A_141 = tpu.memref_squeeze %dma_start3A_140 : memref<1x128xi32, #tpu.memory_space<vmem>> -> memref<128xi32, #tpu.memory_space<vmem>>
          %dma_start3A_142 = arith.constant 0 : i32
          %dma_start3A_143 = arith.constant 0 : i32
          %dma_start3A_144 = tpu.memref_slice %arg2[%dma_start3A_142, %dma_start3A_143] : memref<10240x128xf32, #tpu.memory_space<hbm>> -> memref<10240x128xf32, #tpu.memory_space<hbm>>
          tpu.enqueue_indirect_dma source(%dma_start3A_144 : memref<10240x128xf32, #tpu.memory_space<hbm>>) target(%dma_start3A_138 : memref<128x128xf32, #tpu.memory_space<vmem>>) offsets(%dma_start3A_141 : memref<128xi32, #tpu.memory_space<vmem>>) semaphore(%arg13 : memref<!tpu.dma_semaphore, #tpu.memory_space<semaphore_mem>>)
        } else {
        }
        %scan3A_129 = arith.constant 0 : i32
        scf.yield %scan3A_129 : i32
      }
      %scan3A_38 = arith.constant 20 : i32
      "tpu.region"() ({
        %run_scoped3A = tpu.sem_alloc : memref<!tpu.dma_semaphore, #tpu.memory_space<semaphore_mem>>
        %dma_start3A_75 = arith.constant 40 : i32
        %dma_start3A_76 = arith.constant 0 : i32
        %dma_start3A_77 = tpu.memref_slice %arg4[%arg1, %dma_start3A_75, %dma_start3A_76] : memref<16x80x128xi32, #tpu.memory_space<hbm>> -> memref<1x40x128xi32, #tpu.memory_space<hbm>>
        %dma_start3A_78 = tpu.memref_squeeze %dma_start3A_77 : memref<1x40x128xi32, #tpu.memory_space<hbm>> -> memref<40x128xi32, #tpu.memory_space<hbm>>
        %dma_start3A_79 = arith.constant 40 : i32
        %dma_start3A_80 = arith.constant 0 : i32
        %dma_start3A_81 = tpu.memref_slice %arg4[%arg1, %dma_start3A_79, %dma_start3A_80] : memref<16x80x128xi32, #tpu.memory_space<hbm>> -> memref<1x40x128xi32, #tpu.memory_space<hbm>>
        %dma_start3A_82 = tpu.memref_squeeze %dma_start3A_81 : memref<1x40x128xi32, #tpu.memory_space<hbm>> -> memref<40x128xi32, #tpu.memory_space<hbm>>
        tpu.enqueue_dma source(%dma_start3A_82 : memref<40x128xi32, #tpu.memory_space<hbm>>) target(%arg8 : memref<40x128xi32, #tpu.memory_space<vmem>>) target_semaphore(%run_scoped3A : memref<!tpu.dma_semaphore, #tpu.memory_space<semaphore_mem>>)
        %dma_wait3A = arith.constant 40 : i32
        %dma_wait3A_83 = arith.constant 0 : i32
        %dma_wait3A_84 = tpu.memref_slice %arg4[%arg1, %dma_wait3A, %dma_wait3A_83] : memref<16x80x128xi32, #tpu.memory_space<hbm>> -> memref<1x40x128xi32, #tpu.memory_space<hbm>>
        %dma_wait3A_85 = tpu.memref_squeeze %dma_wait3A_84 : memref<1x40x128xi32, #tpu.memory_space<hbm>> -> memref<40x128xi32, #tpu.memory_space<hbm>>
        %dma_wait3A_86 = arith.constant 40 : i32
        %dma_wait3A_87 = arith.constant 0 : i32
        %dma_wait3A_88 = tpu.memref_slice %arg4[%arg1, %dma_wait3A_86, %dma_wait3A_87] : memref<16x80x128xi32, #tpu.memory_space<hbm>> -> memref<1x40x128xi32, #tpu.memory_space<hbm>>
        %dma_wait3A_89 = tpu.memref_squeeze %dma_wait3A_88 : memref<1x40x128xi32, #tpu.memory_space<hbm>> -> memref<40x128xi32, #tpu.memory_space<hbm>>
        tpu.wait_dma2 semaphore(%run_scoped3A : memref<!tpu.dma_semaphore, #tpu.memory_space<semaphore_mem>>) src(%dma_wait3A_89 : memref<40x128xi32, #tpu.memory_space<hbm>>) dst(%arg8 : memref<40x128xi32, #tpu.memory_space<vmem>>)
        tpu.yield
      }) : () -> ()
      "tpu.region"() ({
        %run_scoped3A = tpu.sem_alloc : memref<!tpu.dma_semaphore, #tpu.memory_space<semaphore_mem>>
        %dma_start3A_75 = arith.constant 40 : i32
        %dma_start3A_76 = arith.constant 0 : i32
        %dma_start3A_77 = tpu.memref_slice %arg5[%arg1, %dma_start3A_75, %dma_start3A_76] : memref<16x80x128xi32, #tpu.memory_space<hbm>> -> memref<1x40x128xi32, #tpu.memory_space<hbm>>
        %dma_start3A_78 = tpu.memref_squeeze %dma_start3A_77 : memref<1x40x128xi32, #tpu.memory_space<hbm>> -> memref<40x128xi32, #tpu.memory_space<hbm>>
        %dma_start3A_79 = arith.constant 40 : i32
        %dma_start3A_80 = arith.constant 0 : i32
        %dma_start3A_81 = tpu.memref_slice %arg5[%arg1, %dma_start3A_79, %dma_start3A_80] : memref<16x80x128xi32, #tpu.memory_space<hbm>> -> memref<1x40x128xi32, #tpu.memory_space<hbm>>
        %dma_start3A_82 = tpu.memref_squeeze %dma_start3A_81 : memref<1x40x128xi32, #tpu.memory_space<hbm>> -> memref<40x128xi32, #tpu.memory_space<hbm>>
        tpu.enqueue_dma source(%dma_start3A_82 : memref<40x128xi32, #tpu.memory_space<hbm>>) target(%arg9 : memref<40x128xi32, #tpu.memory_space<vmem>>) target_semaphore(%run_scoped3A : memref<!tpu.dma_semaphore, #tpu.memory_space<semaphore_mem>>)
        %dma_wait3A = arith.constant 40 : i32
        %dma_wait3A_83 = arith.constant 0 : i32
        %dma_wait3A_84 = tpu.memref_slice %arg5[%arg1, %dma_wait3A, %dma_wait3A_83] : memref<16x80x128xi32, #tpu.memory_space<hbm>> -> memref<1x40x128xi32, #tpu.memory_space<hbm>>
        %dma_wait3A_85 = tpu.memref_squeeze %dma_wait3A_84 : memref<1x40x128xi32, #tpu.memory_space<hbm>> -> memref<40x128xi32, #tpu.memory_space<hbm>>
        %dma_wait3A_86 = arith.constant 40 : i32
        %dma_wait3A_87 = arith.constant 0 : i32
        %dma_wait3A_88 = tpu.memref_slice %arg5[%arg1, %dma_wait3A_86, %dma_wait3A_87] : memref<16x80x128xi32, #tpu.memory_space<hbm>> -> memref<1x40x128xi32, #tpu.memory_space<hbm>>
        %dma_wait3A_89 = tpu.memref_squeeze %dma_wait3A_88 : memref<1x40x128xi32, #tpu.memory_space<hbm>> -> memref<40x128xi32, #tpu.memory_space<hbm>>
        tpu.wait_dma2 semaphore(%run_scoped3A : memref<!tpu.dma_semaphore, #tpu.memory_space<semaphore_mem>>) src(%dma_wait3A_89 : memref<40x128xi32, #tpu.memory_space<hbm>>) dst(%arg9 : memref<40x128xi32, #tpu.memory_space<vmem>>)
        tpu.yield
      }) : () -> ()
      %dma_start3A_39 = arith.constant 0 : i32
      %dma_start3A_40 = arith.constant 0 : i32
      %dma_start3A_41 = arith.constant 0 : i32
      %dma_start3A_42 = arith.constant 0 : i32
      %dma_start3A_43 = tpu.memref_slice %arg10[%dma_start3A_40, %dma_start3A_41, %dma_start3A_42] : memref<2x128x128xf32, #tpu.memory_space<vmem>> -> memref<1x128x128xf32, #tpu.memory_space<vmem>>
      %dma_start3A_44 = tpu.memref_squeeze %dma_start3A_43 : memref<1x128x128xf32, #tpu.memory_space<vmem>> -> memref<128x128xf32, #tpu.memory_space<vmem>>
      %dma_start3A_45 = arith.constant 0 : i32
      %dma_start3A_46 = tpu.memref_slice %arg8[%dma_start3A_39, %dma_start3A_45] : memref<40x128xi32, #tpu.memory_space<vmem>> -> memref<1x128xi32, #tpu.memory_space<vmem>>
      %dma_start3A_47 = tpu.memref_squeeze %dma_start3A_46 : memref<1x128xi32, #tpu.memory_space<vmem>> -> memref<128xi32, #tpu.memory_space<vmem>>
      %dma_start3A_48 = arith.constant 0 : i32
      %dma_start3A_49 = arith.constant 0 : i32
      %dma_start3A_50 = tpu.memref_slice %arg2[%dma_start3A_48, %dma_start3A_49] : memref<10240x128xf32, #tpu.memory_space<hbm>> -> memref<10240x128xf32, #tpu.memory_space<hbm>>
      tpu.enqueue_indirect_dma source(%dma_start3A_50 : memref<10240x128xf32, #tpu.memory_space<hbm>>) target(%dma_start3A_44 : memref<128x128xf32, #tpu.memory_space<vmem>>) offsets(%dma_start3A_47 : memref<128xi32, #tpu.memory_space<vmem>>) semaphore(%arg12 : memref<!tpu.dma_semaphore, #tpu.memory_space<semaphore_mem>>)
      %dma_start3A_51 = arith.constant 1 : i32
      %dma_start3A_52 = arith.constant 1 : i32
      %dma_start3A_53 = arith.constant 0 : i32
      %dma_start3A_54 = arith.constant 0 : i32
      %dma_start3A_55 = tpu.memref_slice %arg10[%dma_start3A_52, %dma_start3A_53, %dma_start3A_54] : memref<2x128x128xf32, #tpu.memory_space<vmem>> -> memref<1x128x128xf32, #tpu.memory_space<vmem>>
      %dma_start3A_56 = tpu.memref_squeeze %dma_start3A_55 : memref<1x128x128xf32, #tpu.memory_space<vmem>> -> memref<128x128xf32, #tpu.memory_space<vmem>>
      %dma_start3A_57 = arith.constant 0 : i32
      %dma_start3A_58 = tpu.memref_slice %arg8[%dma_start3A_51, %dma_start3A_57] : memref<40x128xi32, #tpu.memory_space<vmem>> -> memref<1x128xi32, #tpu.memory_space<vmem>>
      %dma_start3A_59 = tpu.memref_squeeze %dma_start3A_58 : memref<1x128xi32, #tpu.memory_space<vmem>> -> memref<128xi32, #tpu.memory_space<vmem>>
      %dma_start3A_60 = arith.constant 0 : i32
      %dma_start3A_61 = arith.constant 0 : i32
      %dma_start3A_62 = tpu.memref_slice %arg2[%dma_start3A_60, %dma_start3A_61] : memref<10240x128xf32, #tpu.memory_space<hbm>> -> memref<10240x128xf32, #tpu.memory_space<hbm>>
      tpu.enqueue_indirect_dma source(%dma_start3A_62 : memref<10240x128xf32, #tpu.memory_space<hbm>>) target(%dma_start3A_56 : memref<128x128xf32, #tpu.memory_space<vmem>>) offsets(%dma_start3A_59 : memref<128xi32, #tpu.memory_space<vmem>>) semaphore(%arg13 : memref<!tpu.dma_semaphore, #tpu.memory_space<semaphore_mem>>)
      %scan3A_63 = arith.constant 0 : i32
      %scan3A_64 = arith.constant 0 : i32
      %scan3A_65 = arith.constant 20 : i32
      %scan3A_66 = arith.addi %scan3A_64, %scan3A_65 : i32
      %scan3A_67 = arith.constant 1 : i32
      %scan3A_68 = scf.for %scan3A_75 = %scan3A_64 to %scan3A_66 step %scan3A_67 iter_args(%scan3A_76 = %scan3A_63) -> (i32)  : i32 {
        %mul3A_77 = arith.constant 2 : i32
        %mul3A_78 = arith.muli %scan3A_75, %mul3A_77 : i32
        %dma_wait3A = arith.constant 0 : i32
        %dma_wait3A_79 = arith.constant 0 : i32
        %dma_wait3A_80 = arith.constant 0 : i32
        %dma_wait3A_81 = tpu.memref_slice %arg10[%dma_wait3A, %dma_wait3A_79, %dma_wait3A_80] : memref<2x128x128xf32, #tpu.memory_space<vmem>> -> memref<1x128x128xf32, #tpu.memory_space<vmem>>
        %dma_wait3A_82 = tpu.memref_squeeze %dma_wait3A_81 : memref<1x128x128xf32, #tpu.memory_space<vmem>> -> memref<128x128xf32, #tpu.memory_space<vmem>>
        %dma_wait3A_83 = arith.constant 0 : i32
        %dma_wait3A_84 = arith.constant 0 : i32
        %dma_wait3A_85 = tpu.memref_slice %arg2[%dma_wait3A_83, %dma_wait3A_84] : memref<10240x128xf32, #tpu.memory_space<hbm>> -> memref<128x128xf32, #tpu.memory_space<hbm>>
        %dma_wait3A_86 = arith.constant 0 : i32
        %dma_wait3A_87 = arith.constant 0 : i32
        %dma_wait3A_88 = tpu.memref_slice %arg10[%dma_wait3A, %dma_wait3A_86, %dma_wait3A_87] : memref<2x128x128xf32, #tpu.memory_space<vmem>> -> memref<1x128x128xf32, #tpu.memory_space<vmem>>
        %dma_wait3A_89 = tpu.memref_squeeze %dma_wait3A_88 : memref<1x128x128xf32, #tpu.memory_space<vmem>> -> memref<128x128xf32, #tpu.memory_space<vmem>>
        %dma_wait3A_90 = arith.constant 0 : i32
        %dma_wait3A_91 = arith.constant 0 : i32
        %dma_wait3A_92 = tpu.memref_slice %arg2[%dma_wait3A_90, %dma_wait3A_91] : memref<10240x128xf32, #tpu.memory_space<hbm>> -> memref<128x128xf32, #tpu.memory_space<hbm>>
        tpu.wait_dma2 semaphore(%arg12 : memref<!tpu.dma_semaphore, #tpu.memory_space<semaphore_mem>>) src(%dma_wait3A_92 : memref<128x128xf32, #tpu.memory_space<hbm>>) dst(%dma_wait3A_89 : memref<128x128xf32, #tpu.memory_space<vmem>>)
        %add3A = arith.constant 0 : i32
        %add3A_93 = arith.addi %mul3A_78, %add3A : i32
        %run_scoped3A = arith.constant 0 : i32
        "tpu.region"() ({
          %run_scoped3A_130 = tpu.sem_alloc : memref<!tpu.dma_semaphore, #tpu.memory_space<semaphore_mem>>
          %dma_start3A_131 = arith.constant 0 : i32
          %dma_start3A_132 = arith.constant 0 : i32
          %dma_start3A_133 = tpu.memref_slice %arg10[%run_scoped3A, %dma_start3A_131, %dma_start3A_132] : memref<2x128x128xf32, #tpu.memory_space<vmem>> -> memref<1x128x128xf32, #tpu.memory_space<vmem>>
          %dma_start3A_134 = tpu.memref_squeeze %dma_start3A_133 : memref<1x128x128xf32, #tpu.memory_space<vmem>> -> memref<128x128xf32, #tpu.memory_space<vmem>>
          %dma_start3A_135 = arith.constant 0 : i32
          %dma_start3A_136 = tpu.memref_slice %arg9[%add3A_93, %dma_start3A_135] : memref<40x128xi32, #tpu.memory_space<vmem>> -> memref<1x128xi32, #tpu.memory_space<vmem>>
          %dma_start3A_137 = tpu.memref_squeeze %dma_start3A_136 : memref<1x128xi32, #tpu.memory_space<vmem>> -> memref<128xi32, #tpu.memory_space<vmem>>
          %dma_start3A_138 = arith.constant 0 : i32
          %dma_start3A_139 = arith.constant 0 : i32
          %dma_start3A_140 = tpu.memref_slice %arg11[%dma_start3A_138, %dma_start3A_139] : memref<10240x128xf32, #tpu.memory_space<vmem_shared>> -> memref<10240x128xf32, #tpu.memory_space<vmem_shared>>
          tpu.enqueue_indirect_dma source(%dma_start3A_134 : memref<128x128xf32, #tpu.memory_space<vmem>>) target(%dma_start3A_140 : memref<10240x128xf32, #tpu.memory_space<vmem_shared>>) offsets(%dma_start3A_137 : memref<128xi32, #tpu.memory_space<vmem>>) semaphore(%run_scoped3A_130 : memref<!tpu.dma_semaphore, #tpu.memory_space<semaphore_mem>>) {add = true}
          %dma_wait3A_141 = arith.constant 0 : i32
          %dma_wait3A_142 = arith.constant 0 : i32
          %dma_wait3A_143 = tpu.memref_slice %arg10[%run_scoped3A, %dma_wait3A_141, %dma_wait3A_142] : memref<2x128x128xf32, #tpu.memory_space<vmem>> -> memref<1x128x128xf32, #tpu.memory_space<vmem>>
          %dma_wait3A_144 = tpu.memref_squeeze %dma_wait3A_143 : memref<1x128x128xf32, #tpu.memory_space<vmem>> -> memref<128x128xf32, #tpu.memory_space<vmem>>
          %dma_wait3A_145 = arith.constant 0 : i32
          %dma_wait3A_146 = tpu.memref_slice %arg9[%add3A_93, %dma_wait3A_145] : memref<40x128xi32, #tpu.memory_space<vmem>> -> memref<1x128xi32, #tpu.memory_space<vmem>>
          %dma_wait3A_147 = tpu.memref_squeeze %dma_wait3A_146 : memref<1x128xi32, #tpu.memory_space<vmem>> -> memref<128xi32, #tpu.memory_space<vmem>>
          %dma_wait3A_148 = arith.constant 0 : i32
          %dma_wait3A_149 = arith.constant 0 : i32
          %dma_wait3A_150 = tpu.memref_slice %arg11[%dma_wait3A_148, %dma_wait3A_149] : memref<10240x128xf32, #tpu.memory_space<vmem_shared>> -> memref<10240x128xf32, #tpu.memory_space<vmem_shared>>
          tpu.wait_indirect_dma semaphore(%run_scoped3A_130 : memref<!tpu.dma_semaphore, #tpu.memory_space<semaphore_mem>>) src(%dma_wait3A_144 : memref<128x128xf32, #tpu.memory_space<vmem>>) dst(%dma_wait3A_150 : memref<10240x128xf32, #tpu.memory_space<vmem_shared>>)
          tpu.yield
        }) : () -> ()
        %add3A_94 = arith.constant 0 : i32
        %add3A_95 = arith.addi %mul3A_78, %add3A_94 : i32
        %add3A_96 = arith.constant 2 : i32
        %add3A_97 = arith.addi %add3A_95, %add3A_96 : i32
        %lt3A = arith.constant 40 : i32
        %lt3A_98 = arith.cmpi slt, %add3A_97, %lt3A : i32
        %convert_element_type3A_99 = arith.extui %lt3A_98 : i1 to i32
        %cond3A_100 = arith.constant 0 : i32
        %cond3A_101 = arith.cmpi ne, %convert_element_type3A_99, %cond3A_100 : i32
        scf.if %cond3A_101 {
          %add3A_130 = arith.constant 0 : i32
          %add3A_131 = arith.addi %mul3A_78, %add3A_130 : i32
          %add3A_132 = arith.constant 2 : i32
          %add3A_133 = arith.addi %add3A_131, %add3A_132 : i32
          %dma_start3A_134 = arith.constant 0 : i32
          %dma_start3A_135 = arith.constant 0 : i32
          %dma_start3A_136 = arith.constant 0 : i32
          %dma_start3A_137 = tpu.memref_slice %arg10[%dma_start3A_134, %dma_start3A_135, %dma_start3A_136] : memref<2x128x128xf32, #tpu.memory_space<vmem>> -> memref<1x128x128xf32, #tpu.memory_space<vmem>>
          %dma_start3A_138 = tpu.memref_squeeze %dma_start3A_137 : memref<1x128x128xf32, #tpu.memory_space<vmem>> -> memref<128x128xf32, #tpu.memory_space<vmem>>
          %dma_start3A_139 = arith.constant 0 : i32
          %dma_start3A_140 = tpu.memref_slice %arg8[%add3A_133, %dma_start3A_139] : memref<40x128xi32, #tpu.memory_space<vmem>> -> memref<1x128xi32, #tpu.memory_space<vmem>>
          %dma_start3A_141 = tpu.memref_squeeze %dma_start3A_140 : memref<1x128xi32, #tpu.memory_space<vmem>> -> memref<128xi32, #tpu.memory_space<vmem>>
          %dma_start3A_142 = arith.constant 0 : i32
          %dma_start3A_143 = arith.constant 0 : i32
          %dma_start3A_144 = tpu.memref_slice %arg2[%dma_start3A_142, %dma_start3A_143] : memref<10240x128xf32, #tpu.memory_space<hbm>> -> memref<10240x128xf32, #tpu.memory_space<hbm>>
          tpu.enqueue_indirect_dma source(%dma_start3A_144 : memref<10240x128xf32, #tpu.memory_space<hbm>>) target(%dma_start3A_138 : memref<128x128xf32, #tpu.memory_space<vmem>>) offsets(%dma_start3A_141 : memref<128xi32, #tpu.memory_space<vmem>>) semaphore(%arg12 : memref<!tpu.dma_semaphore, #tpu.memory_space<semaphore_mem>>)
        } else {
        }
        %dma_wait3A_102 = arith.constant 1 : i32
        %dma_wait3A_103 = arith.constant 0 : i32
        %dma_wait3A_104 = arith.constant 0 : i32
        %dma_wait3A_105 = tpu.memref_slice %arg10[%dma_wait3A_102, %dma_wait3A_103, %dma_wait3A_104] : memref<2x128x128xf32, #tpu.memory_space<vmem>> -> memref<1x128x128xf32, #tpu.memory_space<vmem>>
        %dma_wait3A_106 = tpu.memref_squeeze %dma_wait3A_105 : memref<1x128x128xf32, #tpu.memory_space<vmem>> -> memref<128x128xf32, #tpu.memory_space<vmem>>
        %dma_wait3A_107 = arith.constant 0 : i32
        %dma_wait3A_108 = arith.constant 0 : i32
        %dma_wait3A_109 = tpu.memref_slice %arg2[%dma_wait3A_107, %dma_wait3A_108] : memref<10240x128xf32, #tpu.memory_space<hbm>> -> memref<128x128xf32, #tpu.memory_space<hbm>>
        %dma_wait3A_110 = arith.constant 0 : i32
        %dma_wait3A_111 = arith.constant 0 : i32
        %dma_wait3A_112 = tpu.memref_slice %arg10[%dma_wait3A_102, %dma_wait3A_110, %dma_wait3A_111] : memref<2x128x128xf32, #tpu.memory_space<vmem>> -> memref<1x128x128xf32, #tpu.memory_space<vmem>>
        %dma_wait3A_113 = tpu.memref_squeeze %dma_wait3A_112 : memref<1x128x128xf32, #tpu.memory_space<vmem>> -> memref<128x128xf32, #tpu.memory_space<vmem>>
        %dma_wait3A_114 = arith.constant 0 : i32
        %dma_wait3A_115 = arith.constant 0 : i32
        %dma_wait3A_116 = tpu.memref_slice %arg2[%dma_wait3A_114, %dma_wait3A_115] : memref<10240x128xf32, #tpu.memory_space<hbm>> -> memref<128x128xf32, #tpu.memory_space<hbm>>
        tpu.wait_dma2 semaphore(%arg13 : memref<!tpu.dma_semaphore, #tpu.memory_space<semaphore_mem>>) src(%dma_wait3A_116 : memref<128x128xf32, #tpu.memory_space<hbm>>) dst(%dma_wait3A_113 : memref<128x128xf32, #tpu.memory_space<vmem>>)
        %add3A_117 = arith.constant 1 : i32
        %add3A_118 = arith.addi %mul3A_78, %add3A_117 : i32
        %run_scoped3A_119 = arith.constant 1 : i32
        "tpu.region"() ({
          %run_scoped3A_130 = tpu.sem_alloc : memref<!tpu.dma_semaphore, #tpu.memory_space<semaphore_mem>>
          %dma_start3A_131 = arith.constant 0 : i32
          %dma_start3A_132 = arith.constant 0 : i32
          %dma_start3A_133 = tpu.memref_slice %arg10[%run_scoped3A_119, %dma_start3A_131, %dma_start3A_132] : memref<2x128x128xf32, #tpu.memory_space<vmem>> -> memref<1x128x128xf32, #tpu.memory_space<vmem>>
          %dma_start3A_134 = tpu.memref_squeeze %dma_start3A_133 : memref<1x128x128xf32, #tpu.memory_space<vmem>> -> memref<128x128xf32, #tpu.memory_space<vmem>>
          %dma_start3A_135 = arith.constant 0 : i32
          %dma_start3A_136 = tpu.memref_slice %arg9[%add3A_118, %dma_start3A_135] : memref<40x128xi32, #tpu.memory_space<vmem>> -> memref<1x128xi32, #tpu.memory_space<vmem>>
          %dma_start3A_137 = tpu.memref_squeeze %dma_start3A_136 : memref<1x128xi32, #tpu.memory_space<vmem>> -> memref<128xi32, #tpu.memory_space<vmem>>
          %dma_start3A_138 = arith.constant 0 : i32
          %dma_start3A_139 = arith.constant 0 : i32
          %dma_start3A_140 = tpu.memref_slice %arg11[%dma_start3A_138, %dma_start3A_139] : memref<10240x128xf32, #tpu.memory_space<vmem_shared>> -> memref<10240x128xf32, #tpu.memory_space<vmem_shared>>
          tpu.enqueue_indirect_dma source(%dma_start3A_134 : memref<128x128xf32, #tpu.memory_space<vmem>>) target(%dma_start3A_140 : memref<10240x128xf32, #tpu.memory_space<vmem_shared>>) offsets(%dma_start3A_137 : memref<128xi32, #tpu.memory_space<vmem>>) semaphore(%run_scoped3A_130 : memref<!tpu.dma_semaphore, #tpu.memory_space<semaphore_mem>>) {add = true}
          %dma_wait3A_141 = arith.constant 0 : i32
          %dma_wait3A_142 = arith.constant 0 : i32
          %dma_wait3A_143 = tpu.memref_slice %arg10[%run_scoped3A_119, %dma_wait3A_141, %dma_wait3A_142] : memref<2x128x128xf32, #tpu.memory_space<vmem>> -> memref<1x128x128xf32, #tpu.memory_space<vmem>>
          %dma_wait3A_144 = tpu.memref_squeeze %dma_wait3A_143 : memref<1x128x128xf32, #tpu.memory_space<vmem>> -> memref<128x128xf32, #tpu.memory_space<vmem>>
          %dma_wait3A_145 = arith.constant 0 : i32
          %dma_wait3A_146 = tpu.memref_slice %arg9[%add3A_118, %dma_wait3A_145] : memref<40x128xi32, #tpu.memory_space<vmem>> -> memref<1x128xi32, #tpu.memory_space<vmem>>
          %dma_wait3A_147 = tpu.memref_squeeze %dma_wait3A_146 : memref<1x128xi32, #tpu.memory_space<vmem>> -> memref<128xi32, #tpu.memory_space<vmem>>
          %dma_wait3A_148 = arith.constant 0 : i32
          %dma_wait3A_149 = arith.constant 0 : i32
          %dma_wait3A_150 = tpu.memref_slice %arg11[%dma_wait3A_148, %dma_wait3A_149] : memref<10240x128xf32, #tpu.memory_space<vmem_shared>> -> memref<10240x128xf32, #tpu.memory_space<vmem_shared>>
          tpu.wait_indirect_dma semaphore(%run_scoped3A_130 : memref<!tpu.dma_semaphore, #tpu.memory_space<semaphore_mem>>) src(%dma_wait3A_144 : memref<128x128xf32, #tpu.memory_space<vmem>>) dst(%dma_wait3A_150 : memref<10240x128xf32, #tpu.memory_space<vmem_shared>>)
          tpu.yield
        }) : () -> ()
        %add3A_120 = arith.constant 1 : i32
        %add3A_121 = arith.addi %mul3A_78, %add3A_120 : i32
        %add3A_122 = arith.constant 2 : i32
        %add3A_123 = arith.addi %add3A_121, %add3A_122 : i32
        %lt3A_124 = arith.constant 40 : i32
        %lt3A_125 = arith.cmpi slt, %add3A_123, %lt3A_124 : i32
        %convert_element_type3A_126 = arith.extui %lt3A_125 : i1 to i32
        %cond3A_127 = arith.constant 0 : i32
        %cond3A_128 = arith.cmpi ne, %convert_element_type3A_126, %cond3A_127 : i32
        scf.if %cond3A_128 {
          %add3A_130 = arith.constant 1 : i32
          %add3A_131 = arith.addi %mul3A_78, %add3A_130 : i32
          %add3A_132 = arith.constant 2 : i32
          %add3A_133 = arith.addi %add3A_131, %add3A_132 : i32
          %dma_start3A_134 = arith.constant 1 : i32
          %dma_start3A_135 = arith.constant 0 : i32
          %dma_start3A_136 = arith.constant 0 : i32
          %dma_start3A_137 = tpu.memref_slice %arg10[%dma_start3A_134, %dma_start3A_135, %dma_start3A_136] : memref<2x128x128xf32, #tpu.memory_space<vmem>> -> memref<1x128x128xf32, #tpu.memory_space<vmem>>
          %dma_start3A_138 = tpu.memref_squeeze %dma_start3A_137 : memref<1x128x128xf32, #tpu.memory_space<vmem>> -> memref<128x128xf32, #tpu.memory_space<vmem>>
          %dma_start3A_139 = arith.constant 0 : i32
          %dma_start3A_140 = tpu.memref_slice %arg8[%add3A_133, %dma_start3A_139] : memref<40x128xi32, #tpu.memory_space<vmem>> -> memref<1x128xi32, #tpu.memory_space<vmem>>
          %dma_start3A_141 = tpu.memref_squeeze %dma_start3A_140 : memref<1x128xi32, #tpu.memory_space<vmem>> -> memref<128xi32, #tpu.memory_space<vmem>>
          %dma_start3A_142 = arith.constant 0 : i32
          %dma_start3A_143 = arith.constant 0 : i32
          %dma_start3A_144 = tpu.memref_slice %arg2[%dma_start3A_142, %dma_start3A_143] : memref<10240x128xf32, #tpu.memory_space<hbm>> -> memref<10240x128xf32, #tpu.memory_space<hbm>>
          tpu.enqueue_indirect_dma source(%dma_start3A_144 : memref<10240x128xf32, #tpu.memory_space<hbm>>) target(%dma_start3A_138 : memref<128x128xf32, #tpu.memory_space<vmem>>) offsets(%dma_start3A_141 : memref<128xi32, #tpu.memory_space<vmem>>) semaphore(%arg13 : memref<!tpu.dma_semaphore, #tpu.memory_space<semaphore_mem>>)
        } else {
        }
        %scan3A_129 = arith.constant 0 : i32
        scf.yield %scan3A_129 : i32
      }
      %scan3A_69 = arith.constant 20 : i32
      %barrier3A_70 = arith.constant 0 : index
      tpu.barrier barrier_id(%barrier3A_70)
      %mul3A_71 = arith.constant 640 : i32
      %mul3A_72 = arith.muli %arg1, %mul3A_71 : i32
      %mul3A_73 = arith.constant 640 : i32
      %mul3A_74 = arith.muli %arg1, %mul3A_73 : i32
      "tpu.region"() ({
        %run_scoped3A = tpu.sem_alloc : memref<!tpu.dma_semaphore, #tpu.memory_space<semaphore_mem>>
        %dma_start3A_75 = arith.constant 0 : i32
        %dma_start3A_76 = tpu.memref_slice %arg6[%mul3A_74, %dma_start3A_75] : memref<10240x128xf32, #tpu.memory_space<hbm>> -> memref<640x128xf32, #tpu.memory_space<hbm>>
        %dma_start3A_77 = arith.constant 0 : i32
        %dma_start3A_78 = tpu.memref_slice %arg11[%mul3A_72, %dma_start3A_77] : memref<10240x128xf32, #tpu.memory_space<vmem_shared>> -> memref<640x128xf32, #tpu.memory_space<vmem_shared>>
        tpu.enqueue_dma source(%dma_start3A_78 : memref<640x128xf32, #tpu.memory_space<vmem_shared>>) target(%dma_start3A_76 : memref<640x128xf32, #tpu.memory_space<hbm>>) target_semaphore(%run_scoped3A : memref<!tpu.dma_semaphore, #tpu.memory_space<semaphore_mem>>)
        %dma_wait3A = arith.constant 0 : i32
        %dma_wait3A_79 = tpu.memref_slice %arg6[%mul3A_74, %dma_wait3A] : memref<10240x128xf32, #tpu.memory_space<hbm>> -> memref<640x128xf32, #tpu.memory_space<hbm>>
        %dma_wait3A_80 = arith.constant 0 : i32
        %dma_wait3A_81 = tpu.memref_slice %arg11[%mul3A_72, %dma_wait3A_80] : memref<10240x128xf32, #tpu.memory_space<vmem_shared>> -> memref<640x128xf32, #tpu.memory_space<vmem_shared>>
        tpu.wait_dma2 semaphore(%run_scoped3A : memref<!tpu.dma_semaphore, #tpu.memory_space<semaphore_mem>>) src(%dma_wait3A_81 : memref<640x128xf32, #tpu.memory_space<vmem_shared>>) dst(%dma_wait3A_79 : memref<640x128xf32, #tpu.memory_space<hbm>>)
        tpu.yield
      }) : () -> ()
    } else {
    }
    %eq3A_2 = arith.constant 1 : i32
    %eq3A_3 = arith.cmpi eq, %arg0, %eq3A_2 : i32
    %convert_element_type3A_4 = arith.extui %eq3A_3 : i1 to i32
    %cond3A_5 = arith.constant 0 : i32
    %cond3A_6 = arith.cmpi ne, %convert_element_type3A_4, %cond3A_5 : i32
    scf.if %cond3A_6 {
      %mul3A = arith.constant 640 : i32
      %mul3A_7 = arith.muli %arg1, %mul3A : i32
      %mul3A_8 = arith.constant 640 : i32
      %mul3A_9 = arith.muli %arg1, %mul3A_8 : i32
      "tpu.region"() ({
        %run_scoped3A = tpu.sem_alloc : memref<!tpu.dma_semaphore, #tpu.memory_space<semaphore_mem>>
        %dma_start3A_75 = arith.constant 0 : i32
        %dma_start3A_76 = tpu.memref_slice %arg11[%mul3A_9, %dma_start3A_75] : memref<10240x128xf32, #tpu.memory_space<vmem_shared>> -> memref<640x128xf32, #tpu.memory_space<vmem_shared>>
        %dma_start3A_77 = arith.constant 0 : i32
        %dma_start3A_78 = tpu.memref_slice %arg3[%mul3A_7, %dma_start3A_77] : memref<10240x128xf32, #tpu.memory_space<hbm>> -> memref<640x128xf32, #tpu.memory_space<hbm>>
        tpu.enqueue_dma source(%dma_start3A_78 : memref<640x128xf32, #tpu.memory_space<hbm>>) target(%dma_start3A_76 : memref<640x128xf32, #tpu.memory_space<vmem_shared>>) target_semaphore(%run_scoped3A : memref<!tpu.dma_semaphore, #tpu.memory_space<semaphore_mem>>)
        %dma_wait3A = arith.constant 0 : i32
        %dma_wait3A_79 = tpu.memref_slice %arg11[%mul3A_9, %dma_wait3A] : memref<10240x128xf32, #tpu.memory_space<vmem_shared>> -> memref<640x128xf32, #tpu.memory_space<vmem_shared>>
        %dma_wait3A_80 = arith.constant 0 : i32
        %dma_wait3A_81 = tpu.memref_slice %arg3[%mul3A_7, %dma_wait3A_80] : memref<10240x128xf32, #tpu.memory_space<hbm>> -> memref<640x128xf32, #tpu.memory_space<hbm>>
        tpu.wait_dma2 semaphore(%run_scoped3A : memref<!tpu.dma_semaphore, #tpu.memory_space<semaphore_mem>>) src(%dma_wait3A_81 : memref<640x128xf32, #tpu.memory_space<hbm>>) dst(%dma_wait3A_79 : memref<640x128xf32, #tpu.memory_space<vmem_shared>>)
        tpu.yield
      }) : () -> ()
      %barrier3A = arith.constant 0 : index
      tpu.barrier barrier_id(%barrier3A)
      "tpu.region"() ({
        %run_scoped3A = tpu.sem_alloc : memref<!tpu.dma_semaphore, #tpu.memory_space<semaphore_mem>>
        %dma_start3A_75 = arith.constant 0 : i32
        %dma_start3A_76 = arith.constant 0 : i32
        %dma_start3A_77 = tpu.memref_slice %arg4[%arg1, %dma_start3A_75, %dma_start3A_76] : memref<16x80x128xi32, #tpu.memory_space<hbm>> -> memref<1x40x128xi32, #tpu.memory_space<hbm>>
        %dma_start3A_78 = tpu.memref_squeeze %dma_start3A_77 : memref<1x40x128xi32, #tpu.memory_space<hbm>> -> memref<40x128xi32, #tpu.memory_space<hbm>>
        %dma_start3A_79 = arith.constant 0 : i32
        %dma_start3A_80 = arith.constant 0 : i32
        %dma_start3A_81 = tpu.memref_slice %arg4[%arg1, %dma_start3A_79, %dma_start3A_80] : memref<16x80x128xi32, #tpu.memory_space<hbm>> -> memref<1x40x128xi32, #tpu.memory_space<hbm>>
        %dma_start3A_82 = tpu.memref_squeeze %dma_start3A_81 : memref<1x40x128xi32, #tpu.memory_space<hbm>> -> memref<40x128xi32, #tpu.memory_space<hbm>>
        tpu.enqueue_dma source(%dma_start3A_82 : memref<40x128xi32, #tpu.memory_space<hbm>>) target(%arg8 : memref<40x128xi32, #tpu.memory_space<vmem>>) target_semaphore(%run_scoped3A : memref<!tpu.dma_semaphore, #tpu.memory_space<semaphore_mem>>)
        %dma_wait3A = arith.constant 0 : i32
        %dma_wait3A_83 = arith.constant 0 : i32
        %dma_wait3A_84 = tpu.memref_slice %arg4[%arg1, %dma_wait3A, %dma_wait3A_83] : memref<16x80x128xi32, #tpu.memory_space<hbm>> -> memref<1x40x128xi32, #tpu.memory_space<hbm>>
        %dma_wait3A_85 = tpu.memref_squeeze %dma_wait3A_84 : memref<1x40x128xi32, #tpu.memory_space<hbm>> -> memref<40x128xi32, #tpu.memory_space<hbm>>
        %dma_wait3A_86 = arith.constant 0 : i32
        %dma_wait3A_87 = arith.constant 0 : i32
        %dma_wait3A_88 = tpu.memref_slice %arg4[%arg1, %dma_wait3A_86, %dma_wait3A_87] : memref<16x80x128xi32, #tpu.memory_space<hbm>> -> memref<1x40x128xi32, #tpu.memory_space<hbm>>
        %dma_wait3A_89 = tpu.memref_squeeze %dma_wait3A_88 : memref<1x40x128xi32, #tpu.memory_space<hbm>> -> memref<40x128xi32, #tpu.memory_space<hbm>>
        tpu.wait_dma2 semaphore(%run_scoped3A : memref<!tpu.dma_semaphore, #tpu.memory_space<semaphore_mem>>) src(%dma_wait3A_89 : memref<40x128xi32, #tpu.memory_space<hbm>>) dst(%arg8 : memref<40x128xi32, #tpu.memory_space<vmem>>)
        tpu.yield
      }) : () -> ()
      "tpu.region"() ({
        %run_scoped3A = tpu.sem_alloc : memref<!tpu.dma_semaphore, #tpu.memory_space<semaphore_mem>>
        %dma_start3A_75 = arith.constant 0 : i32
        %dma_start3A_76 = arith.constant 0 : i32
        %dma_start3A_77 = tpu.memref_slice %arg5[%arg1, %dma_start3A_75, %dma_start3A_76] : memref<16x80x128xi32, #tpu.memory_space<hbm>> -> memref<1x40x128xi32, #tpu.memory_space<hbm>>
        %dma_start3A_78 = tpu.memref_squeeze %dma_start3A_77 : memref<1x40x128xi32, #tpu.memory_space<hbm>> -> memref<40x128xi32, #tpu.memory_space<hbm>>
        %dma_start3A_79 = arith.constant 0 : i32
        %dma_start3A_80 = arith.constant 0 : i32
        %dma_start3A_81 = tpu.memref_slice %arg5[%arg1, %dma_start3A_79, %dma_start3A_80] : memref<16x80x128xi32, #tpu.memory_space<hbm>> -> memref<1x40x128xi32, #tpu.memory_space<hbm>>
        %dma_start3A_82 = tpu.memref_squeeze %dma_start3A_81 : memref<1x40x128xi32, #tpu.memory_space<hbm>> -> memref<40x128xi32, #tpu.memory_space<hbm>>
        tpu.enqueue_dma source(%dma_start3A_82 : memref<40x128xi32, #tpu.memory_space<hbm>>) target(%arg9 : memref<40x128xi32, #tpu.memory_space<vmem>>) target_semaphore(%run_scoped3A : memref<!tpu.dma_semaphore, #tpu.memory_space<semaphore_mem>>)
        %dma_wait3A = arith.constant 0 : i32
        %dma_wait3A_83 = arith.constant 0 : i32
        %dma_wait3A_84 = tpu.memref_slice %arg5[%arg1, %dma_wait3A, %dma_wait3A_83] : memref<16x80x128xi32, #tpu.memory_space<hbm>> -> memref<1x40x128xi32, #tpu.memory_space<hbm>>
        %dma_wait3A_85 = tpu.memref_squeeze %dma_wait3A_84 : memref<1x40x128xi32, #tpu.memory_space<hbm>> -> memref<40x128xi32, #tpu.memory_space<hbm>>
        %dma_wait3A_86 = arith.constant 0 : i32
        %dma_wait3A_87 = arith.constant 0 : i32
        %dma_wait3A_88 = tpu.memref_slice %arg5[%arg1, %dma_wait3A_86, %dma_wait3A_87] : memref<16x80x128xi32, #tpu.memory_space<hbm>> -> memref<1x40x128xi32, #tpu.memory_space<hbm>>
        %dma_wait3A_89 = tpu.memref_squeeze %dma_wait3A_88 : memref<1x40x128xi32, #tpu.memory_space<hbm>> -> memref<40x128xi32, #tpu.memory_space<hbm>>
        tpu.wait_dma2 semaphore(%run_scoped3A : memref<!tpu.dma_semaphore, #tpu.memory_space<semaphore_mem>>) src(%dma_wait3A_89 : memref<40x128xi32, #tpu.memory_space<hbm>>) dst(%arg9 : memref<40x128xi32, #tpu.memory_space<vmem>>)
        tpu.yield
      }) : () -> ()
      %dma_start3A = arith.constant 0 : i32
      %dma_start3A_10 = arith.constant 0 : i32
      %dma_start3A_11 = arith.constant 0 : i32
      %dma_start3A_12 = arith.constant 0 : i32
      %dma_start3A_13 = tpu.memref_slice %arg10[%dma_start3A_10, %dma_start3A_11, %dma_start3A_12] : memref<2x128x128xf32, #tpu.memory_space<vmem>> -> memref<1x128x128xf32, #tpu.memory_space<vmem>>
      %dma_start3A_14 = tpu.memref_squeeze %dma_start3A_13 : memref<1x128x128xf32, #tpu.memory_space<vmem>> -> memref<128x128xf32, #tpu.memory_space<vmem>>
      %dma_start3A_15 = arith.constant 0 : i32
      %dma_start3A_16 = tpu.memref_slice %arg8[%dma_start3A, %dma_start3A_15] : memref<40x128xi32, #tpu.memory_space<vmem>> -> memref<1x128xi32, #tpu.memory_space<vmem>>
      %dma_start3A_17 = tpu.memref_squeeze %dma_start3A_16 : memref<1x128xi32, #tpu.memory_space<vmem>> -> memref<128xi32, #tpu.memory_space<vmem>>
      %dma_start3A_18 = arith.constant 0 : i32
      %dma_start3A_19 = arith.constant 0 : i32
      %dma_start3A_20 = tpu.memref_slice %arg3[%dma_start3A_18, %dma_start3A_19] : memref<10240x128xf32, #tpu.memory_space<hbm>> -> memref<10240x128xf32, #tpu.memory_space<hbm>>
      tpu.enqueue_indirect_dma source(%dma_start3A_20 : memref<10240x128xf32, #tpu.memory_space<hbm>>) target(%dma_start3A_14 : memref<128x128xf32, #tpu.memory_space<vmem>>) offsets(%dma_start3A_17 : memref<128xi32, #tpu.memory_space<vmem>>) semaphore(%arg12 : memref<!tpu.dma_semaphore, #tpu.memory_space<semaphore_mem>>)
      %dma_start3A_21 = arith.constant 1 : i32
      %dma_start3A_22 = arith.constant 1 : i32
      %dma_start3A_23 = arith.constant 0 : i32
      %dma_start3A_24 = arith.constant 0 : i32
      %dma_start3A_25 = tpu.memref_slice %arg10[%dma_start3A_22, %dma_start3A_23, %dma_start3A_24] : memref<2x128x128xf32, #tpu.memory_space<vmem>> -> memref<1x128x128xf32, #tpu.memory_space<vmem>>
      %dma_start3A_26 = tpu.memref_squeeze %dma_start3A_25 : memref<1x128x128xf32, #tpu.memory_space<vmem>> -> memref<128x128xf32, #tpu.memory_space<vmem>>
      %dma_start3A_27 = arith.constant 0 : i32
      %dma_start3A_28 = tpu.memref_slice %arg8[%dma_start3A_21, %dma_start3A_27] : memref<40x128xi32, #tpu.memory_space<vmem>> -> memref<1x128xi32, #tpu.memory_space<vmem>>
      %dma_start3A_29 = tpu.memref_squeeze %dma_start3A_28 : memref<1x128xi32, #tpu.memory_space<vmem>> -> memref<128xi32, #tpu.memory_space<vmem>>
      %dma_start3A_30 = arith.constant 0 : i32
      %dma_start3A_31 = arith.constant 0 : i32
      %dma_start3A_32 = tpu.memref_slice %arg3[%dma_start3A_30, %dma_start3A_31] : memref<10240x128xf32, #tpu.memory_space<hbm>> -> memref<10240x128xf32, #tpu.memory_space<hbm>>
      tpu.enqueue_indirect_dma source(%dma_start3A_32 : memref<10240x128xf32, #tpu.memory_space<hbm>>) target(%dma_start3A_26 : memref<128x128xf32, #tpu.memory_space<vmem>>) offsets(%dma_start3A_29 : memref<128xi32, #tpu.memory_space<vmem>>) semaphore(%arg13 : memref<!tpu.dma_semaphore, #tpu.memory_space<semaphore_mem>>)
      %scan3A = arith.constant 0 : i32
      %scan3A_33 = arith.constant 0 : i32
      %scan3A_34 = arith.constant 20 : i32
      %scan3A_35 = arith.addi %scan3A_33, %scan3A_34 : i32
      %scan3A_36 = arith.constant 1 : i32
      %scan3A_37 = scf.for %scan3A_75 = %scan3A_33 to %scan3A_35 step %scan3A_36 iter_args(%scan3A_76 = %scan3A) -> (i32)  : i32 {
        %mul3A_77 = arith.constant 2 : i32
        %mul3A_78 = arith.muli %scan3A_75, %mul3A_77 : i32
        %dma_wait3A = arith.constant 0 : i32
        %dma_wait3A_79 = arith.constant 0 : i32
        %dma_wait3A_80 = arith.constant 0 : i32
        %dma_wait3A_81 = tpu.memref_slice %arg10[%dma_wait3A, %dma_wait3A_79, %dma_wait3A_80] : memref<2x128x128xf32, #tpu.memory_space<vmem>> -> memref<1x128x128xf32, #tpu.memory_space<vmem>>
        %dma_wait3A_82 = tpu.memref_squeeze %dma_wait3A_81 : memref<1x128x128xf32, #tpu.memory_space<vmem>> -> memref<128x128xf32, #tpu.memory_space<vmem>>
        %dma_wait3A_83 = arith.constant 0 : i32
        %dma_wait3A_84 = arith.constant 0 : i32
        %dma_wait3A_85 = tpu.memref_slice %arg3[%dma_wait3A_83, %dma_wait3A_84] : memref<10240x128xf32, #tpu.memory_space<hbm>> -> memref<128x128xf32, #tpu.memory_space<hbm>>
        %dma_wait3A_86 = arith.constant 0 : i32
        %dma_wait3A_87 = arith.constant 0 : i32
        %dma_wait3A_88 = tpu.memref_slice %arg10[%dma_wait3A, %dma_wait3A_86, %dma_wait3A_87] : memref<2x128x128xf32, #tpu.memory_space<vmem>> -> memref<1x128x128xf32, #tpu.memory_space<vmem>>
        %dma_wait3A_89 = tpu.memref_squeeze %dma_wait3A_88 : memref<1x128x128xf32, #tpu.memory_space<vmem>> -> memref<128x128xf32, #tpu.memory_space<vmem>>
        %dma_wait3A_90 = arith.constant 0 : i32
        %dma_wait3A_91 = arith.constant 0 : i32
        %dma_wait3A_92 = tpu.memref_slice %arg3[%dma_wait3A_90, %dma_wait3A_91] : memref<10240x128xf32, #tpu.memory_space<hbm>> -> memref<128x128xf32, #tpu.memory_space<hbm>>
        tpu.wait_dma2 semaphore(%arg12 : memref<!tpu.dma_semaphore, #tpu.memory_space<semaphore_mem>>) src(%dma_wait3A_92 : memref<128x128xf32, #tpu.memory_space<hbm>>) dst(%dma_wait3A_89 : memref<128x128xf32, #tpu.memory_space<vmem>>)
        %add3A = arith.constant 0 : i32
        %add3A_93 = arith.addi %mul3A_78, %add3A : i32
        %run_scoped3A = arith.constant 0 : i32
        "tpu.region"() ({
          %run_scoped3A_130 = tpu.sem_alloc : memref<!tpu.dma_semaphore, #tpu.memory_space<semaphore_mem>>
          %dma_start3A_131 = arith.constant 0 : i32
          %dma_start3A_132 = arith.constant 0 : i32
          %dma_start3A_133 = tpu.memref_slice %arg10[%run_scoped3A, %dma_start3A_131, %dma_start3A_132] : memref<2x128x128xf32, #tpu.memory_space<vmem>> -> memref<1x128x128xf32, #tpu.memory_space<vmem>>
          %dma_start3A_134 = tpu.memref_squeeze %dma_start3A_133 : memref<1x128x128xf32, #tpu.memory_space<vmem>> -> memref<128x128xf32, #tpu.memory_space<vmem>>
          %dma_start3A_135 = arith.constant 0 : i32
          %dma_start3A_136 = tpu.memref_slice %arg9[%add3A_93, %dma_start3A_135] : memref<40x128xi32, #tpu.memory_space<vmem>> -> memref<1x128xi32, #tpu.memory_space<vmem>>
          %dma_start3A_137 = tpu.memref_squeeze %dma_start3A_136 : memref<1x128xi32, #tpu.memory_space<vmem>> -> memref<128xi32, #tpu.memory_space<vmem>>
          %dma_start3A_138 = arith.constant 0 : i32
          %dma_start3A_139 = arith.constant 0 : i32
          %dma_start3A_140 = tpu.memref_slice %arg11[%dma_start3A_138, %dma_start3A_139] : memref<10240x128xf32, #tpu.memory_space<vmem_shared>> -> memref<10240x128xf32, #tpu.memory_space<vmem_shared>>
          tpu.enqueue_indirect_dma source(%dma_start3A_134 : memref<128x128xf32, #tpu.memory_space<vmem>>) target(%dma_start3A_140 : memref<10240x128xf32, #tpu.memory_space<vmem_shared>>) offsets(%dma_start3A_137 : memref<128xi32, #tpu.memory_space<vmem>>) semaphore(%run_scoped3A_130 : memref<!tpu.dma_semaphore, #tpu.memory_space<semaphore_mem>>) {add = true}
          %dma_wait3A_141 = arith.constant 0 : i32
          %dma_wait3A_142 = arith.constant 0 : i32
          %dma_wait3A_143 = tpu.memref_slice %arg10[%run_scoped3A, %dma_wait3A_141, %dma_wait3A_142] : memref<2x128x128xf32, #tpu.memory_space<vmem>> -> memref<1x128x128xf32, #tpu.memory_space<vmem>>
          %dma_wait3A_144 = tpu.memref_squeeze %dma_wait3A_143 : memref<1x128x128xf32, #tpu.memory_space<vmem>> -> memref<128x128xf32, #tpu.memory_space<vmem>>
          %dma_wait3A_145 = arith.constant 0 : i32
          %dma_wait3A_146 = tpu.memref_slice %arg9[%add3A_93, %dma_wait3A_145] : memref<40x128xi32, #tpu.memory_space<vmem>> -> memref<1x128xi32, #tpu.memory_space<vmem>>
          %dma_wait3A_147 = tpu.memref_squeeze %dma_wait3A_146 : memref<1x128xi32, #tpu.memory_space<vmem>> -> memref<128xi32, #tpu.memory_space<vmem>>
          %dma_wait3A_148 = arith.constant 0 : i32
          %dma_wait3A_149 = arith.constant 0 : i32
          %dma_wait3A_150 = tpu.memref_slice %arg11[%dma_wait3A_148, %dma_wait3A_149] : memref<10240x128xf32, #tpu.memory_space<vmem_shared>> -> memref<10240x128xf32, #tpu.memory_space<vmem_shared>>
          tpu.wait_indirect_dma semaphore(%run_scoped3A_130 : memref<!tpu.dma_semaphore, #tpu.memory_space<semaphore_mem>>) src(%dma_wait3A_144 : memref<128x128xf32, #tpu.memory_space<vmem>>) dst(%dma_wait3A_150 : memref<10240x128xf32, #tpu.memory_space<vmem_shared>>)
          tpu.yield
        }) : () -> ()
        %add3A_94 = arith.constant 0 : i32
        %add3A_95 = arith.addi %mul3A_78, %add3A_94 : i32
        %add3A_96 = arith.constant 2 : i32
        %add3A_97 = arith.addi %add3A_95, %add3A_96 : i32
        %lt3A = arith.constant 40 : i32
        %lt3A_98 = arith.cmpi slt, %add3A_97, %lt3A : i32
        %convert_element_type3A_99 = arith.extui %lt3A_98 : i1 to i32
        %cond3A_100 = arith.constant 0 : i32
        %cond3A_101 = arith.cmpi ne, %convert_element_type3A_99, %cond3A_100 : i32
        scf.if %cond3A_101 {
          %add3A_130 = arith.constant 0 : i32
          %add3A_131 = arith.addi %mul3A_78, %add3A_130 : i32
          %add3A_132 = arith.constant 2 : i32
          %add3A_133 = arith.addi %add3A_131, %add3A_132 : i32
          %dma_start3A_134 = arith.constant 0 : i32
          %dma_start3A_135 = arith.constant 0 : i32
          %dma_start3A_136 = arith.constant 0 : i32
          %dma_start3A_137 = tpu.memref_slice %arg10[%dma_start3A_134, %dma_start3A_135, %dma_start3A_136] : memref<2x128x128xf32, #tpu.memory_space<vmem>> -> memref<1x128x128xf32, #tpu.memory_space<vmem>>
          %dma_start3A_138 = tpu.memref_squeeze %dma_start3A_137 : memref<1x128x128xf32, #tpu.memory_space<vmem>> -> memref<128x128xf32, #tpu.memory_space<vmem>>
          %dma_start3A_139 = arith.constant 0 : i32
          %dma_start3A_140 = tpu.memref_slice %arg8[%add3A_133, %dma_start3A_139] : memref<40x128xi32, #tpu.memory_space<vmem>> -> memref<1x128xi32, #tpu.memory_space<vmem>>
          %dma_start3A_141 = tpu.memref_squeeze %dma_start3A_140 : memref<1x128xi32, #tpu.memory_space<vmem>> -> memref<128xi32, #tpu.memory_space<vmem>>
          %dma_start3A_142 = arith.constant 0 : i32
          %dma_start3A_143 = arith.constant 0 : i32
          %dma_start3A_144 = tpu.memref_slice %arg3[%dma_start3A_142, %dma_start3A_143] : memref<10240x128xf32, #tpu.memory_space<hbm>> -> memref<10240x128xf32, #tpu.memory_space<hbm>>
          tpu.enqueue_indirect_dma source(%dma_start3A_144 : memref<10240x128xf32, #tpu.memory_space<hbm>>) target(%dma_start3A_138 : memref<128x128xf32, #tpu.memory_space<vmem>>) offsets(%dma_start3A_141 : memref<128xi32, #tpu.memory_space<vmem>>) semaphore(%arg12 : memref<!tpu.dma_semaphore, #tpu.memory_space<semaphore_mem>>)
        } else {
        }
        %dma_wait3A_102 = arith.constant 1 : i32
        %dma_wait3A_103 = arith.constant 0 : i32
        %dma_wait3A_104 = arith.constant 0 : i32
        %dma_wait3A_105 = tpu.memref_slice %arg10[%dma_wait3A_102, %dma_wait3A_103, %dma_wait3A_104] : memref<2x128x128xf32, #tpu.memory_space<vmem>> -> memref<1x128x128xf32, #tpu.memory_space<vmem>>
        %dma_wait3A_106 = tpu.memref_squeeze %dma_wait3A_105 : memref<1x128x128xf32, #tpu.memory_space<vmem>> -> memref<128x128xf32, #tpu.memory_space<vmem>>
        %dma_wait3A_107 = arith.constant 0 : i32
        %dma_wait3A_108 = arith.constant 0 : i32
        %dma_wait3A_109 = tpu.memref_slice %arg3[%dma_wait3A_107, %dma_wait3A_108] : memref<10240x128xf32, #tpu.memory_space<hbm>> -> memref<128x128xf32, #tpu.memory_space<hbm>>
        %dma_wait3A_110 = arith.constant 0 : i32
        %dma_wait3A_111 = arith.constant 0 : i32
        %dma_wait3A_112 = tpu.memref_slice %arg10[%dma_wait3A_102, %dma_wait3A_110, %dma_wait3A_111] : memref<2x128x128xf32, #tpu.memory_space<vmem>> -> memref<1x128x128xf32, #tpu.memory_space<vmem>>
        %dma_wait3A_113 = tpu.memref_squeeze %dma_wait3A_112 : memref<1x128x128xf32, #tpu.memory_space<vmem>> -> memref<128x128xf32, #tpu.memory_space<vmem>>
        %dma_wait3A_114 = arith.constant 0 : i32
        %dma_wait3A_115 = arith.constant 0 : i32
        %dma_wait3A_116 = tpu.memref_slice %arg3[%dma_wait3A_114, %dma_wait3A_115] : memref<10240x128xf32, #tpu.memory_space<hbm>> -> memref<128x128xf32, #tpu.memory_space<hbm>>
        tpu.wait_dma2 semaphore(%arg13 : memref<!tpu.dma_semaphore, #tpu.memory_space<semaphore_mem>>) src(%dma_wait3A_116 : memref<128x128xf32, #tpu.memory_space<hbm>>) dst(%dma_wait3A_113 : memref<128x128xf32, #tpu.memory_space<vmem>>)
        %add3A_117 = arith.constant 1 : i32
        %add3A_118 = arith.addi %mul3A_78, %add3A_117 : i32
        %run_scoped3A_119 = arith.constant 1 : i32
        "tpu.region"() ({
          %run_scoped3A_130 = tpu.sem_alloc : memref<!tpu.dma_semaphore, #tpu.memory_space<semaphore_mem>>
          %dma_start3A_131 = arith.constant 0 : i32
          %dma_start3A_132 = arith.constant 0 : i32
          %dma_start3A_133 = tpu.memref_slice %arg10[%run_scoped3A_119, %dma_start3A_131, %dma_start3A_132] : memref<2x128x128xf32, #tpu.memory_space<vmem>> -> memref<1x128x128xf32, #tpu.memory_space<vmem>>
          %dma_start3A_134 = tpu.memref_squeeze %dma_start3A_133 : memref<1x128x128xf32, #tpu.memory_space<vmem>> -> memref<128x128xf32, #tpu.memory_space<vmem>>
          %dma_start3A_135 = arith.constant 0 : i32
          %dma_start3A_136 = tpu.memref_slice %arg9[%add3A_118, %dma_start3A_135] : memref<40x128xi32, #tpu.memory_space<vmem>> -> memref<1x128xi32, #tpu.memory_space<vmem>>
          %dma_start3A_137 = tpu.memref_squeeze %dma_start3A_136 : memref<1x128xi32, #tpu.memory_space<vmem>> -> memref<128xi32, #tpu.memory_space<vmem>>
          %dma_start3A_138 = arith.constant 0 : i32
          %dma_start3A_139 = arith.constant 0 : i32
          %dma_start3A_140 = tpu.memref_slice %arg11[%dma_start3A_138, %dma_start3A_139] : memref<10240x128xf32, #tpu.memory_space<vmem_shared>> -> memref<10240x128xf32, #tpu.memory_space<vmem_shared>>
          tpu.enqueue_indirect_dma source(%dma_start3A_134 : memref<128x128xf32, #tpu.memory_space<vmem>>) target(%dma_start3A_140 : memref<10240x128xf32, #tpu.memory_space<vmem_shared>>) offsets(%dma_start3A_137 : memref<128xi32, #tpu.memory_space<vmem>>) semaphore(%run_scoped3A_130 : memref<!tpu.dma_semaphore, #tpu.memory_space<semaphore_mem>>) {add = true}
          %dma_wait3A_141 = arith.constant 0 : i32
          %dma_wait3A_142 = arith.constant 0 : i32
          %dma_wait3A_143 = tpu.memref_slice %arg10[%run_scoped3A_119, %dma_wait3A_141, %dma_wait3A_142] : memref<2x128x128xf32, #tpu.memory_space<vmem>> -> memref<1x128x128xf32, #tpu.memory_space<vmem>>
          %dma_wait3A_144 = tpu.memref_squeeze %dma_wait3A_143 : memref<1x128x128xf32, #tpu.memory_space<vmem>> -> memref<128x128xf32, #tpu.memory_space<vmem>>
          %dma_wait3A_145 = arith.constant 0 : i32
          %dma_wait3A_146 = tpu.memref_slice %arg9[%add3A_118, %dma_wait3A_145] : memref<40x128xi32, #tpu.memory_space<vmem>> -> memref<1x128xi32, #tpu.memory_space<vmem>>
          %dma_wait3A_147 = tpu.memref_squeeze %dma_wait3A_146 : memref<1x128xi32, #tpu.memory_space<vmem>> -> memref<128xi32, #tpu.memory_space<vmem>>
          %dma_wait3A_148 = arith.constant 0 : i32
          %dma_wait3A_149 = arith.constant 0 : i32
          %dma_wait3A_150 = tpu.memref_slice %arg11[%dma_wait3A_148, %dma_wait3A_149] : memref<10240x128xf32, #tpu.memory_space<vmem_shared>> -> memref<10240x128xf32, #tpu.memory_space<vmem_shared>>
          tpu.wait_indirect_dma semaphore(%run_scoped3A_130 : memref<!tpu.dma_semaphore, #tpu.memory_space<semaphore_mem>>) src(%dma_wait3A_144 : memref<128x128xf32, #tpu.memory_space<vmem>>) dst(%dma_wait3A_150 : memref<10240x128xf32, #tpu.memory_space<vmem_shared>>)
          tpu.yield
        }) : () -> ()
        %add3A_120 = arith.constant 1 : i32
        %add3A_121 = arith.addi %mul3A_78, %add3A_120 : i32
        %add3A_122 = arith.constant 2 : i32
        %add3A_123 = arith.addi %add3A_121, %add3A_122 : i32
        %lt3A_124 = arith.constant 40 : i32
        %lt3A_125 = arith.cmpi slt, %add3A_123, %lt3A_124 : i32
        %convert_element_type3A_126 = arith.extui %lt3A_125 : i1 to i32
        %cond3A_127 = arith.constant 0 : i32
        %cond3A_128 = arith.cmpi ne, %convert_element_type3A_126, %cond3A_127 : i32
        scf.if %cond3A_128 {
          %add3A_130 = arith.constant 1 : i32
          %add3A_131 = arith.addi %mul3A_78, %add3A_130 : i32
          %add3A_132 = arith.constant 2 : i32
          %add3A_133 = arith.addi %add3A_131, %add3A_132 : i32
          %dma_start3A_134 = arith.constant 1 : i32
          %dma_start3A_135 = arith.constant 0 : i32
          %dma_start3A_136 = arith.constant 0 : i32
          %dma_start3A_137 = tpu.memref_slice %arg10[%dma_start3A_134, %dma_start3A_135, %dma_start3A_136] : memref<2x128x128xf32, #tpu.memory_space<vmem>> -> memref<1x128x128xf32, #tpu.memory_space<vmem>>
          %dma_start3A_138 = tpu.memref_squeeze %dma_start3A_137 : memref<1x128x128xf32, #tpu.memory_space<vmem>> -> memref<128x128xf32, #tpu.memory_space<vmem>>
          %dma_start3A_139 = arith.constant 0 : i32
          %dma_start3A_140 = tpu.memref_slice %arg8[%add3A_133, %dma_start3A_139] : memref<40x128xi32, #tpu.memory_space<vmem>> -> memref<1x128xi32, #tpu.memory_space<vmem>>
          %dma_start3A_141 = tpu.memref_squeeze %dma_start3A_140 : memref<1x128xi32, #tpu.memory_space<vmem>> -> memref<128xi32, #tpu.memory_space<vmem>>
          %dma_start3A_142 = arith.constant 0 : i32
          %dma_start3A_143 = arith.constant 0 : i32
          %dma_start3A_144 = tpu.memref_slice %arg3[%dma_start3A_142, %dma_start3A_143] : memref<10240x128xf32, #tpu.memory_space<hbm>> -> memref<10240x128xf32, #tpu.memory_space<hbm>>
          tpu.enqueue_indirect_dma source(%dma_start3A_144 : memref<10240x128xf32, #tpu.memory_space<hbm>>) target(%dma_start3A_138 : memref<128x128xf32, #tpu.memory_space<vmem>>) offsets(%dma_start3A_141 : memref<128xi32, #tpu.memory_space<vmem>>) semaphore(%arg13 : memref<!tpu.dma_semaphore, #tpu.memory_space<semaphore_mem>>)
        } else {
        }
        %scan3A_129 = arith.constant 0 : i32
        scf.yield %scan3A_129 : i32
      }
      %scan3A_38 = arith.constant 20 : i32
      "tpu.region"() ({
        %run_scoped3A = tpu.sem_alloc : memref<!tpu.dma_semaphore, #tpu.memory_space<semaphore_mem>>
        %dma_start3A_75 = arith.constant 40 : i32
        %dma_start3A_76 = arith.constant 0 : i32
        %dma_start3A_77 = tpu.memref_slice %arg4[%arg1, %dma_start3A_75, %dma_start3A_76] : memref<16x80x128xi32, #tpu.memory_space<hbm>> -> memref<1x40x128xi32, #tpu.memory_space<hbm>>
        %dma_start3A_78 = tpu.memref_squeeze %dma_start3A_77 : memref<1x40x128xi32, #tpu.memory_space<hbm>> -> memref<40x128xi32, #tpu.memory_space<hbm>>
        %dma_start3A_79 = arith.constant 40 : i32
        %dma_start3A_80 = arith.constant 0 : i32
        %dma_start3A_81 = tpu.memref_slice %arg4[%arg1, %dma_start3A_79, %dma_start3A_80] : memref<16x80x128xi32, #tpu.memory_space<hbm>> -> memref<1x40x128xi32, #tpu.memory_space<hbm>>
        %dma_start3A_82 = tpu.memref_squeeze %dma_start3A_81 : memref<1x40x128xi32, #tpu.memory_space<hbm>> -> memref<40x128xi32, #tpu.memory_space<hbm>>
        tpu.enqueue_dma source(%dma_start3A_82 : memref<40x128xi32, #tpu.memory_space<hbm>>) target(%arg8 : memref<40x128xi32, #tpu.memory_space<vmem>>) target_semaphore(%run_scoped3A : memref<!tpu.dma_semaphore, #tpu.memory_space<semaphore_mem>>)
        %dma_wait3A = arith.constant 40 : i32
        %dma_wait3A_83 = arith.constant 0 : i32
        %dma_wait3A_84 = tpu.memref_slice %arg4[%arg1, %dma_wait3A, %dma_wait3A_83] : memref<16x80x128xi32, #tpu.memory_space<hbm>> -> memref<1x40x128xi32, #tpu.memory_space<hbm>>
        %dma_wait3A_85 = tpu.memref_squeeze %dma_wait3A_84 : memref<1x40x128xi32, #tpu.memory_space<hbm>> -> memref<40x128xi32, #tpu.memory_space<hbm>>
        %dma_wait3A_86 = arith.constant 40 : i32
        %dma_wait3A_87 = arith.constant 0 : i32
        %dma_wait3A_88 = tpu.memref_slice %arg4[%arg1, %dma_wait3A_86, %dma_wait3A_87] : memref<16x80x128xi32, #tpu.memory_space<hbm>> -> memref<1x40x128xi32, #tpu.memory_space<hbm>>
        %dma_wait3A_89 = tpu.memref_squeeze %dma_wait3A_88 : memref<1x40x128xi32, #tpu.memory_space<hbm>> -> memref<40x128xi32, #tpu.memory_space<hbm>>
        tpu.wait_dma2 semaphore(%run_scoped3A : memref<!tpu.dma_semaphore, #tpu.memory_space<semaphore_mem>>) src(%dma_wait3A_89 : memref<40x128xi32, #tpu.memory_space<hbm>>) dst(%arg8 : memref<40x128xi32, #tpu.memory_space<vmem>>)
        tpu.yield
      }) : () -> ()
      "tpu.region"() ({
        %run_scoped3A = tpu.sem_alloc : memref<!tpu.dma_semaphore, #tpu.memory_space<semaphore_mem>>
        %dma_start3A_75 = arith.constant 40 : i32
        %dma_start3A_76 = arith.constant 0 : i32
        %dma_start3A_77 = tpu.memref_slice %arg5[%arg1, %dma_start3A_75, %dma_start3A_76] : memref<16x80x128xi32, #tpu.memory_space<hbm>> -> memref<1x40x128xi32, #tpu.memory_space<hbm>>
        %dma_start3A_78 = tpu.memref_squeeze %dma_start3A_77 : memref<1x40x128xi32, #tpu.memory_space<hbm>> -> memref<40x128xi32, #tpu.memory_space<hbm>>
        %dma_start3A_79 = arith.constant 40 : i32
        %dma_start3A_80 = arith.constant 0 : i32
        %dma_start3A_81 = tpu.memref_slice %arg5[%arg1, %dma_start3A_79, %dma_start3A_80] : memref<16x80x128xi32, #tpu.memory_space<hbm>> -> memref<1x40x128xi32, #tpu.memory_space<hbm>>
        %dma_start3A_82 = tpu.memref_squeeze %dma_start3A_81 : memref<1x40x128xi32, #tpu.memory_space<hbm>> -> memref<40x128xi32, #tpu.memory_space<hbm>>
        tpu.enqueue_dma source(%dma_start3A_82 : memref<40x128xi32, #tpu.memory_space<hbm>>) target(%arg9 : memref<40x128xi32, #tpu.memory_space<vmem>>) target_semaphore(%run_scoped3A : memref<!tpu.dma_semaphore, #tpu.memory_space<semaphore_mem>>)
        %dma_wait3A = arith.constant 40 : i32
        %dma_wait3A_83 = arith.constant 0 : i32
        %dma_wait3A_84 = tpu.memref_slice %arg5[%arg1, %dma_wait3A, %dma_wait3A_83] : memref<16x80x128xi32, #tpu.memory_space<hbm>> -> memref<1x40x128xi32, #tpu.memory_space<hbm>>
        %dma_wait3A_85 = tpu.memref_squeeze %dma_wait3A_84 : memref<1x40x128xi32, #tpu.memory_space<hbm>> -> memref<40x128xi32, #tpu.memory_space<hbm>>
        %dma_wait3A_86 = arith.constant 40 : i32
        %dma_wait3A_87 = arith.constant 0 : i32
        %dma_wait3A_88 = tpu.memref_slice %arg5[%arg1, %dma_wait3A_86, %dma_wait3A_87] : memref<16x80x128xi32, #tpu.memory_space<hbm>> -> memref<1x40x128xi32, #tpu.memory_space<hbm>>
        %dma_wait3A_89 = tpu.memref_squeeze %dma_wait3A_88 : memref<1x40x128xi32, #tpu.memory_space<hbm>> -> memref<40x128xi32, #tpu.memory_space<hbm>>
        tpu.wait_dma2 semaphore(%run_scoped3A : memref<!tpu.dma_semaphore, #tpu.memory_space<semaphore_mem>>) src(%dma_wait3A_89 : memref<40x128xi32, #tpu.memory_space<hbm>>) dst(%arg9 : memref<40x128xi32, #tpu.memory_space<vmem>>)
        tpu.yield
      }) : () -> ()
      %dma_start3A_39 = arith.constant 0 : i32
      %dma_start3A_40 = arith.constant 0 : i32
      %dma_start3A_41 = arith.constant 0 : i32
      %dma_start3A_42 = arith.constant 0 : i32
      %dma_start3A_43 = tpu.memref_slice %arg10[%dma_start3A_40, %dma_start3A_41, %dma_start3A_42] : memref<2x128x128xf32, #tpu.memory_space<vmem>> -> memref<1x128x128xf32, #tpu.memory_space<vmem>>
      %dma_start3A_44 = tpu.memref_squeeze %dma_start3A_43 : memref<1x128x128xf32, #tpu.memory_space<vmem>> -> memref<128x128xf32, #tpu.memory_space<vmem>>
      %dma_start3A_45 = arith.constant 0 : i32
      %dma_start3A_46 = tpu.memref_slice %arg8[%dma_start3A_39, %dma_start3A_45] : memref<40x128xi32, #tpu.memory_space<vmem>> -> memref<1x128xi32, #tpu.memory_space<vmem>>
      %dma_start3A_47 = tpu.memref_squeeze %dma_start3A_46 : memref<1x128xi32, #tpu.memory_space<vmem>> -> memref<128xi32, #tpu.memory_space<vmem>>
      %dma_start3A_48 = arith.constant 0 : i32
      %dma_start3A_49 = arith.constant 0 : i32
      %dma_start3A_50 = tpu.memref_slice %arg3[%dma_start3A_48, %dma_start3A_49] : memref<10240x128xf32, #tpu.memory_space<hbm>> -> memref<10240x128xf32, #tpu.memory_space<hbm>>
      tpu.enqueue_indirect_dma source(%dma_start3A_50 : memref<10240x128xf32, #tpu.memory_space<hbm>>) target(%dma_start3A_44 : memref<128x128xf32, #tpu.memory_space<vmem>>) offsets(%dma_start3A_47 : memref<128xi32, #tpu.memory_space<vmem>>) semaphore(%arg12 : memref<!tpu.dma_semaphore, #tpu.memory_space<semaphore_mem>>)
      %dma_start3A_51 = arith.constant 1 : i32
      %dma_start3A_52 = arith.constant 1 : i32
      %dma_start3A_53 = arith.constant 0 : i32
      %dma_start3A_54 = arith.constant 0 : i32
      %dma_start3A_55 = tpu.memref_slice %arg10[%dma_start3A_52, %dma_start3A_53, %dma_start3A_54] : memref<2x128x128xf32, #tpu.memory_space<vmem>> -> memref<1x128x128xf32, #tpu.memory_space<vmem>>
      %dma_start3A_56 = tpu.memref_squeeze %dma_start3A_55 : memref<1x128x128xf32, #tpu.memory_space<vmem>> -> memref<128x128xf32, #tpu.memory_space<vmem>>
      %dma_start3A_57 = arith.constant 0 : i32
      %dma_start3A_58 = tpu.memref_slice %arg8[%dma_start3A_51, %dma_start3A_57] : memref<40x128xi32, #tpu.memory_space<vmem>> -> memref<1x128xi32, #tpu.memory_space<vmem>>
      %dma_start3A_59 = tpu.memref_squeeze %dma_start3A_58 : memref<1x128xi32, #tpu.memory_space<vmem>> -> memref<128xi32, #tpu.memory_space<vmem>>
      %dma_start3A_60 = arith.constant 0 : i32
      %dma_start3A_61 = arith.constant 0 : i32
      %dma_start3A_62 = tpu.memref_slice %arg3[%dma_start3A_60, %dma_start3A_61] : memref<10240x128xf32, #tpu.memory_space<hbm>> -> memref<10240x128xf32, #tpu.memory_space<hbm>>
      tpu.enqueue_indirect_dma source(%dma_start3A_62 : memref<10240x128xf32, #tpu.memory_space<hbm>>) target(%dma_start3A_56 : memref<128x128xf32, #tpu.memory_space<vmem>>) offsets(%dma_start3A_59 : memref<128xi32, #tpu.memory_space<vmem>>) semaphore(%arg13 : memref<!tpu.dma_semaphore, #tpu.memory_space<semaphore_mem>>)
      %scan3A_63 = arith.constant 0 : i32
      %scan3A_64 = arith.constant 0 : i32
      %scan3A_65 = arith.constant 20 : i32
      %scan3A_66 = arith.addi %scan3A_64, %scan3A_65 : i32
      %scan3A_67 = arith.constant 1 : i32
      %scan3A_68 = scf.for %scan3A_75 = %scan3A_64 to %scan3A_66 step %scan3A_67 iter_args(%scan3A_76 = %scan3A_63) -> (i32)  : i32 {
        %mul3A_77 = arith.constant 2 : i32
        %mul3A_78 = arith.muli %scan3A_75, %mul3A_77 : i32
        %dma_wait3A = arith.constant 0 : i32
        %dma_wait3A_79 = arith.constant 0 : i32
        %dma_wait3A_80 = arith.constant 0 : i32
        %dma_wait3A_81 = tpu.memref_slice %arg10[%dma_wait3A, %dma_wait3A_79, %dma_wait3A_80] : memref<2x128x128xf32, #tpu.memory_space<vmem>> -> memref<1x128x128xf32, #tpu.memory_space<vmem>>
        %dma_wait3A_82 = tpu.memref_squeeze %dma_wait3A_81 : memref<1x128x128xf32, #tpu.memory_space<vmem>> -> memref<128x128xf32, #tpu.memory_space<vmem>>
        %dma_wait3A_83 = arith.constant 0 : i32
        %dma_wait3A_84 = arith.constant 0 : i32
        %dma_wait3A_85 = tpu.memref_slice %arg3[%dma_wait3A_83, %dma_wait3A_84] : memref<10240x128xf32, #tpu.memory_space<hbm>> -> memref<128x128xf32, #tpu.memory_space<hbm>>
        %dma_wait3A_86 = arith.constant 0 : i32
        %dma_wait3A_87 = arith.constant 0 : i32
        %dma_wait3A_88 = tpu.memref_slice %arg10[%dma_wait3A, %dma_wait3A_86, %dma_wait3A_87] : memref<2x128x128xf32, #tpu.memory_space<vmem>> -> memref<1x128x128xf32, #tpu.memory_space<vmem>>
        %dma_wait3A_89 = tpu.memref_squeeze %dma_wait3A_88 : memref<1x128x128xf32, #tpu.memory_space<vmem>> -> memref<128x128xf32, #tpu.memory_space<vmem>>
        %dma_wait3A_90 = arith.constant 0 : i32
        %dma_wait3A_91 = arith.constant 0 : i32
        %dma_wait3A_92 = tpu.memref_slice %arg3[%dma_wait3A_90, %dma_wait3A_91] : memref<10240x128xf32, #tpu.memory_space<hbm>> -> memref<128x128xf32, #tpu.memory_space<hbm>>
        tpu.wait_dma2 semaphore(%arg12 : memref<!tpu.dma_semaphore, #tpu.memory_space<semaphore_mem>>) src(%dma_wait3A_92 : memref<128x128xf32, #tpu.memory_space<hbm>>) dst(%dma_wait3A_89 : memref<128x128xf32, #tpu.memory_space<vmem>>)
        %add3A = arith.constant 0 : i32
        %add3A_93 = arith.addi %mul3A_78, %add3A : i32
        %run_scoped3A = arith.constant 0 : i32
        "tpu.region"() ({
          %run_scoped3A_130 = tpu.sem_alloc : memref<!tpu.dma_semaphore, #tpu.memory_space<semaphore_mem>>
          %dma_start3A_131 = arith.constant 0 : i32
          %dma_start3A_132 = arith.constant 0 : i32
          %dma_start3A_133 = tpu.memref_slice %arg10[%run_scoped3A, %dma_start3A_131, %dma_start3A_132] : memref<2x128x128xf32, #tpu.memory_space<vmem>> -> memref<1x128x128xf32, #tpu.memory_space<vmem>>
          %dma_start3A_134 = tpu.memref_squeeze %dma_start3A_133 : memref<1x128x128xf32, #tpu.memory_space<vmem>> -> memref<128x128xf32, #tpu.memory_space<vmem>>
          %dma_start3A_135 = arith.constant 0 : i32
          %dma_start3A_136 = tpu.memref_slice %arg9[%add3A_93, %dma_start3A_135] : memref<40x128xi32, #tpu.memory_space<vmem>> -> memref<1x128xi32, #tpu.memory_space<vmem>>
          %dma_start3A_137 = tpu.memref_squeeze %dma_start3A_136 : memref<1x128xi32, #tpu.memory_space<vmem>> -> memref<128xi32, #tpu.memory_space<vmem>>
          %dma_start3A_138 = arith.constant 0 : i32
          %dma_start3A_139 = arith.constant 0 : i32
          %dma_start3A_140 = tpu.memref_slice %arg11[%dma_start3A_138, %dma_start3A_139] : memref<10240x128xf32, #tpu.memory_space<vmem_shared>> -> memref<10240x128xf32, #tpu.memory_space<vmem_shared>>
          tpu.enqueue_indirect_dma source(%dma_start3A_134 : memref<128x128xf32, #tpu.memory_space<vmem>>) target(%dma_start3A_140 : memref<10240x128xf32, #tpu.memory_space<vmem_shared>>) offsets(%dma_start3A_137 : memref<128xi32, #tpu.memory_space<vmem>>) semaphore(%run_scoped3A_130 : memref<!tpu.dma_semaphore, #tpu.memory_space<semaphore_mem>>) {add = true}
          %dma_wait3A_141 = arith.constant 0 : i32
          %dma_wait3A_142 = arith.constant 0 : i32
          %dma_wait3A_143 = tpu.memref_slice %arg10[%run_scoped3A, %dma_wait3A_141, %dma_wait3A_142] : memref<2x128x128xf32, #tpu.memory_space<vmem>> -> memref<1x128x128xf32, #tpu.memory_space<vmem>>
          %dma_wait3A_144 = tpu.memref_squeeze %dma_wait3A_143 : memref<1x128x128xf32, #tpu.memory_space<vmem>> -> memref<128x128xf32, #tpu.memory_space<vmem>>
          %dma_wait3A_145 = arith.constant 0 : i32
          %dma_wait3A_146 = tpu.memref_slice %arg9[%add3A_93, %dma_wait3A_145] : memref<40x128xi32, #tpu.memory_space<vmem>> -> memref<1x128xi32, #tpu.memory_space<vmem>>
          %dma_wait3A_147 = tpu.memref_squeeze %dma_wait3A_146 : memref<1x128xi32, #tpu.memory_space<vmem>> -> memref<128xi32, #tpu.memory_space<vmem>>
          %dma_wait3A_148 = arith.constant 0 : i32
          %dma_wait3A_149 = arith.constant 0 : i32
          %dma_wait3A_150 = tpu.memref_slice %arg11[%dma_wait3A_148, %dma_wait3A_149] : memref<10240x128xf32, #tpu.memory_space<vmem_shared>> -> memref<10240x128xf32, #tpu.memory_space<vmem_shared>>
          tpu.wait_indirect_dma semaphore(%run_scoped3A_130 : memref<!tpu.dma_semaphore, #tpu.memory_space<semaphore_mem>>) src(%dma_wait3A_144 : memref<128x128xf32, #tpu.memory_space<vmem>>) dst(%dma_wait3A_150 : memref<10240x128xf32, #tpu.memory_space<vmem_shared>>)
          tpu.yield
        }) : () -> ()
        %add3A_94 = arith.constant 0 : i32
        %add3A_95 = arith.addi %mul3A_78, %add3A_94 : i32
        %add3A_96 = arith.constant 2 : i32
        %add3A_97 = arith.addi %add3A_95, %add3A_96 : i32
        %lt3A = arith.constant 40 : i32
        %lt3A_98 = arith.cmpi slt, %add3A_97, %lt3A : i32
        %convert_element_type3A_99 = arith.extui %lt3A_98 : i1 to i32
        %cond3A_100 = arith.constant 0 : i32
        %cond3A_101 = arith.cmpi ne, %convert_element_type3A_99, %cond3A_100 : i32
        scf.if %cond3A_101 {
          %add3A_130 = arith.constant 0 : i32
          %add3A_131 = arith.addi %mul3A_78, %add3A_130 : i32
          %add3A_132 = arith.constant 2 : i32
          %add3A_133 = arith.addi %add3A_131, %add3A_132 : i32
          %dma_start3A_134 = arith.constant 0 : i32
          %dma_start3A_135 = arith.constant 0 : i32
          %dma_start3A_136 = arith.constant 0 : i32
          %dma_start3A_137 = tpu.memref_slice %arg10[%dma_start3A_134, %dma_start3A_135, %dma_start3A_136] : memref<2x128x128xf32, #tpu.memory_space<vmem>> -> memref<1x128x128xf32, #tpu.memory_space<vmem>>
          %dma_start3A_138 = tpu.memref_squeeze %dma_start3A_137 : memref<1x128x128xf32, #tpu.memory_space<vmem>> -> memref<128x128xf32, #tpu.memory_space<vmem>>
          %dma_start3A_139 = arith.constant 0 : i32
          %dma_start3A_140 = tpu.memref_slice %arg8[%add3A_133, %dma_start3A_139] : memref<40x128xi32, #tpu.memory_space<vmem>> -> memref<1x128xi32, #tpu.memory_space<vmem>>
          %dma_start3A_141 = tpu.memref_squeeze %dma_start3A_140 : memref<1x128xi32, #tpu.memory_space<vmem>> -> memref<128xi32, #tpu.memory_space<vmem>>
          %dma_start3A_142 = arith.constant 0 : i32
          %dma_start3A_143 = arith.constant 0 : i32
          %dma_start3A_144 = tpu.memref_slice %arg3[%dma_start3A_142, %dma_start3A_143] : memref<10240x128xf32, #tpu.memory_space<hbm>> -> memref<10240x128xf32, #tpu.memory_space<hbm>>
          tpu.enqueue_indirect_dma source(%dma_start3A_144 : memref<10240x128xf32, #tpu.memory_space<hbm>>) target(%dma_start3A_138 : memref<128x128xf32, #tpu.memory_space<vmem>>) offsets(%dma_start3A_141 : memref<128xi32, #tpu.memory_space<vmem>>) semaphore(%arg12 : memref<!tpu.dma_semaphore, #tpu.memory_space<semaphore_mem>>)
        } else {
        }
        %dma_wait3A_102 = arith.constant 1 : i32
        %dma_wait3A_103 = arith.constant 0 : i32
        %dma_wait3A_104 = arith.constant 0 : i32
        %dma_wait3A_105 = tpu.memref_slice %arg10[%dma_wait3A_102, %dma_wait3A_103, %dma_wait3A_104] : memref<2x128x128xf32, #tpu.memory_space<vmem>> -> memref<1x128x128xf32, #tpu.memory_space<vmem>>
        %dma_wait3A_106 = tpu.memref_squeeze %dma_wait3A_105 : memref<1x128x128xf32, #tpu.memory_space<vmem>> -> memref<128x128xf32, #tpu.memory_space<vmem>>
        %dma_wait3A_107 = arith.constant 0 : i32
        %dma_wait3A_108 = arith.constant 0 : i32
        %dma_wait3A_109 = tpu.memref_slice %arg3[%dma_wait3A_107, %dma_wait3A_108] : memref<10240x128xf32, #tpu.memory_space<hbm>> -> memref<128x128xf32, #tpu.memory_space<hbm>>
        %dma_wait3A_110 = arith.constant 0 : i32
        %dma_wait3A_111 = arith.constant 0 : i32
        %dma_wait3A_112 = tpu.memref_slice %arg10[%dma_wait3A_102, %dma_wait3A_110, %dma_wait3A_111] : memref<2x128x128xf32, #tpu.memory_space<vmem>> -> memref<1x128x128xf32, #tpu.memory_space<vmem>>
        %dma_wait3A_113 = tpu.memref_squeeze %dma_wait3A_112 : memref<1x128x128xf32, #tpu.memory_space<vmem>> -> memref<128x128xf32, #tpu.memory_space<vmem>>
        %dma_wait3A_114 = arith.constant 0 : i32
        %dma_wait3A_115 = arith.constant 0 : i32
        %dma_wait3A_116 = tpu.memref_slice %arg3[%dma_wait3A_114, %dma_wait3A_115] : memref<10240x128xf32, #tpu.memory_space<hbm>> -> memref<128x128xf32, #tpu.memory_space<hbm>>
        tpu.wait_dma2 semaphore(%arg13 : memref<!tpu.dma_semaphore, #tpu.memory_space<semaphore_mem>>) src(%dma_wait3A_116 : memref<128x128xf32, #tpu.memory_space<hbm>>) dst(%dma_wait3A_113 : memref<128x128xf32, #tpu.memory_space<vmem>>)
        %add3A_117 = arith.constant 1 : i32
        %add3A_118 = arith.addi %mul3A_78, %add3A_117 : i32
        %run_scoped3A_119 = arith.constant 1 : i32
        "tpu.region"() ({
          %run_scoped3A_130 = tpu.sem_alloc : memref<!tpu.dma_semaphore, #tpu.memory_space<semaphore_mem>>
          %dma_start3A_131 = arith.constant 0 : i32
          %dma_start3A_132 = arith.constant 0 : i32
          %dma_start3A_133 = tpu.memref_slice %arg10[%run_scoped3A_119, %dma_start3A_131, %dma_start3A_132] : memref<2x128x128xf32, #tpu.memory_space<vmem>> -> memref<1x128x128xf32, #tpu.memory_space<vmem>>
          %dma_start3A_134 = tpu.memref_squeeze %dma_start3A_133 : memref<1x128x128xf32, #tpu.memory_space<vmem>> -> memref<128x128xf32, #tpu.memory_space<vmem>>
          %dma_start3A_135 = arith.constant 0 : i32
          %dma_start3A_136 = tpu.memref_slice %arg9[%add3A_118, %dma_start3A_135] : memref<40x128xi32, #tpu.memory_space<vmem>> -> memref<1x128xi32, #tpu.memory_space<vmem>>
          %dma_start3A_137 = tpu.memref_squeeze %dma_start3A_136 : memref<1x128xi32, #tpu.memory_space<vmem>> -> memref<128xi32, #tpu.memory_space<vmem>>
          %dma_start3A_138 = arith.constant 0 : i32
          %dma_start3A_139 = arith.constant 0 : i32
          %dma_start3A_140 = tpu.memref_slice %arg11[%dma_start3A_138, %dma_start3A_139] : memref<10240x128xf32, #tpu.memory_space<vmem_shared>> -> memref<10240x128xf32, #tpu.memory_space<vmem_shared>>
          tpu.enqueue_indirect_dma source(%dma_start3A_134 : memref<128x128xf32, #tpu.memory_space<vmem>>) target(%dma_start3A_140 : memref<10240x128xf32, #tpu.memory_space<vmem_shared>>) offsets(%dma_start3A_137 : memref<128xi32, #tpu.memory_space<vmem>>) semaphore(%run_scoped3A_130 : memref<!tpu.dma_semaphore, #tpu.memory_space<semaphore_mem>>) {add = true}
          %dma_wait3A_141 = arith.constant 0 : i32
          %dma_wait3A_142 = arith.constant 0 : i32
          %dma_wait3A_143 = tpu.memref_slice %arg10[%run_scoped3A_119, %dma_wait3A_141, %dma_wait3A_142] : memref<2x128x128xf32, #tpu.memory_space<vmem>> -> memref<1x128x128xf32, #tpu.memory_space<vmem>>
          %dma_wait3A_144 = tpu.memref_squeeze %dma_wait3A_143 : memref<1x128x128xf32, #tpu.memory_space<vmem>> -> memref<128x128xf32, #tpu.memory_space<vmem>>
          %dma_wait3A_145 = arith.constant 0 : i32
          %dma_wait3A_146 = tpu.memref_slice %arg9[%add3A_118, %dma_wait3A_145] : memref<40x128xi32, #tpu.memory_space<vmem>> -> memref<1x128xi32, #tpu.memory_space<vmem>>
          %dma_wait3A_147 = tpu.memref_squeeze %dma_wait3A_146 : memref<1x128xi32, #tpu.memory_space<vmem>> -> memref<128xi32, #tpu.memory_space<vmem>>
          %dma_wait3A_148 = arith.constant 0 : i32
          %dma_wait3A_149 = arith.constant 0 : i32
          %dma_wait3A_150 = tpu.memref_slice %arg11[%dma_wait3A_148, %dma_wait3A_149] : memref<10240x128xf32, #tpu.memory_space<vmem_shared>> -> memref<10240x128xf32, #tpu.memory_space<vmem_shared>>
          tpu.wait_indirect_dma semaphore(%run_scoped3A_130 : memref<!tpu.dma_semaphore, #tpu.memory_space<semaphore_mem>>) src(%dma_wait3A_144 : memref<128x128xf32, #tpu.memory_space<vmem>>) dst(%dma_wait3A_150 : memref<10240x128xf32, #tpu.memory_space<vmem_shared>>)
          tpu.yield
        }) : () -> ()
        %add3A_120 = arith.constant 1 : i32
        %add3A_121 = arith.addi %mul3A_78, %add3A_120 : i32
        %add3A_122 = arith.constant 2 : i32
        %add3A_123 = arith.addi %add3A_121, %add3A_122 : i32
        %lt3A_124 = arith.constant 40 : i32
        %lt3A_125 = arith.cmpi slt, %add3A_123, %lt3A_124 : i32
        %convert_element_type3A_126 = arith.extui %lt3A_125 : i1 to i32
        %cond3A_127 = arith.constant 0 : i32
        %cond3A_128 = arith.cmpi ne, %convert_element_type3A_126, %cond3A_127 : i32
        scf.if %cond3A_128 {
          %add3A_130 = arith.constant 1 : i32
          %add3A_131 = arith.addi %mul3A_78, %add3A_130 : i32
          %add3A_132 = arith.constant 2 : i32
          %add3A_133 = arith.addi %add3A_131, %add3A_132 : i32
          %dma_start3A_134 = arith.constant 1 : i32
          %dma_start3A_135 = arith.constant 0 : i32
          %dma_start3A_136 = arith.constant 0 : i32
          %dma_start3A_137 = tpu.memref_slice %arg10[%dma_start3A_134, %dma_start3A_135, %dma_start3A_136] : memref<2x128x128xf32, #tpu.memory_space<vmem>> -> memref<1x128x128xf32, #tpu.memory_space<vmem>>
          %dma_start3A_138 = tpu.memref_squeeze %dma_start3A_137 : memref<1x128x128xf32, #tpu.memory_space<vmem>> -> memref<128x128xf32, #tpu.memory_space<vmem>>
          %dma_start3A_139 = arith.constant 0 : i32
          %dma_start3A_140 = tpu.memref_slice %arg8[%add3A_133, %dma_start3A_139] : memref<40x128xi32, #tpu.memory_space<vmem>> -> memref<1x128xi32, #tpu.memory_space<vmem>>
          %dma_start3A_141 = tpu.memref_squeeze %dma_start3A_140 : memref<1x128xi32, #tpu.memory_space<vmem>> -> memref<128xi32, #tpu.memory_space<vmem>>
          %dma_start3A_142 = arith.constant 0 : i32
          %dma_start3A_143 = arith.constant 0 : i32
          %dma_start3A_144 = tpu.memref_slice %arg3[%dma_start3A_142, %dma_start3A_143] : memref<10240x128xf32, #tpu.memory_space<hbm>> -> memref<10240x128xf32, #tpu.memory_space<hbm>>
          tpu.enqueue_indirect_dma source(%dma_start3A_144 : memref<10240x128xf32, #tpu.memory_space<hbm>>) target(%dma_start3A_138 : memref<128x128xf32, #tpu.memory_space<vmem>>) offsets(%dma_start3A_141 : memref<128xi32, #tpu.memory_space<vmem>>) semaphore(%arg13 : memref<!tpu.dma_semaphore, #tpu.memory_space<semaphore_mem>>)
        } else {
        }
        %scan3A_129 = arith.constant 0 : i32
        scf.yield %scan3A_129 : i32
      }
      %scan3A_69 = arith.constant 20 : i32
      %barrier3A_70 = arith.constant 0 : index
      tpu.barrier barrier_id(%barrier3A_70)
      %mul3A_71 = arith.constant 640 : i32
      %mul3A_72 = arith.muli %arg1, %mul3A_71 : i32
      %mul3A_73 = arith.constant 640 : i32
      %mul3A_74 = arith.muli %arg1, %mul3A_73 : i32
      "tpu.region"() ({
        %run_scoped3A = tpu.sem_alloc : memref<!tpu.dma_semaphore, #tpu.memory_space<semaphore_mem>>
        %dma_start3A_75 = arith.constant 0 : i32
        %dma_start3A_76 = tpu.memref_slice %arg7[%mul3A_74, %dma_start3A_75] : memref<10240x128xf32, #tpu.memory_space<hbm>> -> memref<640x128xf32, #tpu.memory_space<hbm>>
        %dma_start3A_77 = arith.constant 0 : i32
        %dma_start3A_78 = tpu.memref_slice %arg11[%mul3A_72, %dma_start3A_77] : memref<10240x128xf32, #tpu.memory_space<vmem_shared>> -> memref<640x128xf32, #tpu.memory_space<vmem_shared>>
        tpu.enqueue_dma source(%dma_start3A_78 : memref<640x128xf32, #tpu.memory_space<vmem_shared>>) target(%dma_start3A_76 : memref<640x128xf32, #tpu.memory_space<hbm>>) target_semaphore(%run_scoped3A : memref<!tpu.dma_semaphore, #tpu.memory_space<semaphore_mem>>)
        %dma_wait3A = arith.constant 0 : i32
        %dma_wait3A_79 = tpu.memref_slice %arg7[%mul3A_74, %dma_wait3A] : memref<10240x128xf32, #tpu.memory_space<hbm>> -> memref<640x128xf32, #tpu.memory_space<hbm>>
        %dma_wait3A_80 = arith.constant 0 : i32
        %dma_wait3A_81 = tpu.memref_slice %arg11[%mul3A_72, %dma_wait3A_80] : memref<10240x128xf32, #tpu.memory_space<vmem_shared>> -> memref<640x128xf32, #tpu.memory_space<vmem_shared>>
        tpu.wait_dma2 semaphore(%run_scoped3A : memref<!tpu.dma_semaphore, #tpu.memory_space<semaphore_mem>>) src(%dma_wait3A_81 : memref<640x128xf32, #tpu.memory_space<vmem_shared>>) dst(%dma_wait3A_79 : memref<640x128xf32, #tpu.memory_space<hbm>>)
        tpu.yield
      }) : () -> ()
    } else {
    }
    return
  }
}

#map = affine_map<(d0, d1) -> (0, 0, 0)>
#map1 = affine_map<(d0, d1) -> (0, 0)>
module attributes {stable_mosaic.version = 14 : i64} {
  func.func @_deg_body(%arg0: i32, %arg1: i32, %arg2: memref<32x40x128xi32, #tpu.memory_space<hbm>>, %arg3: memref<2x10240xf32, #tpu.memory_space<hbm>>, %arg4: memref<40x128xi32, #tpu.memory_space<vmem>>, %arg5: memref<128xf32, #tpu.memory_space<vmem>>, %arg6: memref<640xf32, #tpu.memory_space<vmem>>, %arg7: memref<10240xf32, #tpu.memory_space<vmem_shared>>) attributes {dimension_semantics = [#tpu.dimension_semantics<core_parallel>, #tpu.dimension_semantics<subcore_parallel>], iteration_bounds = array<i64: 2, 16>, scalar_prefetch = 0 : i64, scratch_operands = 4 : i64, tpu.core_type = #tpu.core_type<sc_vector_subcore>, window_params = [{transform_indices = #map}, {transform_indices = #map1}]} {
    %mul3A = arith.constant 16 : i32
    %mul3A_0 = arith.muli %arg0, %mul3A : i32
    %add3A = arith.addi %mul3A_0, %arg1 : i32
    %scan3A = arith.constant 0 : i32
    %scan3A_1 = arith.constant 0 : i32
    %scan3A_2 = arith.constant 40 : i32
    %scan3A_3 = arith.addi %scan3A_1, %scan3A_2 : i32
    %scan3A_4 = arith.constant 1 : i32
    %scan3A_5 = scf.for %scan3A_28 = %scan3A_1 to %scan3A_3 step %scan3A_4 iter_args(%scan3A_29 = %scan3A) -> (i32)  : i32 {
      %broadcast_in_dim3A = arith.constant 0.000000e+00 : f32
      %broadcast_in_dim3A_30 = vector.broadcast %broadcast_in_dim3A : f32 to vector<16xf32>
      %mul3A_31 = arith.constant 16 : i32
      %mul3A_32 = arith.muli %scan3A_28, %mul3A_31 : i32
      %swap3A = arith.index_cast %mul3A_32 : i32 to index
      %swap3A_33 = tpu.vector_load %arg6[%swap3A] {strides = array<i32>} : memref<640xf32, #tpu.memory_space<vmem>>, vector<16xf32>,
      %swap3A_34 = vector.shape_cast %swap3A_33 : vector<16xf32> to vector<16xf32>
      %swap3A_35 = vector.shape_cast %broadcast_in_dim3A_30 : vector<16xf32> to vector<16xf32>
      tpu.vector_store %arg6[%swap3A], %swap3A_35 {strides = array<i32>} : memref<640xf32, #tpu.memory_space<vmem>>, vector<16xf32>,
      %scan3A_36 = arith.constant 0 : i32
      scf.yield %scan3A_36 : i32
    }
    %scan3A_6 = arith.constant 40 : i32
    %scan3A_7 = arith.constant 0 : i32
    %scan3A_8 = arith.constant 0 : i32
    %scan3A_9 = arith.constant 8 : i32
    %scan3A_10 = arith.addi %scan3A_8, %scan3A_9 : i32
    %scan3A_11 = arith.constant 1 : i32
    %scan3A_12 = scf.for %scan3A_28 = %scan3A_8 to %scan3A_10 step %scan3A_11 iter_args(%scan3A_29 = %scan3A_7) -> (i32)  : i32 {
      %broadcast_in_dim3A = arith.constant 1.000000e+00 : f32
      %broadcast_in_dim3A_30 = vector.broadcast %broadcast_in_dim3A : f32 to vector<16xf32>
      %mul3A_31 = arith.constant 16 : i32
      %mul3A_32 = arith.muli %scan3A_28, %mul3A_31 : i32
      %swap3A = arith.index_cast %mul3A_32 : i32 to index
      %swap3A_33 = tpu.vector_load %arg5[%swap3A] {strides = array<i32>} : memref<128xf32, #tpu.memory_space<vmem>>, vector<16xf32>,
      %swap3A_34 = vector.shape_cast %swap3A_33 : vector<16xf32> to vector<16xf32>
      %swap3A_35 = vector.shape_cast %broadcast_in_dim3A_30 : vector<16xf32> to vector<16xf32>
      tpu.vector_store %arg5[%swap3A], %swap3A_35 {strides = array<i32>} : memref<128xf32, #tpu.memory_space<vmem>>, vector<16xf32>,
      %scan3A_36 = arith.constant 0 : i32
      scf.yield %scan3A_36 : i32
    }
    %scan3A_13 = arith.constant 8 : i32
    "tpu.region"() ({
      %run_scoped3A = tpu.sem_alloc : memref<!tpu.dma_semaphore, #tpu.memory_space<semaphore_mem>>
      %dma_start3A = arith.constant 0 : i32
      %dma_start3A_28 = arith.constant 0 : i32
      %dma_start3A_29 = tpu.memref_slice %arg2[%add3A, %dma_start3A, %dma_start3A_28] : memref<32x40x128xi32, #tpu.memory_space<hbm>> -> memref<1x40x128xi32, #tpu.memory_space<hbm>>
      %dma_start3A_30 = tpu.memref_squeeze %dma_start3A_29 : memref<1x40x128xi32, #tpu.memory_space<hbm>> -> memref<40x128xi32, #tpu.memory_space<hbm>>
      %dma_start3A_31 = arith.constant 0 : i32
      %dma_start3A_32 = arith.constant 0 : i32
      %dma_start3A_33 = tpu.memref_slice %arg2[%add3A, %dma_start3A_31, %dma_start3A_32] : memref<32x40x128xi32, #tpu.memory_space<hbm>> -> memref<1x40x128xi32, #tpu.memory_space<hbm>>
      %dma_start3A_34 = tpu.memref_squeeze %dma_start3A_33 : memref<1x40x128xi32, #tpu.memory_space<hbm>> -> memref<40x128xi32, #tpu.memory_space<hbm>>
      tpu.enqueue_dma source(%dma_start3A_34 : memref<40x128xi32, #tpu.memory_space<hbm>>) target(%arg4 : memref<40x128xi32, #tpu.memory_space<vmem>>) target_semaphore(%run_scoped3A : memref<!tpu.dma_semaphore, #tpu.memory_space<semaphore_mem>>)
      %dma_wait3A = arith.constant 0 : i32
      %dma_wait3A_35 = arith.constant 0 : i32
      %dma_wait3A_36 = tpu.memref_slice %arg2[%add3A, %dma_wait3A, %dma_wait3A_35] : memref<32x40x128xi32, #tpu.memory_space<hbm>> -> memref<1x40x128xi32, #tpu.memory_space<hbm>>
      %dma_wait3A_37 = tpu.memref_squeeze %dma_wait3A_36 : memref<1x40x128xi32, #tpu.memory_space<hbm>> -> memref<40x128xi32, #tpu.memory_space<hbm>>
      %dma_wait3A_38 = arith.constant 0 : i32
      %dma_wait3A_39 = arith.constant 0 : i32
      %dma_wait3A_40 = tpu.memref_slice %arg2[%add3A, %dma_wait3A_38, %dma_wait3A_39] : memref<32x40x128xi32, #tpu.memory_space<hbm>> -> memref<1x40x128xi32, #tpu.memory_space<hbm>>
      %dma_wait3A_41 = tpu.memref_squeeze %dma_wait3A_40 : memref<1x40x128xi32, #tpu.memory_space<hbm>> -> memref<40x128xi32, #tpu.memory_space<hbm>>
      tpu.wait_dma2 semaphore(%run_scoped3A : memref<!tpu.dma_semaphore, #tpu.memory_space<semaphore_mem>>) src(%dma_wait3A_41 : memref<40x128xi32, #tpu.memory_space<hbm>>) dst(%arg4 : memref<40x128xi32, #tpu.memory_space<vmem>>)
      tpu.yield
    }) : () -> ()
    %mul3A_14 = arith.constant 640 : i32
    %mul3A_15 = arith.muli %arg1, %mul3A_14 : i32
    "tpu.region"() ({
      %run_scoped3A = tpu.sem_alloc : memref<!tpu.dma_semaphore, #tpu.memory_space<semaphore_mem>>
      %dma_start3A = tpu.memref_slice %arg7[%mul3A_15] : memref<10240xf32, #tpu.memory_space<vmem_shared>> -> memref<640xf32, #tpu.memory_space<vmem_shared>>
      %dma_start3A_28 = tpu.memref_slice %arg7[%mul3A_15] : memref<10240xf32, #tpu.memory_space<vmem_shared>> -> memref<640xf32, #tpu.memory_space<vmem_shared>>
      tpu.enqueue_dma source(%arg6 : memref<640xf32, #tpu.memory_space<vmem>>) target(%dma_start3A_28 : memref<640xf32, #tpu.memory_space<vmem_shared>>) target_semaphore(%run_scoped3A : memref<!tpu.dma_semaphore, #tpu.memory_space<semaphore_mem>>)
      %dma_wait3A = tpu.memref_slice %arg7[%mul3A_15] : memref<10240xf32, #tpu.memory_space<vmem_shared>> -> memref<640xf32, #tpu.memory_space<vmem_shared>>
      %dma_wait3A_29 = tpu.memref_slice %arg7[%mul3A_15] : memref<10240xf32, #tpu.memory_space<vmem_shared>> -> memref<640xf32, #tpu.memory_space<vmem_shared>>
      tpu.wait_dma2 semaphore(%run_scoped3A : memref<!tpu.dma_semaphore, #tpu.memory_space<semaphore_mem>>) src(%arg6 : memref<640xf32, #tpu.memory_space<vmem>>) dst(%dma_wait3A_29 : memref<640xf32, #tpu.memory_space<vmem_shared>>)
      tpu.yield
    }) : () -> ()
    %barrier3A = arith.constant 0 : index
    tpu.barrier barrier_id(%barrier3A)
    %scan3A_16 = arith.constant 0 : i32
    %scan3A_17 = arith.constant 0 : i32
    %scan3A_18 = arith.constant 40 : i32
    %scan3A_19 = arith.addi %scan3A_17, %scan3A_18 : i32
    %scan3A_20 = arith.constant 1 : i32
    %scan3A_21 = scf.for %scan3A_28 = %scan3A_17 to %scan3A_19 step %scan3A_20 iter_args(%scan3A_29 = %scan3A_16) -> (i32)  : i32 {
      "tpu.region"() ({
        %run_scoped3A = tpu.sem_alloc : memref<!tpu.dma_semaphore, #tpu.memory_space<semaphore_mem>>
        %dma_start3A = arith.constant 0 : i32
        %dma_start3A_31 = tpu.memref_slice %arg4[%scan3A_28, %dma_start3A] : memref<40x128xi32, #tpu.memory_space<vmem>> -> memref<1x128xi32, #tpu.memory_space<vmem>>
        %dma_start3A_32 = tpu.memref_squeeze %dma_start3A_31 : memref<1x128xi32, #tpu.memory_space<vmem>> -> memref<128xi32, #tpu.memory_space<vmem>>
        %dma_start3A_33 = arith.constant 0 : i32
        %dma_start3A_34 = tpu.memref_slice %arg7[%dma_start3A_33] : memref<10240xf32, #tpu.memory_space<vmem_shared>> -> memref<10240xf32, #tpu.memory_space<vmem_shared>>
        tpu.enqueue_indirect_dma source(%arg5 : memref<128xf32, #tpu.memory_space<vmem>>) target(%dma_start3A_34 : memref<10240xf32, #tpu.memory_space<vmem_shared>>) offsets(%dma_start3A_32 : memref<128xi32, #tpu.memory_space<vmem>>) semaphore(%run_scoped3A : memref<!tpu.dma_semaphore, #tpu.memory_space<semaphore_mem>>) {add = true}
        %dma_wait3A = arith.constant 0 : i32
        %dma_wait3A_35 = tpu.memref_slice %arg4[%scan3A_28, %dma_wait3A] : memref<40x128xi32, #tpu.memory_space<vmem>> -> memref<1x128xi32, #tpu.memory_space<vmem>>
        %dma_wait3A_36 = tpu.memref_squeeze %dma_wait3A_35 : memref<1x128xi32, #tpu.memory_space<vmem>> -> memref<128xi32, #tpu.memory_space<vmem>>
        %dma_wait3A_37 = arith.constant 0 : i32
        %dma_wait3A_38 = tpu.memref_slice %arg7[%dma_wait3A_37] : memref<10240xf32, #tpu.memory_space<vmem_shared>> -> memref<10240xf32, #tpu.memory_space<vmem_shared>>
        tpu.wait_indirect_dma semaphore(%run_scoped3A : memref<!tpu.dma_semaphore, #tpu.memory_space<semaphore_mem>>) src(%arg5 : memref<128xf32, #tpu.memory_space<vmem>>) dst(%dma_wait3A_38 : memref<10240xf32, #tpu.memory_space<vmem_shared>>)
        tpu.yield
      }) : () -> ()
      %scan3A_30 = arith.constant 0 : i32
      scf.yield %scan3A_30 : i32
    }
    %scan3A_22 = arith.constant 40 : i32
    %barrier3A_23 = arith.constant 0 : index
    tpu.barrier barrier_id(%barrier3A_23)
    %mul3A_24 = arith.constant 640 : i32
    %mul3A_25 = arith.muli %arg1, %mul3A_24 : i32
    %mul3A_26 = arith.constant 640 : i32
    %mul3A_27 = arith.muli %arg1, %mul3A_26 : i32
    "tpu.region"() ({
      %run_scoped3A = tpu.sem_alloc : memref<!tpu.dma_semaphore, #tpu.memory_space<semaphore_mem>>
      %dma_start3A = tpu.memref_slice %arg3[%arg0, %mul3A_27] : memref<2x10240xf32, #tpu.memory_space<hbm>> -> memref<1x640xf32, #tpu.memory_space<hbm>>
      %dma_start3A_28 = tpu.memref_squeeze %dma_start3A : memref<1x640xf32, #tpu.memory_space<hbm>> -> memref<640xf32, #tpu.memory_space<hbm>>
      %dma_start3A_29 = tpu.memref_slice %arg7[%mul3A_25] : memref<10240xf32, #tpu.memory_space<vmem_shared>> -> memref<640xf32, #tpu.memory_space<vmem_shared>>
      tpu.enqueue_dma source(%dma_start3A_29 : memref<640xf32, #tpu.memory_space<vmem_shared>>) target(%dma_start3A_28 : memref<640xf32, #tpu.memory_space<hbm>>) target_semaphore(%run_scoped3A : memref<!tpu.dma_semaphore, #tpu.memory_space<semaphore_mem>>)
      %dma_wait3A = tpu.memref_slice %arg3[%arg0, %mul3A_27] : memref<2x10240xf32, #tpu.memory_space<hbm>> -> memref<1x640xf32, #tpu.memory_space<hbm>>
      %dma_wait3A_30 = tpu.memref_squeeze %dma_wait3A : memref<1x640xf32, #tpu.memory_space<hbm>> -> memref<640xf32, #tpu.memory_space<hbm>>
      %dma_wait3A_31 = tpu.memref_slice %arg7[%mul3A_25] : memref<10240xf32, #tpu.memory_space<vmem_shared>> -> memref<640xf32, #tpu.memory_space<vmem_shared>>
      tpu.wait_dma2 semaphore(%run_scoped3A : memref<!tpu.dma_semaphore, #tpu.memory_space<semaphore_mem>>) src(%dma_wait3A_31 : memref<640xf32, #tpu.memory_space<vmem_shared>>) dst(%dma_wait3A_30 : memref<640xf32, #tpu.memory_space<hbm>>)
      tpu.yield
    }) : () -> ()
    return
  }
}

module attributes {stable_mosaic.version = 14 : i64} {
  func.func @_mm1_body(%arg0: i32, %arg1: memref<1024x256xf32, #tpu.memory_space<vmem>>, %arg2: memref<256x256xf32, #tpu.memory_space<vmem>>, %arg3: memref<1024xf32, #tpu.memory_space<vmem>>, %arg4: memref<1024xf32, #tpu.memory_space<vmem>>, %arg5: memref<1024x128xf32, #tpu.memory_space<vmem>>, %arg6: memref<1024x128xf32, #tpu.memory_space<vmem>>, %arg7: memref<1024xf32, #tpu.memory_space<vmem>>) attributes {dimension_semantics = [#tpu.dimension_semantics<arbitrary>], iteration_bounds = array<i64: 10>, scalar_prefetch = 0 : i64, scratch_operands = 0 : i64, tpu.core_type = #tpu.core_type<tc>, window_params = [{transform_indices = @transform_0, window_bounds = array<i64: 1024, 256>}, {pipeline_mode = #tpu.pipeline_mode<synchronous>, transform_indices = @transform_1, window_bounds = array<i64: 256, 256>}, {transform_indices = @transform_2, window_bounds = array<i64: 1024>}, {transform_indices = @transform_3, window_bounds = array<i64: 1024>}, {transform_indices = @transform_4, window_bounds = array<i64: 1024, 128>}, {transform_indices = @transform_5, window_bounds = array<i64: 1024, 128>}, {transform_indices = @transform_6, window_bounds = array<i64: 1024>}]} {
    %get3A = arith.constant 0 : index
    %get3A_0 = vector.load %arg3[%get3A] : memref<1024xf32, #tpu.memory_space<vmem>>, vector<1024xf32>
    %get3A_1 = arith.constant 0 : index
    %get3A_2 = vector.load %arg4[%get3A_1] : memref<1024xf32, #tpu.memory_space<vmem>>, vector<1024xf32>
    %add3A = arith.addf %get3A_0, %get3A_2 : vector<1024xf32>
    %add3A_3 = arith.constant 1.000000e+00 : f32
    %add3A_4 = vector.broadcast %add3A_3 : f32 to vector<1024xf32>
    %add3A_5 = arith.addf %add3A, %add3A_4 : vector<1024xf32>
    %rsqrt3A = math.rsqrt %add3A_5 : vector<1024xf32>
    %get3A_6 = arith.constant 0 : index
    %get3A_7 = arith.constant 0 : index
    %get3A_8 = vector.load %arg1[%get3A_6, %get3A_7] : memref<1024x256xf32, #tpu.memory_space<vmem>>, vector<1024x256xf32>
    %get3A_9 = arith.constant 0 : index
    %get3A_10 = arith.constant 0 : index
    %get3A_11 = vector.load %arg2[%get3A_9, %get3A_10] : memref<256x256xf32, #tpu.memory_space<vmem>>, vector<256x256xf32>
    %dot_general3A = arith.constant dense<0.000000e+00> : vector<1024x256xf32>
    %dot_general3A_12 = tpu.matmul %get3A_8, %get3A_11, %dot_general3A {dimension_numbers = #tpu.dot_dimension_numbers<[1], [0], [0], [1], [0, 0, 1, 1], [], []>, transpose_lhs_hint = false} : vector<1024x256xf32>, vector<256x256xf32>, vector<1024x256xf32> -> vector<1024x256xf32>
    %broadcast_in_dim3A = vector.shape_cast %rsqrt3A : vector<1024xf32> to vector<1024x1xf32>
    %mul3A = vector.broadcast %broadcast_in_dim3A : vector<1024x1xf32> to vector<1024x256xf32>
    %mul3A_13 = arith.mulf %dot_general3A_12, %mul3A : vector<1024x256xf32>
    %slice3A = vector.extract_strided_slice %mul3A_13 {offsets = [0, 0], sizes = [1024, 128], strides = [1, 1]} : vector<1024x256xf32> to vector<1024x128xf32>
    %swap3A = arith.constant 0 : index
    %swap3A_14 = arith.constant 0 : index
    %swap3A_15 = vector.load %arg5[%swap3A, %swap3A_14] : memref<1024x128xf32, #tpu.memory_space<vmem>>, vector<1024x128xf32>
    tpu.vector_store %arg5[%swap3A, %swap3A_14], %slice3A {strides = array<i32>} : memref<1024x128xf32, #tpu.memory_space<vmem>>, vector<1024x128xf32>,
    %slice3A_16 = vector.extract_strided_slice %mul3A_13 {offsets = [0, 128], sizes = [1024, 128], strides = [1, 1]} : vector<1024x256xf32> to vector<1024x128xf32>
    %swap3A_17 = arith.constant 0 : index
    %swap3A_18 = arith.constant 0 : index
    %swap3A_19 = vector.load %arg6[%swap3A_17, %swap3A_18] : memref<1024x128xf32, #tpu.memory_space<vmem>>, vector<1024x128xf32>
    tpu.vector_store %arg6[%swap3A_17, %swap3A_18], %slice3A_16 {strides = array<i32>} : memref<1024x128xf32, #tpu.memory_space<vmem>>, vector<1024x128xf32>,
    %swap3A_20 = arith.constant 0 : index
    %swap3A_21 = vector.load %arg7[%swap3A_20] : memref<1024xf32, #tpu.memory_space<vmem>>, vector<1024xf32>
    tpu.vector_store %arg7[%swap3A_20], %rsqrt3A {strides = array<i32>} : memref<1024xf32, #tpu.memory_space<vmem>>, vector<1024xf32>,
    return
  }
  func.func @transform_0(%arg0: i32) -> (i32, i32) {
    %c0_i32 = arith.constant 0 : i32
    %c0_i32_0 = arith.constant 0 : i32
    return %arg0, %c0_i32 : i32, i32
  }
  func.func @transform_1(%arg0: i32) -> (i32, i32) {
    %c0_i32 = arith.constant 0 : i32
    %c0_i32_0 = arith.constant 0 : i32
    %c0_i32_1 = arith.constant 0 : i32
    return %c0_i32, %c0_i32_0 : i32, i32
  }
  func.func @transform_2(%arg0: i32) -> i32 {
    %c0_i32 = arith.constant 0 : i32
    return %arg0 : i32
  }
  func.func @transform_3(%arg0: i32) -> i32 {
    %c0_i32 = arith.constant 0 : i32
    return %arg0 : i32
  }
  func.func @transform_4(%arg0: i32) -> (i32, i32) {
    %c0_i32 = arith.constant 0 : i32
    %c0_i32_0 = arith.constant 0 : i32
    return %arg0, %c0_i32 : i32, i32
  }
  func.func @transform_5(%arg0: i32) -> (i32, i32) {
    %c0_i32 = arith.constant 0 : i32
    %c0_i32_0 = arith.constant 0 : i32
    return %arg0, %c0_i32 : i32, i32
  }
  func.func @transform_6(%arg0: i32) -> i32 {
    %c0_i32 = arith.constant 0 : i32
    return %arg0 : i32
  }
}

module attributes {stable_mosaic.version = 14 : i64} {
  func.func @_mm2_body(%arg0: i32, %arg1: memref<1024x128xf32, #tpu.memory_space<vmem>>, %arg2: memref<1024x128xf32, #tpu.memory_space<vmem>>, %arg3: memref<1024xf32, #tpu.memory_space<vmem>>, %arg4: memref<256xf32, #tpu.memory_space<vmem>>, %arg5: memref<256x256xf32, #tpu.memory_space<vmem>>, %arg6: memref<1024x128xf32, #tpu.memory_space<vmem>>, %arg7: memref<1024x128xf32, #tpu.memory_space<vmem>>) attributes {dimension_semantics = [#tpu.dimension_semantics<arbitrary>], iteration_bounds = array<i64: 10>, scalar_prefetch = 0 : i64, scratch_operands = 0 : i64, tpu.core_type = #tpu.core_type<tc>, window_params = [{transform_indices = @transform_0, window_bounds = array<i64: 1024, 128>}, {transform_indices = @transform_1, window_bounds = array<i64: 1024, 128>}, {transform_indices = @transform_2, window_bounds = array<i64: 1024>}, {pipeline_mode = #tpu.pipeline_mode<synchronous>, transform_indices = @transform_3, window_bounds = array<i64: 256>}, {pipeline_mode = #tpu.pipeline_mode<synchronous>, transform_indices = @transform_4, window_bounds = array<i64: 256, 256>}, {transform_indices = @transform_5, window_bounds = array<i64: 1024, 128>}, {transform_indices = @transform_6, window_bounds = array<i64: 1024, 128>}]} {
    %get3A = arith.constant 0 : index
    %get3A_0 = vector.load %arg3[%get3A] : memref<1024xf32, #tpu.memory_space<vmem>>, vector<1024xf32>
    %get3A_1 = arith.constant 0 : index
    %get3A_2 = arith.constant 0 : index
    %get3A_3 = vector.load %arg1[%get3A_1, %get3A_2] : memref<1024x128xf32, #tpu.memory_space<vmem>>, vector<1024x128xf32>
    %get3A_4 = arith.constant 0 : index
    %get3A_5 = arith.constant 0 : index
    %get3A_6 = vector.load %arg2[%get3A_4, %get3A_5] : memref<1024x128xf32, #tpu.memory_space<vmem>>, vector<1024x128xf32>
    %concatenate3A = tpu.concatenate %get3A_3, %get3A_6 in 1 : vector<1024x128xf32>, vector<1024x128xf32> -> vector<1024x256xf32>
    %broadcast_in_dim3A = vector.shape_cast %get3A_0 : vector<1024xf32> to vector<1024x1xf32>
    %mul3A = vector.broadcast %broadcast_in_dim3A : vector<1024x1xf32> to vector<1024x256xf32>
    %mul3A_7 = arith.mulf %concatenate3A, %mul3A : vector<1024x256xf32>
    %get3A_8 = arith.constant 0 : index
    %get3A_9 = vector.load %arg4[%get3A_8] : memref<256xf32, #tpu.memory_space<vmem>>, vector<256xf32>
    %broadcast_in_dim3A_10 = vector.shape_cast %get3A_9 : vector<256xf32> to vector<1x256xf32>
    %add3A = vector.broadcast %broadcast_in_dim3A_10 : vector<1x256xf32> to vector<1024x256xf32>
    %add3A_11 = arith.addf %mul3A_7, %add3A : vector<1024x256xf32>
    %max3A = arith.constant 0.000000e+00 : f32
    %max3A_12 = vector.broadcast %max3A : f32 to vector<1024x256xf32>
    %max3A_13 = arith.maximumf %add3A_11, %max3A_12 : vector<1024x256xf32>
    %get3A_14 = arith.constant 0 : index
    %get3A_15 = arith.constant 0 : index
    %get3A_16 = vector.load %arg5[%get3A_14, %get3A_15] : memref<256x256xf32, #tpu.memory_space<vmem>>, vector<256x256xf32>
    %dot_general3A = arith.constant dense<0.000000e+00> : vector<1024x256xf32>
    %dot_general3A_17 = tpu.matmul %max3A_13, %get3A_16, %dot_general3A {dimension_numbers = #tpu.dot_dimension_numbers<[1], [0], [0], [1], [0, 0, 1, 1], [], []>, transpose_lhs_hint = false} : vector<1024x256xf32>, vector<256x256xf32>, vector<1024x256xf32> -> vector<1024x256xf32>
    %broadcast_in_dim3A_18 = vector.shape_cast %get3A_0 : vector<1024xf32> to vector<1024x1xf32>
    %mul3A_19 = vector.broadcast %broadcast_in_dim3A_18 : vector<1024x1xf32> to vector<1024x256xf32>
    %mul3A_20 = arith.mulf %dot_general3A_17, %mul3A_19 : vector<1024x256xf32>
    %slice3A = vector.extract_strided_slice %mul3A_20 {offsets = [0, 0], sizes = [1024, 128], strides = [1, 1]} : vector<1024x256xf32> to vector<1024x128xf32>
    %swap3A = arith.constant 0 : index
    %swap3A_21 = arith.constant 0 : index
    %swap3A_22 = vector.load %arg6[%swap3A, %swap3A_21] : memref<1024x128xf32, #tpu.memory_space<vmem>>, vector<1024x128xf32>
    tpu.vector_store %arg6[%swap3A, %swap3A_21], %slice3A {strides = array<i32>} : memref<1024x128xf32, #tpu.memory_space<vmem>>, vector<1024x128xf32>,
    %slice3A_23 = vector.extract_strided_slice %mul3A_20 {offsets = [0, 128], sizes = [1024, 128], strides = [1, 1]} : vector<1024x256xf32> to vector<1024x128xf32>
    %swap3A_24 = arith.constant 0 : index
    %swap3A_25 = arith.constant 0 : index
    %swap3A_26 = vector.load %arg7[%swap3A_24, %swap3A_25] : memref<1024x128xf32, #tpu.memory_space<vmem>>, vector<1024x128xf32>
    tpu.vector_store %arg7[%swap3A_24, %swap3A_25], %slice3A_23 {strides = array<i32>} : memref<1024x128xf32, #tpu.memory_space<vmem>>, vector<1024x128xf32>,
    return
  }
  func.func @transform_0(%arg0: i32) -> (i32, i32) {
    %c0_i32 = arith.constant 0 : i32
    %c0_i32_0 = arith.constant 0 : i32
    return %arg0, %c0_i32 : i32, i32
  }
  func.func @transform_1(%arg0: i32) -> (i32, i32) {
    %c0_i32 = arith.constant 0 : i32
    %c0_i32_0 = arith.constant 0 : i32
    return %arg0, %c0_i32 : i32, i32
  }
  func.func @transform_2(%arg0: i32) -> i32 {
    %c0_i32 = arith.constant 0 : i32
    return %arg0 : i32
  }
  func.func @transform_3(%arg0: i32) -> i32 {
    %c0_i32 = arith.constant 0 : i32
    %c0_i32_0 = arith.constant 0 : i32
    return %c0_i32 : i32
  }
  func.func @transform_4(%arg0: i32) -> (i32, i32) {
    %c0_i32 = arith.constant 0 : i32
    %c0_i32_0 = arith.constant 0 : i32
    %c0_i32_1 = arith.constant 0 : i32
    return %c0_i32, %c0_i32_0 : i32, i32
  }
  func.func @transform_5(%arg0: i32) -> (i32, i32) {
    %c0_i32 = arith.constant 0 : i32
    %c0_i32_0 = arith.constant 0 : i32
    return %arg0, %c0_i32 : i32, i32
  }
  func.func @transform_6(%arg0: i32) -> (i32, i32) {
    %c0_i32 = arith.constant 0 : i32
    %c0_i32_0 = arith.constant 0 : i32
    return %arg0, %c0_i32 : i32, i32
  }
}

module attributes {stable_mosaic.version = 14 : i64} {
  func.func @_head_body(%arg0: i32, %arg1: memref<1024x128xf32, #tpu.memory_space<vmem>>, %arg2: memref<1024x128xf32, #tpu.memory_space<vmem>>, %arg3: memref<1024xf32, #tpu.memory_space<vmem>>, %arg4: memref<256xf32, #tpu.memory_space<vmem>>, %arg5: memref<256x40xf32, #tpu.memory_space<vmem>>, %arg6: memref<40xf32, #tpu.memory_space<vmem>>, %arg7: memref<1024x40xf32, #tpu.memory_space<vmem>>) attributes {dimension_semantics = [#tpu.dimension_semantics<arbitrary>], iteration_bounds = array<i64: 10>, scalar_prefetch = 0 : i64, scratch_operands = 0 : i64, tpu.core_type = #tpu.core_type<tc>, window_params = [{transform_indices = @transform_0, window_bounds = array<i64: 1024, 128>}, {transform_indices = @transform_1, window_bounds = array<i64: 1024, 128>}, {transform_indices = @transform_2, window_bounds = array<i64: 1024>}, {pipeline_mode = #tpu.pipeline_mode<synchronous>, transform_indices = @transform_3, window_bounds = array<i64: 256>}, {pipeline_mode = #tpu.pipeline_mode<synchronous>, transform_indices = @transform_4, window_bounds = array<i64: 256, 40>}, {pipeline_mode = #tpu.pipeline_mode<synchronous>, transform_indices = @transform_5, window_bounds = array<i64: 40>}, {transform_indices = @transform_6, window_bounds = array<i64: 1024, 40>}]} {
    %get3A = arith.constant 0 : index
    %get3A_0 = vector.load %arg3[%get3A] : memref<1024xf32, #tpu.memory_space<vmem>>, vector<1024xf32>
    %get3A_1 = arith.constant 0 : index
    %get3A_2 = arith.constant 0 : index
    %get3A_3 = vector.load %arg1[%get3A_1, %get3A_2] : memref<1024x128xf32, #tpu.memory_space<vmem>>, vector<1024x128xf32>
    %get3A_4 = arith.constant 0 : index
    %get3A_5 = arith.constant 0 : index
    %get3A_6 = vector.load %arg2[%get3A_4, %get3A_5] : memref<1024x128xf32, #tpu.memory_space<vmem>>, vector<1024x128xf32>
    %concatenate3A = tpu.concatenate %get3A_3, %get3A_6 in 1 : vector<1024x128xf32>, vector<1024x128xf32> -> vector<1024x256xf32>
    %broadcast_in_dim3A = vector.shape_cast %get3A_0 : vector<1024xf32> to vector<1024x1xf32>
    %mul3A = vector.broadcast %broadcast_in_dim3A : vector<1024x1xf32> to vector<1024x256xf32>
    %mul3A_7 = arith.mulf %concatenate3A, %mul3A : vector<1024x256xf32>
    %get3A_8 = arith.constant 0 : index
    %get3A_9 = vector.load %arg4[%get3A_8] : memref<256xf32, #tpu.memory_space<vmem>>, vector<256xf32>
    %broadcast_in_dim3A_10 = vector.shape_cast %get3A_9 : vector<256xf32> to vector<1x256xf32>
    %add3A = vector.broadcast %broadcast_in_dim3A_10 : vector<1x256xf32> to vector<1024x256xf32>
    %add3A_11 = arith.addf %mul3A_7, %add3A : vector<1024x256xf32>
    %max3A = arith.constant 0.000000e+00 : f32
    %max3A_12 = vector.broadcast %max3A : f32 to vector<1024x256xf32>
    %max3A_13 = arith.maximumf %add3A_11, %max3A_12 : vector<1024x256xf32>
    %get3A_14 = arith.constant 0 : index
    %get3A_15 = arith.constant 0 : index
    %get3A_16 = vector.load %arg5[%get3A_14, %get3A_15] : memref<256x40xf32, #tpu.memory_space<vmem>>, vector<256x40xf32>
    %dot_general3A = arith.constant dense<0.000000e+00> : vector<1024x40xf32>
    %dot_general3A_17 = tpu.matmul %max3A_13, %get3A_16, %dot_general3A {dimension_numbers = #tpu.dot_dimension_numbers<[1], [0], [0], [1], [0, 0, 1, 1], [], []>, transpose_lhs_hint = false} : vector<1024x256xf32>, vector<256x40xf32>, vector<1024x40xf32> -> vector<1024x40xf32>
    %get3A_18 = arith.constant 0 : index
    %get3A_19 = vector.load %arg6[%get3A_18] : memref<40xf32, #tpu.memory_space<vmem>>, vector<40xf32>
    %broadcast_in_dim3A_20 = vector.shape_cast %get3A_19 : vector<40xf32> to vector<1x40xf32>
    %add3A_21 = vector.broadcast %broadcast_in_dim3A_20 : vector<1x40xf32> to vector<1024x40xf32>
    %add3A_22 = arith.addf %dot_general3A_17, %add3A_21 : vector<1024x40xf32>
    %swap3A = arith.constant 0 : index
    %swap3A_23 = arith.constant 0 : index
    %swap3A_24 = vector.load %arg7[%swap3A, %swap3A_23] : memref<1024x40xf32, #tpu.memory_space<vmem>>, vector<1024x40xf32>
    tpu.vector_store %arg7[%swap3A, %swap3A_23], %add3A_22 {strides = array<i32>} : memref<1024x40xf32, #tpu.memory_space<vmem>>, vector<1024x40xf32>,
    return
  }
  func.func @transform_0(%arg0: i32) -> (i32, i32) {
    %c0_i32 = arith.constant 0 : i32
    %c0_i32_0 = arith.constant 0 : i32
    return %arg0, %c0_i32 : i32, i32
  }
  func.func @transform_1(%arg0: i32) -> (i32, i32) {
    %c0_i32 = arith.constant 0 : i32
    %c0_i32_0 = arith.constant 0 : i32
    return %arg0, %c0_i32 : i32, i32
  }
  func.func @transform_2(%arg0: i32) -> i32 {
    %c0_i32 = arith.constant 0 : i32
    return %arg0 : i32
  }
  func.func @transform_3(%arg0: i32) -> i32 {
    %c0_i32 = arith.constant 0 : i32
    %c0_i32_0 = arith.constant 0 : i32
    return %c0_i32 : i32
  }
  func.func @transform_4(%arg0: i32) -> (i32, i32) {
    %c0_i32 = arith.constant 0 : i32
    %c0_i32_0 = arith.constant 0 : i32
    %c0_i32_1 = arith.constant 0 : i32
    return %c0_i32, %c0_i32_0 : i32, i32
  }
  func.func @transform_5(%arg0: i32) -> i32 {
    %c0_i32 = arith.constant 0 : i32
    %c0_i32_0 = arith.constant 0 : i32
    return %c0_i32 : i32
  }
  func.func @transform_6(%arg0: i32) -> (i32, i32) {
    %c0_i32 = arith.constant 0 : i32
    %c0_i32_0 = arith.constant 0 : i32
    return %arg0, %c0_i32 : i32, i32
  }
}

</mosaic_0001>

<sc_bundles>
// kernel: kernel.11.cloned.1.call-start
scs
__scs_entry_jumppad:
0x0: {  	(pc) =	sbr.rel $0x88, $3  }
0x1: {  	(tag) =	ssettag $0x0;
	lr =	simm.s32 $0x1  }
0x2: {  	[smem:$0x3F99] =	sst lr;
	_ =	strace $0xD0000000  }
0x3: {  	_ = 	snop  }
0x4: {  	_ = 	snop  }
0x5: {  	_ = 	snop  }
0x6: {  	_ = 	snop  }
0x7: {  	_ = 	snop  }
__scs_overlays_trampoline_lowered:
0x8: {  	[smem:$0x3FA8] =	sst s0  }
0x9: {  	[smem:$0x3FA9] =	sst s1  }
0xa: {  	[smem:$0x3FAA] =	sst s2  }
0xb: {  	[smem:$0x3FAB] =	sst s3  }
0xc: {  	[smem:$0x3FAC] =	sst s4  }
0xd: {  	[smem:$0x3FAD] =	sst s5  }
0xe: {  	[smem:$0x3FAE] =	sst s6  }
0xf: {  	[smem:$0x3FAF] =	sst s7  }
0x10: {  	[smem:$0x3FB0] =	sst s8  }
0x11: {  	[smem:$0x3FB1] =	sst s9;
	s0 =	simm.s32 @!p0 $0x0  }
0x12: {  	s1 =	sld [smem:$0x3F97];
	s0 =	simm.s32 @p0 $0x1  }
0x13: {  	[smem:$0x3FB2] =	sst s0;
	s0 =	simm.s32 @!p1 $0x0  }
0x14: {  	s2 =	sld [smem:$0x3F96];
	s0 =	simm.s32 @p1 $0x1  }
0x15: {  	[smem:$0x3FB3] =	sst s0;
	s0 =	simm.s32 @!p2 $0x0  }
0x16: {  	s3 =	sld [smem:$0x3FDB];
	s0 =	simm.s32 @p2 $0x1  }
0x17: {  	s4 =	simm.s32 $0x1BF5;
	[smem:$0x3FB5] =	sst s0  }
0x18: {  	s0 =	sld [smem:$0x3F98];
	_ =	swait.ge [sflag:s4], $0x0  }
0x19: {  	s7 =	sld [smem:$0x3F99]  }
0x1a: {  	s8 =	sadd.s32 $0xFFFFE003, lr  }
0x1b: {  	s9 =	sadd.s32 $0xFFFFFEF7, lr;
	s5 =	simm.s32 $0xFFFFFFFF;
	p2 =	slt.u32 s8, $0xFFFFF086  }
0x1c: {  	p1 =	slt.u32 s9, $0xF7A;
	s5 =	simm.s32 @!p2 $0x0  }
0x1d: {  	s5 =	simm.s32 @p1 $0x1;
	p0 =	seq.s32 s7, s2  }
0x1e: {  	s7 =	smul.u32 @!p0 $0xF7A, s2;
	p2 =	seq.s32 @!p0 s5, $0x0  }
0x1f: {  	s9 =	smul.u32 $0xF7A, s1;
	s8 =	simm.s32 @!p0 $0x1BF5;
	p2 =	por !p2, p0  }
0x20: {  	[sflag:s8] =	ssyncset.s32 @!p0 $0xFFFFF086;
	s6 =	sadd.s32 @!p0 s3, s7;
	s7 =	simm.s32 @!p0 $0x108  }
0x21: {  	s3 =	sadd.s32 s3, s9;
	s6 =	sadd.s32 @!p0 $0x88, s6;
	s7 =	simm.s32 @p2 $0x1082  }
0x22: {  	[simem:s7], [sflag:s8] =	dma.local @!p0 [hbm:s6], $0xF7A  }
0x23: {  	s9 =	sor.u32 $0xD0000000, s2;
	s6 =	simm.s32 $0x108;
	_ =	swait.ge @!p0 [sflag:s8], $0x0  }
0x24: {  	s3 =	sadd.s32 $0x88, s3;
	s6 =	simm.s32 @!p1 $0x1082;
	[sflag:s4] =	ssyncset.s32 $0xFFFFF086  }
0x25: {  	[simem:s6], [sflag:s4] =	dma.local [hbm:s3], $0xF7A  }
0x26: {  	[smem:$0x3F99] =	sst s1;
	(tag) =	ssettag s2;
	_ =	strace s9  }
0x27: {  	s1 =	sld [smem:$0x3FA9]  }
0x28: {  	s2 =	sld [smem:$0x3FAA]  }
0x29: {  	s4 =	sld [smem:$0x3FAC]  }
0x2a: {  	p0 =	seq.s32 s5, $0x0;
	s5 =	sld [smem:$0x3FAD]  }
0x2b: {  	s6 =	sld [smem:$0x3FAE]  }
0x2c: {  	s7 =	sld [smem:$0x3FAF]  }
0x2d: {  	s3 =	simm.s32 $0x108;
	s8 =	sld [smem:$0x3FB0]  }
0x2e: {  	s3 =	simm.s32 @!p0 $0x1082;
	s9 =	sld [smem:$0x3FB1]  }
0x2f: {  	lr =	sadd.s32 s0, s3;
	s0 =	sld [smem:$0x3FA8]  }
0x30: {  	s3 =	sld [smem:$0x3FAB]  }
0x31: {  	[smem:$0x3FB4] =	sst s10  }
0x32: {  	s10 =	sld [smem:$0x3FB2];
	_ =	sdelay $0x3  }
0x33: {  	p0 =	seq.s32 s10, $0x1;
	s10 =	sld [smem:$0x3FB4];
	_ =	sdelay $0x3  }
0x34: {  	[smem:$0x3FB4] =	sst s10  }
0x35: {  	s10 =	sld [smem:$0x3FB3];
	_ =	sdelay $0x3  }
0x36: {  	p1 =	seq.s32 s10, $0x1;
	s10 =	sld [smem:$0x3FB4];
	_ =	sdelay $0x3  }
0x37: {  	[smem:$0x3FB4] =	sst s10  }
0x38: {  	s10 =	sld [smem:$0x3FB5]  }
0x39: {  	_ = 	snop;
	(pc) =	sbr.ind lr, $3  }
0x3a: {  	_ = 	snop  }
0x3b: {  	_ = 	snop  }
0x3c: {  	p2 =	seq.s32 s10, $0x1;
	s10 =	sld [smem:$0x3FB4]  }
0x3d: {  	_ =	shalt  }
0x3e: {  	_ =	shalt  }
0x3f: {  	_ =	shalt  }
0x40: {  	_ =	shalt  }
0x41: {  	_ =	shalt  }
0x42: {  	_ =	shalt  }
0x43: {  	_ =	shalt  }
0x44: {  	_ =	shalt  }
0x45: {  	_ =	shalt  }
0x46: {  	_ =	shalt  }
0x47: {  	_ =	shalt  }
0x48: {  	_ =	shalt  }
0x49: {  	_ =	shalt  }
0x4a: {  	_ =	shalt  }
0x4b: {  	_ =	shalt  }
0x4c: {  	_ =	shalt  }
0x4d: {  	_ =	shalt  }
0x4e: {  	_ =	shalt  }
0x4f: {  	_ =	shalt  }
0x50: {  	_ =	shalt  }
0x51: {  	_ =	shalt  }
0x52: {  	_ =	shalt  }
0x53: {  	_ =	shalt  }
0x54: {  	_ =	shalt  }
0x55: {  	_ =	shalt  }
0x56: {  	_ =	shalt  }
0x57: {  	_ =	shalt  }
0x58: {  	_ =	shalt  }
0x59: {  	_ =	shalt  }
0x5a: {  	_ =	shalt  }
0x5b: {  	_ =	shalt  }
0x5c: {  	_ =	shalt  }
0x5d: {  	_ =	shalt  }
0x5e: {  	_ =	shalt  }
0x5f: {  	_ =	shalt  }
0x60: {  	_ =	shalt  }
0x61: {  	_ =	shalt  }
0x62: {  	_ =	shalt  }
0x63: {  	_ =	shalt  }
0x64: {  	_ =	shalt  }
0x65: {  	_ =	shalt  }
0x66: {  	_ =	shalt  }
0x67: {  	_ =	shalt  }
0x68: {  	_ =	shalt  }
0x69: {  	_ =	shalt  }
0x6a: {  	_ =	shalt  }
0x6b: {  	_ =	shalt  }
0x6c: {  	_ =	shalt  }
0x6d: {  	_ =	shalt  }
0x6e: {  	_ =	shalt  }
0x6f: {  	_ =	shalt  }
0x70: {  	_ =	shalt  }
0x71: {  	_ =	shalt  }
0x72: {  	_ =	shalt  }
0x73: {  	_ =	shalt  }
0x74: {  	_ =	shalt  }
0x75: {  	_ =	shalt  }
0x76: {  	_ =	shalt  }
0x77: {  	_ =	shalt  }
0x78: {  	_ =	shalt  }
0x79: {  	_ =	shalt  }
0x7a: {  	_ =	shalt  }
0x7b: {  	_ =	shalt  }
0x7c: {  	_ =	shalt  }
0x7d: {  	_ =	shalt  }
0x7e: {  	_ =	shalt  }
0x7f: {  	_ =	shalt  }
0x80: {  	_ =	shalt  }
0x81: {  	_ =	shalt  }
0x82: {  	_ =	shalt  }
0x83: {  	_ =	shalt  }
0x84: {  	_ =	shalt  }
0x85: {  	_ =	shalt  }
0x86: {  	_ =	shalt  }
0x87: {  	_ =	shalt  }
.Lfunc_end0:
.L_simem_size_0:
called_computation.1_lowered:
.L_overlay_start_0:
0x88: {  	s2 =	sld [smem:$0x3FD9]  }
0x89: {  	s3 =	sld [smem:$0x3FFE];
	_ =	sdelay $0x1  }
0x8a: {  	s1 =	srdreg.scid  }
0x8b: {  	s0 =	sand.u32 $0x1, s1  }
0x8c: {  	s17 =	sshll.u32 s0, $0xA;
	s2 =	sadd.s32 s3, s2  }
0x8d: {  	s2 =	sadd.s32 s2, s17  }
0x8e: {  	[smem:$0x3FC0] =	sst s2  }
0x8f: {  	_ = 	snop  }
0x90: {  	s2 =	sld [smem:$0x3FD0];
	(tm) =	ssettm $0x1  }
0x91: {  	s18 =	sld [smem:$0x3FFB];
	_ =	sdelay $0x3  }
0x92: {  	_ =	strace s18  }
0x93: {  	s3 =	sld [smem:$0x3FFC];
	_ =	sdelay $0x3  }
0x94: {  	_ =	strace s3  }
0x95: {  	s3 =	sld [smem:$0x3FFD];
	_ =	sdelay $0x3  }
0x96: {  	_ =	strace s3  }
0x97: {  	_ =	strace $0x8FFFFFFF  }
0x98: {  	s19 =	sld [smem:$0x3FDB];
	_ =	sdelay $0x1  }
0x99: {  	s4 =	simm.s32 $_scs_section_size  }
0x9a: {  	s5 =	simm.s32 $_size__tile_overlayer_lowered;
	s6 =	simm.s32 $_tile_overlayer_lowered  }
0x9b: {  	s22 =	simm.s32 $0x1BFF;
	s21 =	sshll.u32 s6, $0x1;
	s3 =	sadd.s32 s4, s19  }
0x9c: {  	s7 =	simm.s32 $0x0;
	s20 =	sshll.u32 s5, $0x1;
	s5 =	sadd.s32 s21, s3  }
0x9d: {  	[timem:s7], [sflag:s22] =	dma.local [hbm:s5], s20  }
0x9e: {  	_ =	swait.ge [sflag:s22], s20  }
0x9f: {  	s4 =	ssub.s32 $0x0, s20;
	[sflag:s22] =	ssyncset.done $0x0  }
0xa0: {  	[sflag:s22] =	ssyncadd.s32 s4;
	_ =	sdelay $0x1  }
0xa1: {  	s23 =	simm.s32 $0x1B8B  }
0xa2: {  	_ =	swait.ge [sflag:s23], $0x1  }
0xa3: {  	[sflag:s23] =	ssyncset.done $0x0  }
0xa4: {  	s25 =	simm.s32 $0x1B8E;
	s24 =	sld [smem:$0x3FFE];
	[sflag:s23] =	ssyncadd.s32 $0xFFFFFFFF  }
0xa5: {  	s26 =	simm.s32 $execute0_lowered;
	[smem:$0x3FD2] =	sst s25  }
0xa6: {  	s5 =	sshll.u32 s26, $0x1;
	_ =	strace $0x80000049;
	[dreg:$0x1] =	wrdreg $0xFFFFFFFF  }
0xa7: {  	s28 =	simm.s32 $_size_execute0_lowered;
	s3 =	sadd.s32 s3, s5;
	[dreg:$0x0] =	wrdreg $0x0  }
0xa8: {  	s5 =	sshll.u32 s28, $0x1;
	[dreg:$0x2] =	wrdreg s3  }
0xa9: {  	[dreg:$0x3] =	wrdreg s5  }
0xaa: {  	[dreg:$0x4] =	wrdreg $0xC0  }
0xab: {  	_ =	task [dreg:s7], $0x5FFFF  }
0xac: {  	[dreg:$0x1] =	wrdreg $0xFFFFFFFF  }
0xad: {  	[dreg:$0x0] =	wrdreg $0x60  }
0xae: {  	[dreg:$0x2] =	wrdreg s24  }
0xaf: {  	[dreg:$0x3] =	wrdreg s2  }
0xb0: {  	[dreg:$0x4] =	wrdreg $0xA8000  }
0xb1: {  	[dreg:$0x5] =	wrdreg $0x9  }
0xb2: {  	_ =	task.clear_ibuf [dreg:s7], $0x6FFFF;
	_ =	strace $0x90000049  }
0xb3: {  	s29 =	simm.s32 $0x9;
	_ =	strace $0x8000004B  }
0xb4: {  	_ =	swait.ge [sflag:s29], $0x1  }
0xb5: {  	[sflag:s29] =	ssyncadd.s32 $0xFFFFFFFF  }
0xb6: {  	_ =	strace $0x9000004B  }
0xb7: {  	_ =	sfence  }
0xb8: {  	s30 =	sld [smem:$0x0];
	_ =	sdelay $0x2  }
0xb9: {  	s31 =	sshll.u32 s1, $0xD;
	s1 =	sshrl.u32 s1, $0x2  }
0xba: {  	s3 =	sand.u32 $0x4000, s31;
	s1 =	sadd.s32 s1, s30  }
0xbb: {  	s0 =	sor.u32 s3, s0;
	s1 =	sshll.u32 s1, $0x11  }
0xbc: {  	s0 =	sor.u32 s1, s0  }
0xbd: {  	s0 =	sadd.s32 $0x8F2B, s0  }
0xbe: {  	[sflag:s0] =	ssyncadd.remote.s32 $0x1  }
0xbf: {  	_ =	sfence.sel $0xFFFF  }
0xc0: {  	[dreg:$0x0] =	wrdreg $0xFFFFFFFF;
	(pc) =	sbr.abs _section_cstart, $3  }
0xc1: {  	[dreg:$0x1] =	wrdreg $0xFFFFFFFF  }
0xc2: {  	_ =	task.clear_ibuf [dreg:s7], $0x2FFFF;
	_ =	strace $0x9FFFFFFF  }
0xc3: {  	(tm) =	ssettm $0x7FFFFFFF  }
tec
execute0_lowered:
.L_overlay_start_1:
0x0: {  	(tag) =	ssettag $0x1  }
0x1: {  	s8 =	rddreg [dreg:$0x0]  }
0x2: {  	s12 =	rddreg [dreg:$0x1]  }
0x3: {  	s1 =	rddreg [dreg:$0x2];
	s2 =	simm.s32 $0x0;
	s5 =	srdreg.scid  }
0x4: {  	s3 =	stileid.u32;
	s19 =	simm.s32 $0x3;
	s20 =	simm.s32 $0x1400  }
0x5: {  	s21 =	simm.s32 $0x80;
	s22 =	simm.s32 $0x2800;
	s23 =	simm.s32 $0x6800  }
0x6: {  	s24 =	simm.s32 $0x1;
	s25 =	simm.s32 $0x2;
	s26 =	simm.s32 $0x2700  }
0x7: {  	s28 =	simm.s32 $0x2780;
	[smem:$0x7FF] =	sst s2;
	s4 =	sadd.s32 $0x8200, s8  }
0x8: {  	s9 =	sand.u32 $0x1, s5;
	s5 =	sadd.s32 $0x30200, s8;
	s11 =	smul.u32 $0x50000, s3  }
0x9: {  	s13 =	sadd.s32 $0x3200, s8;
	s6 =	smul.u32 $0x2800, s3;
	s7 =	sadd.s32 $0x58200, s8  }
0xa: {  	s8 =	sadd.s32 $0x80200, s8;
	s15 =	sshll.u32 s3, $0x6;
	_ =	strace $0x8000004A  }
0xb: {  	s10 =	ssub.s32 $0x2, s9;
	p0 =	seq.s32 s9, $0x1;
	s17 =	sor.u32 $0x1C03, s15  }
.Ltmp0:
0xc: {  	s14 =	sshrl.u32 s10, $0x1;
	s29 =	sshrl.u32 s11, $0x2;
	(pc) =	sbr.rel .LBB2_1-.Ltmp0, $4  }
0xd: {  	s30 =	sshrl.u32 s6, $0x3;
	s9 =	sadd.s32 s4, s6;
	s16 =	ssub.s32 s10, s14  }
0xe: {  	s18 =	sadd.s32 s29, s1;
	s31 =	sadd.s32 $0x280, s30;
	s10 =	sadd.s32 s12, s30  }
0xf: {  	s11 =	sadd.s32 s13, s30;
	s14 =	sadd.s32 s5, s6;
	s12 =	sadd.s32 s12, s31  }
0x10: {  	s13 =	sadd.s32 s13, s31;
	s16 =	smax.u32 s16, $0x1;
	s18 =	sshrl.u32 s18, $0x3  }
.LBB2_11:
0x11: {  	[tilespmem:s23], [sflag:$0x2] =	stream.indirect.gather [hbm4b:s5+s21], $0x80, s30, s21, $0xb8;
	[tilespmem:$0x1E800] =	vst v63  }
0x12: {  	s30 =	smov.u32 s8;
	s29 =	smov.u32 s17  }
.LBB2_12:
0x13: {  	_ =	swait.ge [sflag:s24], $0x4000  }
0x14: {  	[sflag:s24] =	ssyncset.done $0x0  }
0x15: {  	[sflag:s24] =	ssyncadd.s32 $0xFFFFC000  }
0x16: {  	[spmem:s1] =	stream.indirect.scatter.add.f32 [tilespmem:s22], [sflag:$0x3], $0x80, s26, s21, $0xb8;
	[tilespmem:$0x1E800] =	vst v63  }
0x17: {  	_ =	swait.ge [sflag:s19], $0x4000  }
0x18: {  	[sflag:s19] =	ssyncset.done $0x0  }
0x19: {  	[sflag:s19] =	ssyncadd.s32 $0xFFFFC000  }
0x1a: {  	_ =	swait.ge [sflag:s25], $0x4000  }
0x1b: {  	[sflag:s25] =	ssyncset.done $0x0  }
0x1c: {  	[sflag:s25] =	ssyncadd.s32 $0xFFFFC000  }
0x1d: {  	[spmem:s1] =	stream.indirect.scatter.add.f32 [tilespmem:s23], [sflag:$0x3], $0x80, s28, s21, $0xb8;
	[tilespmem:$0x1E800] =	vst v63  }
0x1e: {  	_ =	swait.ge [sflag:s19], $0x4000  }
0x1f: {  	s2 =	sadd.s32 $0x1, s2;
	[sflag:s19] =	ssyncset.done $0x0  }
0x20: {  	p1 =	sne.s32 s2, s16;
	[sflag:s19] =	ssyncadd.s32 $0xFFFFC000  }
.Ltmp1:
0x21: {  	s0 =	sadd.s32 s30, s6;
	[bflag:$0x0] =	sbarrier.arrive $0xFFFF;
	(pc) =	sbr.rel @!p1 .LBB2_13-.Ltmp1, $4  }
0x22: {  	[hbm:s0], [sflag:s29] =	dma.local [spmem:s18], $0x2800  }
0x23: {  	_ =	swait.ge [sflag:s19], $0x2800  }
0x24: {  	[sflag:s19] =	ssyncset.done $0x0  }
0x25: {  	[sflag:s19] =	ssyncadd.s32 $0xFFFFD800  }
.LBB2_1:
.Ltmp2:
0x26: {  	(pc) =	sbr.rel @!p0 .LBB2_2-.Ltmp2, $1  }
0x27: {  	_ =	sdelay $0x3  }
0x28: {  	[spmem:s18], [sflag:s17] =	dma.local [hbm:s14], $0x2800  }
0x29: {  	_ =	swait.ge [sflag:s19], $0x2800  }
0x2a: {  	[sflag:s19] =	ssyncset.done $0x0  }
0x2b: {  	[sflag:s19] =	ssyncadd.s32 $0xFFFFD800  }
0x2c: {  	s0 =	simm.s32 $0x0;
	[bflag:$0x0] =	sbarrier.arrive $0xFFFF  }
0x2d: {  	[tilespmem:s0], [sflag:$0x3] =	stream.linear.gather [hbm4b:s10+s0], $0x1400, $0x38;
	[tilespmem:$0x1E800] =	vst v63  }
0x2e: {  	_ =	swait.ge [sflag:s19], $0x1400  }
0x2f: {  	[sflag:s19] =	ssyncset.done $0x0  }
0x30: {  	[sflag:s19] =	ssyncadd.s32 $0xFFFFEC00  }
0x31: {  	[tilespmem:s20], [sflag:$0x3] =	stream.linear.gather [hbm4b:s11+s0], $0x1400, $0x38;
	[tilespmem:$0x1E800] =	vst v63  }
0x32: {  	_ =	swait.ge [sflag:s19], $0x1400  }
0x33: {  	[sflag:s19] =	ssyncset.done $0x0  }
0x34: {  	[sflag:s19] =	ssyncadd.s32 $0xFFFFEC00  }
0x35: {  	[tilespmem:s22], [sflag:$0x1] =	stream.indirect.gather [hbm4b:s5+s21], $0x80, s0, s21, $0xb8;
	[tilespmem:$0x1E800] =	vst v63  }
0x36: {  	_ = 	snop  }
0x37: {  	[tilespmem:s23], [sflag:$0x2] =	stream.indirect.gather [hbm4b:s5+s21], $0x80, s21, s21, $0xb8;
	[tilespmem:$0x1E800] =	vst v63  }
0x38: {  	_ =	swait.ge [sflag:s24], $0x4000  }
0x39: {  	[sflag:s24] =	ssyncset.done $0x0  }
0x3a: {  	s31 =	simm.s32 $0x1400;
	[sflag:s24] =	ssyncadd.s32 $0xFFFFC000  }
0x3b: {  	[spmem:s1] =	stream.indirect.scatter.add.f32 [tilespmem:s22], [sflag:$0x3], $0x80, s31, s21, $0xb8;
	[tilespmem:$0x1E800] =	vst v63  }
0x3c: {  	_ =	swait.ge [sflag:s19], $0x4000  }
0x3d: {  	[sflag:s19] =	ssyncset.done $0x0  }
0x3e: {  	s31 =	simm.s32 $0x100;
	[sflag:s19] =	ssyncadd.s32 $0xFFFFC000  }
0x3f: {  	[tilespmem:s22], [sflag:$0x1] =	stream.indirect.gather [hbm4b:s5+s21], $0x80, s31, s21, $0xb8;
	[tilespmem:$0x1E800] =	vst v63  }
0x40: {  	_ =	swait.ge [sflag:s25], $0x4000  }
0x41: {  	[sflag:s25] =	ssyncset.done $0x0  }
0x42: {  	s31 =	simm.s32 $0x1480;
	[sflag:s25] =	ssyncadd.s32 $0xFFFFC000  }
0x43: {  	[spmem:s1] =	stream.indirect.scatter.add.f32 [tilespmem:s23], [sflag:$0x3], $0x80, s31, s21, $0xb8;
	[tilespmem:$0x1E800] =	vst v63  }
0x44: {  	_ =	swait.ge [sflag:s19], $0x4000  }
0x45: {  	[sflag:s19] =	ssyncset.done $0x0  }
0x46: {  	s29 =	simm.s32 $0x400;
	s30 =	simm.s32 $0x180;
	[sflag:s19] =	ssyncadd.s32 $0xFFFFC000  }
.LBB2_8:
0x47: {  	[tilespmem:s23], [sflag:$0x2] =	stream.indirect.gather [hbm4b:s5+s21], $0x80, s30, s21, $0xb8;
	[tilespmem:$0x1E800] =	vst v63  }
0x48: {  	s0 =	smov.u32 s29  }
0x49: {  	p1 =	sne.s32 s29, $0x4800;
	s29 =	sadd.s32 $0x400, s29;
	_ =	swait.ge [sflag:s24], $0x4000  }
0x4a: {  	s0 =	sshra.s32 s0, $0x2;
	[sflag:s24] =	ssyncset.done $0x0  }
0x4b: {  	s30 =	sadd.s32 $0x1400, s0;
	[sflag:s24] =	ssyncadd.s32 $0xFFFFC000  }
0x4c: {  	[spmem:s1] =	stream.indirect.scatter.add.f32 [tilespmem:s22], [sflag:$0x3], $0x80, s30, s21, $0xb8;
	[tilespmem:$0x1E800] =	vst v63  }
0x4d: {  	_ =	swait.ge [sflag:s19], $0x4000  }
0x4e: {  	[sflag:s19] =	ssyncset.done $0x0  }
0x4f: {  	s30 =	sadd.s32 $0x100, s0;
	[sflag:s19] =	ssyncadd.s32 $0xFFFFC000  }
0x50: {  	[tilespmem:s22], [sflag:$0x1] =	stream.indirect.gather [hbm4b:s5+s21], $0x80, s30, s21, $0xb8;
	[tilespmem:$0x1E800] =	vst v63  }
0x51: {  	_ =	swait.ge [sflag:s25], $0x4000  }
0x52: {  	[sflag:s25] =	ssyncset.done $0x0  }
.Ltmp3:
0x53: {  	s30 =	sadd.s32 $0x1480, s0;
	[sflag:s25] =	ssyncadd.s32 $0xFFFFC000;
	(pc) =	sbr.rel @p1 .LBB2_8-.Ltmp3, $4  }
0x54: {  	[spmem:s1] =	stream.indirect.scatter.add.f32 [tilespmem:s23], [sflag:$0x3], $0x80, s30, s21, $0xb8;
	[tilespmem:$0x1E800] =	vst v63  }
0x55: {  	_ =	swait.ge [sflag:s19], $0x4000  }
0x56: {  	[sflag:s19] =	ssyncset.done $0x0  }
0x57: {  	s30 =	sadd.s32 $0x180, s0;
	[sflag:s19] =	ssyncadd.s32 $0xFFFFC000  }
0x58: {  	[tilespmem:s23], [sflag:$0x2] =	stream.indirect.gather [hbm4b:s5+s21], $0x80, s30, s21, $0xb8;
	[tilespmem:$0x1E800] =	vst v63  }
0x59: {  	_ =	swait.ge [sflag:s24], $0x4000  }
0x5a: {  	[sflag:s24] =	ssyncset.done $0x0  }
0x5b: {  	[sflag:s24] =	ssyncadd.s32 $0xFFFFC000  }
0x5c: {  	[spmem:s1] =	stream.indirect.scatter.add.f32 [tilespmem:s22], [sflag:$0x3], $0x80, s26, s21, $0xb8;
	[tilespmem:$0x1E800] =	vst v63  }
0x5d: {  	_ =	swait.ge [sflag:s19], $0x4000  }
0x5e: {  	[sflag:s19] =	ssyncset.done $0x0  }
0x5f: {  	[sflag:s19] =	ssyncadd.s32 $0xFFFFC000  }
0x60: {  	_ =	swait.ge [sflag:s25], $0x4000  }
0x61: {  	[sflag:s25] =	ssyncset.done $0x0  }
0x62: {  	[sflag:s25] =	ssyncadd.s32 $0xFFFFC000  }
0x63: {  	[spmem:s1] =	stream.indirect.scatter.add.f32 [tilespmem:s23], [sflag:$0x3], $0x80, s28, s21, $0xb8;
	[tilespmem:$0x1E800] =	vst v63  }
0x64: {  	_ =	swait.ge [sflag:s19], $0x4000  }
0x65: {  	[sflag:s19] =	ssyncset.done $0x0  }
0x66: {  	s0 =	simm.s32 $0x0;
	[sflag:s19] =	ssyncadd.s32 $0xFFFFC000  }
0x67: {  	[tilespmem:s0], [sflag:$0x3] =	stream.linear.gather [hbm4b:s12+s0], $0x1400, $0x38;
	[tilespmem:$0x1E800] =	vst v63  }
0x68: {  	_ =	swait.ge [sflag:s19], $0x1400  }
0x69: {  	[sflag:s19] =	ssyncset.done $0x0  }
0x6a: {  	[sflag:s19] =	ssyncadd.s32 $0xFFFFEC00  }
0x6b: {  	[tilespmem:s20], [sflag:$0x3] =	stream.linear.gather [hbm4b:s13+s0], $0x1400, $0x38;
	[tilespmem:$0x1E800] =	vst v63  }
0x6c: {  	_ =	swait.ge [sflag:s19], $0x1400  }
0x6d: {  	[sflag:s19] =	ssyncset.done $0x0  }
0x6e: {  	[sflag:s19] =	ssyncadd.s32 $0xFFFFEC00  }
0x6f: {  	[tilespmem:s22], [sflag:$0x1] =	stream.indirect.gather [hbm4b:s5+s21], $0x80, s0, s21, $0xb8;
	[tilespmem:$0x1E800] =	vst v63  }
0x70: {  	_ = 	snop  }
0x71: {  	[tilespmem:s23], [sflag:$0x2] =	stream.indirect.gather [hbm4b:s5+s21], $0x80, s21, s21, $0xb8;
	[tilespmem:$0x1E800] =	vst v63  }
0x72: {  	_ =	swait.ge [sflag:s24], $0x4000  }
0x73: {  	[sflag:s24] =	ssyncset.done $0x0  }
0x74: {  	s31 =	simm.s32 $0x1400;
	[sflag:s24] =	ssyncadd.s32 $0xFFFFC000  }
0x75: {  	[spmem:s1] =	stream.indirect.scatter.add.f32 [tilespmem:s22], [sflag:$0x3], $0x80, s31, s21, $0xb8;
	[tilespmem:$0x1E800] =	vst v63  }
0x76: {  	_ =	swait.ge [sflag:s19], $0x4000  }
0x77: {  	[sflag:s19] =	ssyncset.done $0x0  }
0x78: {  	s31 =	simm.s32 $0x100;
	[sflag:s19] =	ssyncadd.s32 $0xFFFFC000  }
0x79: {  	[tilespmem:s22], [sflag:$0x1] =	stream.indirect.gather [hbm4b:s5+s21], $0x80, s31, s21, $0xb8;
	[tilespmem:$0x1E800] =	vst v63  }
0x7a: {  	_ =	swait.ge [sflag:s25], $0x4000  }
0x7b: {  	[sflag:s25] =	ssyncset.done $0x0  }
0x7c: {  	s31 =	simm.s32 $0x1480;
	[sflag:s25] =	ssyncadd.s32 $0xFFFFC000  }
0x7d: {  	[spmem:s1] =	stream.indirect.scatter.add.f32 [tilespmem:s23], [sflag:$0x3], $0x80, s31, s21, $0xb8;
	[tilespmem:$0x1E800] =	vst v63  }
0x7e: {  	_ =	swait.ge [sflag:s19], $0x4000  }
0x7f: {  	[sflag:s19] =	ssyncset.done $0x0  }
0x80: {  	s29 =	simm.s32 $0x400;
	s30 =	simm.s32 $0x180;
	[sflag:s19] =	ssyncadd.s32 $0xFFFFC000  }
.LBB2_10:
0x81: {  	[tilespmem:s23], [sflag:$0x2] =	stream.indirect.gather [hbm4b:s5+s21], $0x80, s30, s21, $0xb8;
	[tilespmem:$0x1E800] =	vst v63  }
0x82: {  	s0 =	smov.u32 s29  }
0x83: {  	p1 =	sne.s32 s29, $0x4800;
	s29 =	sadd.s32 $0x400, s29;
	_ =	swait.ge [sflag:s24], $0x4000  }
0x84: {  	s0 =	sshra.s32 s0, $0x2;
	[sflag:s24] =	ssyncset.done $0x0  }
0x85: {  	s30 =	sadd.s32 $0x1400, s0;
	[sflag:s24] =	ssyncadd.s32 $0xFFFFC000  }
0x86: {  	[spmem:s1] =	stream.indirect.scatter.add.f32 [tilespmem:s22], [sflag:$0x3], $0x80, s30, s21, $0xb8;
	[tilespmem:$0x1E800] =	vst v63  }
0x87: {  	_ =	swait.ge [sflag:s19], $0x4000  }
0x88: {  	[sflag:s19] =	ssyncset.done $0x0  }
0x89: {  	s30 =	sadd.s32 $0x100, s0;
	[sflag:s19] =	ssyncadd.s32 $0xFFFFC000  }
0x8a: {  	[tilespmem:s22], [sflag:$0x1] =	stream.indirect.gather [hbm4b:s5+s21], $0x80, s30, s21, $0xb8;
	[tilespmem:$0x1E800] =	vst v63  }
0x8b: {  	_ =	swait.ge [sflag:s25], $0x4000  }
0x8c: {  	[sflag:s25] =	ssyncset.done $0x0  }
.Ltmp4:
0x8d: {  	s30 =	sadd.s32 $0x1480, s0;
	[sflag:s25] =	ssyncadd.s32 $0xFFFFC000;
	(pc) =	sbr.rel @p1 .LBB2_10-.Ltmp4, $4  }
0x8e: {  	[spmem:s1] =	stream.indirect.scatter.add.f32 [tilespmem:s23], [sflag:$0x3], $0x80, s30, s21, $0xb8;
	[tilespmem:$0x1E800] =	vst v63  }
0x8f: {  	_ =	swait.ge [sflag:s19], $0x4000  }
0x90: {  	[sflag:s19] =	ssyncset.done $0x0  }
0x91: {  	s30 =	sadd.s32 $0x180, s0;
	[sflag:s19] =	ssyncadd.s32 $0xFFFFC000  }
.Ltmp5:
0x92: {  	_ = 	snop;
	(pc) =	sbr.rel .LBB2_11-.Ltmp5, $1  }
0x93: {  	_ =	sdelay $0x3  }
.LBB2_2:
0x94: {  	s29 =	sor.u32 $0x1C03, s15  }
0x95: {  	[spmem:s18], [sflag:s29] =	dma.local [hbm:s9], $0x2800  }
0x96: {  	_ =	swait.ge [sflag:s19], $0x2800  }
0x97: {  	[sflag:s19] =	ssyncset.done $0x0  }
0x98: {  	[sflag:s19] =	ssyncadd.s32 $0xFFFFD800  }
0x99: {  	s30 =	simm.s32 $0x0;
	[bflag:$0x0] =	sbarrier.arrive $0xFFFF  }
0x9a: {  	[tilespmem:s30], [sflag:$0x3] =	stream.linear.gather [hbm4b:s10+s30], $0x1400, $0x38;
	[tilespmem:$0x1E800] =	vst v63  }
0x9b: {  	_ =	swait.ge [sflag:s19], $0x1400  }
0x9c: {  	[sflag:s19] =	ssyncset.done $0x0  }
0x9d: {  	[sflag:s19] =	ssyncadd.s32 $0xFFFFEC00  }
0x9e: {  	[tilespmem:s20], [sflag:$0x3] =	stream.linear.gather [hbm4b:s11+s30], $0x1400, $0x38;
	[tilespmem:$0x1E800] =	vst v63  }
0x9f: {  	_ =	swait.ge [sflag:s19], $0x1400  }
0xa0: {  	[sflag:s19] =	ssyncset.done $0x0  }
0xa1: {  	[sflag:s19] =	ssyncadd.s32 $0xFFFFEC00  }
0xa2: {  	[tilespmem:s22], [sflag:$0x1] =	stream.indirect.gather [hbm4b:s4+s21], $0x80, s30, s21, $0xb8;
	[tilespmem:$0x1E800] =	vst v63  }
0xa3: {  	_ = 	snop  }
0xa4: {  	[tilespmem:s23], [sflag:$0x2] =	stream.indirect.gather [hbm4b:s4+s21], $0x80, s21, s21, $0xb8;
	[tilespmem:$0x1E800] =	vst v63  }
0xa5: {  	_ =	swait.ge [sflag:s24], $0x4000  }
0xa6: {  	[sflag:s24] =	ssyncset.done $0x0  }
0xa7: {  	s30 =	simm.s32 $0x1400;
	[sflag:s24] =	ssyncadd.s32 $0xFFFFC000  }
0xa8: {  	[spmem:s1] =	stream.indirect.scatter.add.f32 [tilespmem:s22], [sflag:$0x3], $0x80, s30, s21, $0xb8;
	[tilespmem:$0x1E800] =	vst v63  }
0xa9: {  	_ =	swait.ge [sflag:s19], $0x4000  }
0xaa: {  	[sflag:s19] =	ssyncset.done $0x0  }
0xab: {  	s30 =	simm.s32 $0x100;
	[sflag:s19] =	ssyncadd.s32 $0xFFFFC000  }
0xac: {  	[tilespmem:s22], [sflag:$0x1] =	stream.indirect.gather [hbm4b:s4+s21], $0x80, s30, s21, $0xb8;
	[tilespmem:$0x1E800] =	vst v63  }
0xad: {  	_ =	swait.ge [sflag:s25], $0x4000  }
0xae: {  	[sflag:s25] =	ssyncset.done $0x0  }
0xaf: {  	s30 =	simm.s32 $0x1480;
	[sflag:s25] =	ssyncadd.s32 $0xFFFFC000  }
0xb0: {  	[spmem:s1] =	stream.indirect.scatter.add.f32 [tilespmem:s23], [sflag:$0x3], $0x80, s30, s21, $0xb8;
	[tilespmem:$0x1E800] =	vst v63  }
0xb1: {  	_ =	swait.ge [sflag:s19], $0x4000  }
0xb2: {  	[sflag:s19] =	ssyncset.done $0x0  }
0xb3: {  	s31 =	simm.s32 $0x180;
	s30 =	simm.s32 $0x400;
	[sflag:s19] =	ssyncadd.s32 $0xFFFFC000  }
.LBB2_3:
0xb4: {  	[tilespmem:s23], [sflag:$0x2] =	stream.indirect.gather [hbm4b:s4+s21], $0x80, s31, s21, $0xb8;
	[tilespmem:$0x1E800] =	vst v63  }
0xb5: {  	s31 =	smov.u32 s30  }
0xb6: {  	p1 =	sne.s32 s30, $0x4800;
	s30 =	sadd.s32 $0x400, s30;
	_ =	swait.ge [sflag:s24], $0x4000  }
0xb7: {  	s31 =	sshra.s32 s31, $0x2;
	[sflag:s24] =	ssyncset.done $0x0  }
0xb8: {  	s0 =	sadd.s32 $0x1400, s31;
	[sflag:s24] =	ssyncadd.s32 $0xFFFFC000  }
0xb9: {  	[spmem:s1] =	stream.indirect.scatter.add.f32 [tilespmem:s22], [sflag:$0x3], $0x80, s0, s21, $0xb8;
	[tilespmem:$0x1E800] =	vst v63  }
0xba: {  	_ =	swait.ge [sflag:s19], $0x4000  }
0xbb: {  	[sflag:s19] =	ssyncset.done $0x0  }
0xbc: {  	s0 =	sadd.s32 $0x100, s31;
	[sflag:s19] =	ssyncadd.s32 $0xFFFFC000  }
0xbd: {  	[tilespmem:s22], [sflag:$0x1] =	stream.indirect.gather [hbm4b:s4+s21], $0x80, s0, s21, $0xb8;
	[tilespmem:$0x1E800] =	vst v63  }
0xbe: {  	_ =	swait.ge [sflag:s25], $0x4000  }
0xbf: {  	[sflag:s25] =	ssyncset.done $0x0  }
.Ltmp6:
0xc0: {  	s0 =	sadd.s32 $0x1480, s31;
	[sflag:s25] =	ssyncadd.s32 $0xFFFFC000;
	(pc) =	sbr.rel @p1 .LBB2_3-.Ltmp6, $4  }
0xc1: {  	[spmem:s1] =	stream.indirect.scatter.add.f32 [tilespmem:s23], [sflag:$0x3], $0x80, s0, s21, $0xb8;
	[tilespmem:$0x1E800] =	vst v63  }
0xc2: {  	_ =	swait.ge [sflag:s19], $0x4000  }
0xc3: {  	[sflag:s19] =	ssyncset.done $0x0  }
0xc4: {  	s31 =	sadd.s32 $0x180, s31;
	[sflag:s19] =	ssyncadd.s32 $0xFFFFC000  }
0xc5: {  	[tilespmem:s23], [sflag:$0x2] =	stream.indirect.gather [hbm4b:s4+s21], $0x80, s31, s21, $0xb8;
	[tilespmem:$0x1E800] =	vst v63  }
0xc6: {  	_ =	swait.ge [sflag:s24], $0x4000  }
0xc7: {  	[sflag:s24] =	ssyncset.done $0x0  }
0xc8: {  	[sflag:s24] =	ssyncadd.s32 $0xFFFFC000  }
0xc9: {  	[spmem:s1] =	stream.indirect.scatter.add.f32 [tilespmem:s22], [sflag:$0x3], $0x80, s26, s21, $0xb8;
	[tilespmem:$0x1E800] =	vst v63  }
0xca: {  	_ =	swait.ge [sflag:s19], $0x4000  }
0xcb: {  	[sflag:s19] =	ssyncset.done $0x0  }
0xcc: {  	[sflag:s19] =	ssyncadd.s32 $0xFFFFC000  }
0xcd: {  	_ =	swait.ge [sflag:s25], $0x4000  }
0xce: {  	[sflag:s25] =	ssyncset.done $0x0  }
0xcf: {  	[sflag:s25] =	ssyncadd.s32 $0xFFFFC000  }
0xd0: {  	[spmem:s1] =	stream.indirect.scatter.add.f32 [tilespmem:s23], [sflag:$0x3], $0x80, s28, s21, $0xb8;
	[tilespmem:$0x1E800] =	vst v63  }
0xd1: {  	_ =	swait.ge [sflag:s19], $0x4000  }
0xd2: {  	[sflag:s19] =	ssyncset.done $0x0  }
0xd3: {  	s0 =	simm.s32 $0x0;
	[sflag:s19] =	ssyncadd.s32 $0xFFFFC000  }
0xd4: {  	[tilespmem:s0], [sflag:$0x3] =	stream.linear.gather [hbm4b:s12+s0], $0x1400, $0x38;
	[tilespmem:$0x1E800] =	vst v63  }
0xd5: {  	_ =	swait.ge [sflag:s19], $0x1400  }
0xd6: {  	[sflag:s19] =	ssyncset.done $0x0  }
0xd7: {  	[sflag:s19] =	ssyncadd.s32 $0xFFFFEC00  }
0xd8: {  	[tilespmem:s20], [sflag:$0x3] =	stream.linear.gather [hbm4b:s13+s0], $0x1400, $0x38;
	[tilespmem:$0x1E800] =	vst v63  }
0xd9: {  	_ =	swait.ge [sflag:s19], $0x1400  }
0xda: {  	[sflag:s19] =	ssyncset.done $0x0  }
0xdb: {  	[sflag:s19] =	ssyncadd.s32 $0xFFFFEC00  }
0xdc: {  	[tilespmem:s22], [sflag:$0x1] =	stream.indirect.gather [hbm4b:s4+s21], $0x80, s0, s21, $0xb8;
	[tilespmem:$0x1E800] =	vst v63  }
0xdd: {  	_ = 	snop  }
0xde: {  	[tilespmem:s23], [sflag:$0x2] =	stream.indirect.gather [hbm4b:s4+s21], $0x80, s21, s21, $0xb8;
	[tilespmem:$0x1E800] =	vst v63  }
0xdf: {  	_ =	swait.ge [sflag:s24], $0x4000  }
0xe0: {  	[sflag:s24] =	ssyncset.done $0x0  }
0xe1: {  	s0 =	simm.s32 $0x1400;
	[sflag:s24] =	ssyncadd.s32 $0xFFFFC000  }
0xe2: {  	[spmem:s1] =	stream.indirect.scatter.add.f32 [tilespmem:s22], [sflag:$0x3], $0x80, s0, s21, $0xb8;
	[tilespmem:$0x1E800] =	vst v63  }
0xe3: {  	_ =	swait.ge [sflag:s19], $0x4000  }
0xe4: {  	[sflag:s19] =	ssyncset.done $0x0  }
0xe5: {  	s0 =	simm.s32 $0x100;
	[sflag:s19] =	ssyncadd.s32 $0xFFFFC000  }
0xe6: {  	[tilespmem:s22], [sflag:$0x1] =	stream.indirect.gather [hbm4b:s4+s21], $0x80, s0, s21, $0xb8;
	[tilespmem:$0x1E800] =	vst v63  }
0xe7: {  	_ =	swait.ge [sflag:s25], $0x4000  }
0xe8: {  	[sflag:s25] =	ssyncset.done $0x0  }
0xe9: {  	s0 =	simm.s32 $0x1480;
	[sflag:s25] =	ssyncadd.s32 $0xFFFFC000  }
0xea: {  	[spmem:s1] =	stream.indirect.scatter.add.f32 [tilespmem:s23], [sflag:$0x3], $0x80, s0, s21, $0xb8;
	[tilespmem:$0x1E800] =	vst v63  }
0xeb: {  	_ =	swait.ge [sflag:s19], $0x4000  }
0xec: {  	[sflag:s19] =	ssyncset.done $0x0  }
0xed: {  	s30 =	simm.s32 $0x400;
	s31 =	simm.s32 $0x180;
	[sflag:s19] =	ssyncadd.s32 $0xFFFFC000  }
.LBB2_5:
0xee: {  	[tilespmem:s23], [sflag:$0x2] =	stream.indirect.gather [hbm4b:s4+s21], $0x80, s31, s21, $0xb8;
	[tilespmem:$0x1E800] =	vst v63  }
0xef: {  	s0 =	smov.u32 s30  }
0xf0: {  	p1 =	seq.s32 s30, $0x4800;
	s30 =	sadd.s32 $0x400, s30;
	_ =	swait.ge [sflag:s24], $0x4000  }
0xf1: {  	s0 =	sshra.s32 s0, $0x2;
	[sflag:s24] =	ssyncset.done $0x0  }
0xf2: {  	s31 =	sadd.s32 $0x1400, s0;
	[sflag:s24] =	ssyncadd.s32 $0xFFFFC000  }
0xf3: {  	[spmem:s1] =	stream.indirect.scatter.add.f32 [tilespmem:s22], [sflag:$0x3], $0x80, s31, s21, $0xb8;
	[tilespmem:$0x1E800] =	vst v63  }
0xf4: {  	_ =	swait.ge [sflag:s19], $0x4000  }
0xf5: {  	[sflag:s19] =	ssyncset.done $0x0  }
0xf6: {  	s31 =	sadd.s32 $0x100, s0;
	[sflag:s19] =	ssyncadd.s32 $0xFFFFC000  }
0xf7: {  	[tilespmem:s22], [sflag:$0x1] =	stream.indirect.gather [hbm4b:s4+s21], $0x80, s31, s21, $0xb8;
	[tilespmem:$0x1E800] =	vst v63  }
0xf8: {  	_ =	swait.ge [sflag:s25], $0x4000  }
0xf9: {  	[sflag:s25] =	ssyncset.done $0x0  }
.Ltmp7:
0xfa: {  	s31 =	sadd.s32 $0x1480, s0;
	[sflag:s25] =	ssyncadd.s32 $0xFFFFC000;
	(pc) =	sbr.rel @!p1 .LBB2_5-.Ltmp7, $4  }
0xfb: {  	[spmem:s1] =	stream.indirect.scatter.add.f32 [tilespmem:s23], [sflag:$0x3], $0x80, s31, s21, $0xb8;
	[tilespmem:$0x1E800] =	vst v63  }
0xfc: {  	_ =	swait.ge [sflag:s19], $0x4000  }
0xfd: {  	[sflag:s19] =	ssyncset.done $0x0  }
0xfe: {  	s31 =	sadd.s32 $0x180, s0;
	[sflag:s19] =	ssyncadd.s32 $0xFFFFC000  }
.Ltmp8:
0xff: {  	(pc) =	sbr.rel .LBB2_12-.Ltmp8, $3  }
0x100: {  	_ =	sdelay $0x1  }
0x101: {  	[tilespmem:s23], [sflag:$0x2] =	stream.indirect.gather [hbm4b:s4+s21], $0x80, s31, s21, $0xb8;
	[tilespmem:$0x1E800] =	vst v63  }
0x102: {  	s30 =	smov.u32 s7  }
.LBB2_13:
0x103: {  	_ =	sfence.sel $0x180000  }
0x104: {  	[bflag:$0x0] =	sbarrier.arrive $0xFFFF  }
0x105: {  	_ =	strace $0x9000004A  }
0x106: {  	[bflag:$0x2] =	sbarrier.arrive $0xFFFF  }
0x107: {  	p0 =	sne.s32 s3, $0x0;
	s0 =	rddreg [dreg:$0x3]  }
0x108: {  	s0 =	sadd.s32 @!p0 $0x100000, s0  }
0x109: {  	[sflag:s0] =	ssyncadd.tile.s32 @!p0 $0x1;
	_ =	shalt  }
.Lfunc_end2:
_tile_overlayer_lowered:
.L_overlay_start_2:
0x10a: {  	(tag) =	ssettag $0x2  }
0x10b: {  	s0 =	rddreg [dreg:$0x0];
	s2 =	stileid.u32  }
0x10c: {  	s1 =	rddreg [dreg:$0x1];
	p0 =	sne.s32 s2, $0x0  }
0x10d: {  	s3 =	rddreg [dreg:$0x2];
	[bflag:$0x3] =	sbarrier.arrive $0xFFFF;
	s2 =	simm.s32 @!p0 $0x1C03  }
0x10e: {  	[timem:s3], [sflag:s2] =	dma.local @!p0 [hbm:s0], s1  }
0x10f: {  	s0 =	simm.s32 @!p0 $0x3  }
0x110: {  	_ =	swait.ge @!p0 [sflag:s0], s1  }
0x111: {  	s1 =	ssub.s32 @!p0 $0x0, s1;
	[sflag:s0] =	ssyncset.done @!p0 $0x0  }
0x112: {  	[sflag:s0] =	ssyncadd.s32 @!p0 s1  }
0x113: {  	[bflag:$0x3] =	sbarrier.arrive $0xFFFF  }
0x114: {  	_ =	shalt  }

// kernel: kernel.14.cloned.1.call-start
scs
__scs_entry_jumppad:
0x0: {  	(pc) =	sbr.rel $0x88, $3  }
0x1: {  	(tag) =	ssettag $0x0;
	lr =	simm.s32 $0x1  }
0x2: {  	[smem:$0x3F99] =	sst lr;
	_ =	strace $0xD0000000  }
0x3: {  	_ = 	snop  }
0x4: {  	_ = 	snop  }
0x5: {  	_ = 	snop  }
0x6: {  	_ = 	snop  }
0x7: {  	_ = 	snop  }
__scs_overlays_trampoline_lowered:
0x8: {  	[smem:$0x3FA8] =	sst s0  }
0x9: {  	[smem:$0x3FA9] =	sst s1  }
0xa: {  	[smem:$0x3FAA] =	sst s2  }
0xb: {  	[smem:$0x3FAB] =	sst s3  }
0xc: {  	[smem:$0x3FAC] =	sst s4  }
0xd: {  	[smem:$0x3FAD] =	sst s5  }
0xe: {  	[smem:$0x3FAE] =	sst s6  }
0xf: {  	[smem:$0x3FAF] =	sst s7  }
0x10: {  	[smem:$0x3FB0] =	sst s8  }
0x11: {  	[smem:$0x3FB1] =	sst s9;
	s0 =	simm.s32 @!p0 $0x0  }
0x12: {  	s1 =	sld [smem:$0x3F97];
	s0 =	simm.s32 @p0 $0x1  }
0x13: {  	[smem:$0x3FB2] =	sst s0;
	s0 =	simm.s32 @!p1 $0x0  }
0x14: {  	s2 =	sld [smem:$0x3F96];
	s0 =	simm.s32 @p1 $0x1  }
0x15: {  	[smem:$0x3FB3] =	sst s0;
	s0 =	simm.s32 @!p2 $0x0  }
0x16: {  	s3 =	sld [smem:$0x3FDB];
	s0 =	simm.s32 @p2 $0x1  }
0x17: {  	s4 =	simm.s32 $0x1BF5;
	[smem:$0x3FB5] =	sst s0  }
0x18: {  	s0 =	sld [smem:$0x3F98];
	_ =	swait.ge [sflag:s4], $0x0  }
0x19: {  	s7 =	sld [smem:$0x3F99]  }
0x1a: {  	s8 =	sadd.s32 $0xFFFFE003, lr  }
0x1b: {  	s9 =	sadd.s32 $0xFFFFFEF7, lr;
	s5 =	simm.s32 $0xFFFFFFFF;
	p2 =	slt.u32 s8, $0xFFFFF086  }
0x1c: {  	p1 =	slt.u32 s9, $0xF7A;
	s5 =	simm.s32 @!p2 $0x0  }
0x1d: {  	s5 =	simm.s32 @p1 $0x1;
	p0 =	seq.s32 s7, s2  }
0x1e: {  	s7 =	smul.u32 @!p0 $0xF7A, s2;
	p2 =	seq.s32 @!p0 s5, $0x0  }
0x1f: {  	s9 =	smul.u32 $0xF7A, s1;
	s8 =	simm.s32 @!p0 $0x1BF5;
	p2 =	por !p2, p0  }
0x20: {  	[sflag:s8] =	ssyncset.s32 @!p0 $0xFFFFF086;
	s6 =	sadd.s32 @!p0 s3, s7;
	s7 =	simm.s32 @!p0 $0x108  }
0x21: {  	s3 =	sadd.s32 s3, s9;
	s6 =	sadd.s32 @!p0 $0x88, s6;
	s7 =	simm.s32 @p2 $0x1082  }
0x22: {  	[simem:s7], [sflag:s8] =	dma.local @!p0 [hbm:s6], $0xF7A  }
0x23: {  	s9 =	sor.u32 $0xD0000000, s2;
	s6 =	simm.s32 $0x108;
	_ =	swait.ge @!p0 [sflag:s8], $0x0  }
0x24: {  	s3 =	sadd.s32 $0x88, s3;
	s6 =	simm.s32 @!p1 $0x1082;
	[sflag:s4] =	ssyncset.s32 $0xFFFFF086  }
0x25: {  	[simem:s6], [sflag:s4] =	dma.local [hbm:s3], $0xF7A  }
0x26: {  	[smem:$0x3F99] =	sst s1;
	(tag) =	ssettag s2;
	_ =	strace s9  }
0x27: {  	s1 =	sld [smem:$0x3FA9]  }
0x28: {  	s2 =	sld [smem:$0x3FAA]  }
0x29: {  	s4 =	sld [smem:$0x3FAC]  }
0x2a: {  	p0 =	seq.s32 s5, $0x0;
	s5 =	sld [smem:$0x3FAD]  }
0x2b: {  	s6 =	sld [smem:$0x3FAE]  }
0x2c: {  	s7 =	sld [smem:$0x3FAF]  }
0x2d: {  	s3 =	simm.s32 $0x108;
	s8 =	sld [smem:$0x3FB0]  }
0x2e: {  	s3 =	simm.s32 @!p0 $0x1082;
	s9 =	sld [smem:$0x3FB1]  }
0x2f: {  	lr =	sadd.s32 s0, s3;
	s0 =	sld [smem:$0x3FA8]  }
0x30: {  	s3 =	sld [smem:$0x3FAB]  }
0x31: {  	[smem:$0x3FB4] =	sst s10  }
0x32: {  	s10 =	sld [smem:$0x3FB2];
	_ =	sdelay $0x3  }
0x33: {  	p0 =	seq.s32 s10, $0x1;
	s10 =	sld [smem:$0x3FB4];
	_ =	sdelay $0x3  }
0x34: {  	[smem:$0x3FB4] =	sst s10  }
0x35: {  	s10 =	sld [smem:$0x3FB3];
	_ =	sdelay $0x3  }
0x36: {  	p1 =	seq.s32 s10, $0x1;
	s10 =	sld [smem:$0x3FB4];
	_ =	sdelay $0x3  }
0x37: {  	[smem:$0x3FB4] =	sst s10  }
0x38: {  	s10 =	sld [smem:$0x3FB5]  }
0x39: {  	_ = 	snop;
	(pc) =	sbr.ind lr, $3  }
0x3a: {  	_ = 	snop  }
0x3b: {  	_ = 	snop  }
0x3c: {  	p2 =	seq.s32 s10, $0x1;
	s10 =	sld [smem:$0x3FB4]  }
0x3d: {  	_ =	shalt  }
0x3e: {  	_ =	shalt  }
0x3f: {  	_ =	shalt  }
0x40: {  	_ =	shalt  }
0x41: {  	_ =	shalt  }
0x42: {  	_ =	shalt  }
0x43: {  	_ =	shalt  }
0x44: {  	_ =	shalt  }
0x45: {  	_ =	shalt  }
0x46: {  	_ =	shalt  }
0x47: {  	_ =	shalt  }
0x48: {  	_ =	shalt  }
0x49: {  	_ =	shalt  }
0x4a: {  	_ =	shalt  }
0x4b: {  	_ =	shalt  }
0x4c: {  	_ =	shalt  }
0x4d: {  	_ =	shalt  }
0x4e: {  	_ =	shalt  }
0x4f: {  	_ =	shalt  }
0x50: {  	_ =	shalt  }
0x51: {  	_ =	shalt  }
0x52: {  	_ =	shalt  }
0x53: {  	_ =	shalt  }
0x54: {  	_ =	shalt  }
0x55: {  	_ =	shalt  }
0x56: {  	_ =	shalt  }
0x57: {  	_ =	shalt  }
0x58: {  	_ =	shalt  }
0x59: {  	_ =	shalt  }
0x5a: {  	_ =	shalt  }
0x5b: {  	_ =	shalt  }
0x5c: {  	_ =	shalt  }
0x5d: {  	_ =	shalt  }
0x5e: {  	_ =	shalt  }
0x5f: {  	_ =	shalt  }
0x60: {  	_ =	shalt  }
0x61: {  	_ =	shalt  }
0x62: {  	_ =	shalt  }
0x63: {  	_ =	shalt  }
0x64: {  	_ =	shalt  }
0x65: {  	_ =	shalt  }
0x66: {  	_ =	shalt  }
0x67: {  	_ =	shalt  }
0x68: {  	_ =	shalt  }
0x69: {  	_ =	shalt  }
0x6a: {  	_ =	shalt  }
0x6b: {  	_ =	shalt  }
0x6c: {  	_ =	shalt  }
0x6d: {  	_ =	shalt  }
0x6e: {  	_ =	shalt  }
0x6f: {  	_ =	shalt  }
0x70: {  	_ =	shalt  }
0x71: {  	_ =	shalt  }
0x72: {  	_ =	shalt  }
0x73: {  	_ =	shalt  }
0x74: {  	_ =	shalt  }
0x75: {  	_ =	shalt  }
0x76: {  	_ =	shalt  }
0x77: {  	_ =	shalt  }
0x78: {  	_ =	shalt  }
0x79: {  	_ =	shalt  }
0x7a: {  	_ =	shalt  }
0x7b: {  	_ =	shalt  }
0x7c: {  	_ =	shalt  }
0x7d: {  	_ =	shalt  }
0x7e: {  	_ =	shalt  }
0x7f: {  	_ =	shalt  }
0x80: {  	_ =	shalt  }
0x81: {  	_ =	shalt  }
0x82: {  	_ =	shalt  }
0x83: {  	_ =	shalt  }
0x84: {  	_ =	shalt  }
0x85: {  	_ =	shalt  }
0x86: {  	_ =	shalt  }
0x87: {  	_ =	shalt  }
.Lfunc_end0:
.L_simem_size_0:
called_computation.2_lowered:
.L_overlay_start_0:
0x88: {  	s2 =	sld [smem:$0x3FD9]  }
0x89: {  	s3 =	sld [smem:$0x3FFE];
	_ =	sdelay $0x1  }
0x8a: {  	s1 =	srdreg.scid  }
0x8b: {  	s0 =	sand.u32 $0x1, s1  }
0x8c: {  	s17 =	sshll.u32 s0, $0xA;
	s2 =	sadd.s32 s3, s2  }
0x8d: {  	s2 =	sadd.s32 s2, s17  }
0x8e: {  	[smem:$0x3FC0] =	sst s2  }
0x8f: {  	_ = 	snop  }
0x90: {  	s2 =	sld [smem:$0x3FD0];
	(tm) =	ssettm $0x1  }
0x91: {  	s18 =	sld [smem:$0x3FFB];
	_ =	sdelay $0x3  }
0x92: {  	_ =	strace s18  }
0x93: {  	s3 =	sld [smem:$0x3FFC];
	_ =	sdelay $0x3  }
0x94: {  	_ =	strace s3  }
0x95: {  	s3 =	sld [smem:$0x3FFD];
	_ =	sdelay $0x3  }
0x96: {  	_ =	strace s3  }
0x97: {  	_ =	strace $0x8FFFFFFF  }
0x98: {  	s19 =	sld [smem:$0x3FDB];
	_ =	sdelay $0x1  }
0x99: {  	s4 =	simm.s32 $_scs_section_size  }
0x9a: {  	s5 =	simm.s32 $_size__tile_overlayer_lowered;
	s6 =	simm.s32 $_tile_overlayer_lowered  }
0x9b: {  	s22 =	simm.s32 $0x1BFF;
	s21 =	sshll.u32 s6, $0x1;
	s3 =	sadd.s32 s4, s19  }
0x9c: {  	s7 =	simm.s32 $0x0;
	s20 =	sshll.u32 s5, $0x1;
	s5 =	sadd.s32 s21, s3  }
0x9d: {  	[timem:s7], [sflag:s22] =	dma.local [hbm:s5], s20  }
0x9e: {  	_ =	swait.ge [sflag:s22], s20  }
0x9f: {  	s4 =	ssub.s32 $0x0, s20;
	[sflag:s22] =	ssyncset.done $0x0  }
0xa0: {  	[sflag:s22] =	ssyncadd.s32 s4;
	_ =	sdelay $0x1  }
0xa1: {  	s23 =	simm.s32 $0x1B8B  }
0xa2: {  	_ =	swait.ge [sflag:s23], $0x1  }
0xa3: {  	[sflag:s23] =	ssyncset.done $0x0  }
0xa4: {  	s25 =	simm.s32 $0x1B8E;
	s24 =	sld [smem:$0x3FFE];
	[sflag:s23] =	ssyncadd.s32 $0xFFFFFFFF  }
0xa5: {  	s26 =	simm.s32 $execute0_lowered;
	[smem:$0x3FD2] =	sst s25  }
0xa6: {  	s5 =	sshll.u32 s26, $0x1;
	_ =	strace $0x8000004C;
	[dreg:$0x1] =	wrdreg $0xFFFFFFFF  }
0xa7: {  	s28 =	simm.s32 $_size_execute0_lowered;
	s3 =	sadd.s32 s3, s5;
	[dreg:$0x0] =	wrdreg $0x0  }
0xa8: {  	s5 =	sshll.u32 s28, $0x1;
	[dreg:$0x2] =	wrdreg s3  }
0xa9: {  	[dreg:$0x3] =	wrdreg s5  }
0xaa: {  	[dreg:$0x4] =	wrdreg $0xC0  }
0xab: {  	_ =	task [dreg:s7], $0x5FFFF  }
0xac: {  	[dreg:$0x1] =	wrdreg $0xFFFFFFFF  }
0xad: {  	[dreg:$0x0] =	wrdreg $0x60  }
0xae: {  	[dreg:$0x2] =	wrdreg s24  }
0xaf: {  	[dreg:$0x3] =	wrdreg s2  }
0xb0: {  	[dreg:$0x4] =	wrdreg $0xA8000  }
0xb1: {  	[dreg:$0x5] =	wrdreg $0x9  }
0xb2: {  	_ =	task.clear_ibuf [dreg:s7], $0x6FFFF;
	_ =	strace $0x9000004C  }
0xb3: {  	s29 =	simm.s32 $0x9;
	_ =	strace $0x8000004E  }
0xb4: {  	_ =	swait.ge [sflag:s29], $0x1  }
0xb5: {  	[sflag:s29] =	ssyncadd.s32 $0xFFFFFFFF  }
0xb6: {  	_ =	strace $0x9000004E  }
0xb7: {  	_ =	sfence  }
0xb8: {  	s30 =	sld [smem:$0x0];
	_ =	sdelay $0x2  }
0xb9: {  	s31 =	sshll.u32 s1, $0xD;
	s1 =	sshrl.u32 s1, $0x2  }
0xba: {  	s3 =	sand.u32 $0x4000, s31;
	s1 =	sadd.s32 s1, s30  }
0xbb: {  	s0 =	sor.u32 s3, s0;
	s1 =	sshll.u32 s1, $0x11  }
0xbc: {  	s0 =	sor.u32 s1, s0  }
0xbd: {  	s0 =	sadd.s32 $0x8F2B, s0  }
0xbe: {  	[sflag:s0] =	ssyncadd.remote.s32 $0x1  }
0xbf: {  	_ =	sfence.sel $0xFFFF  }
0xc0: {  	[dreg:$0x0] =	wrdreg $0xFFFFFFFF;
	(pc) =	sbr.abs _section_cstart, $3  }
0xc1: {  	[dreg:$0x1] =	wrdreg $0xFFFFFFFF  }
0xc2: {  	_ =	task.clear_ibuf [dreg:s7], $0x2FFFF;
	_ =	strace $0x9FFFFFFF  }
0xc3: {  	(tm) =	ssettm $0x7FFFFFFF  }
tec
execute0_lowered:
.L_overlay_start_1:
0x0: {  	(tag) =	ssettag $0x1  }
0x1: {  	s8 =	rddreg [dreg:$0x0]  }
0x2: {  	s12 =	rddreg [dreg:$0x1]  }
0x3: {  	s1 =	rddreg [dreg:$0x2];
	s2 =	simm.s32 $0x0;
	s5 =	srdreg.scid  }
0x4: {  	s3 =	stileid.u32;
	s19 =	simm.s32 $0x3;
	s20 =	simm.s32 $0x1400  }
0x5: {  	s21 =	simm.s32 $0x80;
	s22 =	simm.s32 $0x2800;
	s23 =	simm.s32 $0x6800  }
0x6: {  	s24 =	simm.s32 $0x1;
	s25 =	simm.s32 $0x2;
	s26 =	simm.s32 $0x2700  }
0x7: {  	s28 =	simm.s32 $0x2780;
	[smem:$0x7FF] =	sst s2;
	s4 =	sadd.s32 $0x8200, s8  }
0x8: {  	s9 =	sand.u32 $0x1, s5;
	s5 =	sadd.s32 $0x30200, s8;
	s11 =	smul.u32 $0x50000, s3  }
0x9: {  	s13 =	sadd.s32 $0x3200, s8;
	s6 =	smul.u32 $0x2800, s3;
	s7 =	sadd.s32 $0x58200, s8  }
0xa: {  	s8 =	sadd.s32 $0x80200, s8;
	s15 =	sshll.u32 s3, $0x6;
	_ =	strace $0x8000004D  }
0xb: {  	s10 =	ssub.s32 $0x2, s9;
	p0 =	seq.s32 s9, $0x1;
	s17 =	sor.u32 $0x1C03, s15  }
.Ltmp0:
0xc: {  	s14 =	sshrl.u32 s10, $0x1;
	s29 =	sshrl.u32 s11, $0x2;
	(pc) =	sbr.rel .LBB2_1-.Ltmp0, $4  }
0xd: {  	s30 =	sshrl.u32 s6, $0x3;
	s9 =	sadd.s32 s4, s6;
	s16 =	ssub.s32 s10, s14  }
0xe: {  	s18 =	sadd.s32 s29, s1;
	s31 =	sadd.s32 $0x280, s30;
	s10 =	sadd.s32 s12, s30  }
0xf: {  	s11 =	sadd.s32 s13, s30;
	s14 =	sadd.s32 s5, s6;
	s12 =	sadd.s32 s12, s31  }
0x10: {  	s13 =	sadd.s32 s13, s31;
	s16 =	smax.u32 s16, $0x1;
	s18 =	sshrl.u32 s18, $0x3  }
.LBB2_11:
0x11: {  	[tilespmem:s23], [sflag:$0x2] =	stream.indirect.gather [hbm4b:s5+s21], $0x80, s30, s21, $0xb8;
	[tilespmem:$0x1E800] =	vst v63  }
0x12: {  	s30 =	smov.u32 s8;
	s29 =	smov.u32 s17  }
.LBB2_12:
0x13: {  	_ =	swait.ge [sflag:s24], $0x4000  }
0x14: {  	[sflag:s24] =	ssyncset.done $0x0  }
0x15: {  	[sflag:s24] =	ssyncadd.s32 $0xFFFFC000  }
0x16: {  	[spmem:s1] =	stream.indirect.scatter.add.f32 [tilespmem:s22], [sflag:$0x3], $0x80, s26, s21, $0xb8;
	[tilespmem:$0x1E800] =	vst v63  }
0x17: {  	_ =	swait.ge [sflag:s19], $0x4000  }
0x18: {  	[sflag:s19] =	ssyncset.done $0x0  }
0x19: {  	[sflag:s19] =	ssyncadd.s32 $0xFFFFC000  }
0x1a: {  	_ =	swait.ge [sflag:s25], $0x4000  }
0x1b: {  	[sflag:s25] =	ssyncset.done $0x0  }
0x1c: {  	[sflag:s25] =	ssyncadd.s32 $0xFFFFC000  }
0x1d: {  	[spmem:s1] =	stream.indirect.scatter.add.f32 [tilespmem:s23], [sflag:$0x3], $0x80, s28, s21, $0xb8;
	[tilespmem:$0x1E800] =	vst v63  }
0x1e: {  	_ =	swait.ge [sflag:s19], $0x4000  }
0x1f: {  	s2 =	sadd.s32 $0x1, s2;
	[sflag:s19] =	ssyncset.done $0x0  }
0x20: {  	p1 =	sne.s32 s2, s16;
	[sflag:s19] =	ssyncadd.s32 $0xFFFFC000  }
.Ltmp1:
0x21: {  	s0 =	sadd.s32 s30, s6;
	[bflag:$0x0] =	sbarrier.arrive $0xFFFF;
	(pc) =	sbr.rel @!p1 .LBB2_13-.Ltmp1, $4  }
0x22: {  	[hbm:s0], [sflag:s29] =	dma.local [spmem:s18], $0x2800  }
0x23: {  	_ =	swait.ge [sflag:s19], $0x2800  }
0x24: {  	[sflag:s19] =	ssyncset.done $0x0  }
0x25: {  	[sflag:s19] =	ssyncadd.s32 $0xFFFFD800  }
.LBB2_1:
.Ltmp2:
0x26: {  	(pc) =	sbr.rel @!p0 .LBB2_2-.Ltmp2, $1  }
0x27: {  	_ =	sdelay $0x3  }
0x28: {  	[spmem:s18], [sflag:s17] =	dma.local [hbm:s14], $0x2800  }
0x29: {  	_ =	swait.ge [sflag:s19], $0x2800  }
0x2a: {  	[sflag:s19] =	ssyncset.done $0x0  }
0x2b: {  	[sflag:s19] =	ssyncadd.s32 $0xFFFFD800  }
0x2c: {  	s0 =	simm.s32 $0x0;
	[bflag:$0x0] =	sbarrier.arrive $0xFFFF  }
0x2d: {  	[tilespmem:s0], [sflag:$0x3] =	stream.linear.gather [hbm4b:s10+s0], $0x1400, $0x38;
	[tilespmem:$0x1E800] =	vst v63  }
0x2e: {  	_ =	swait.ge [sflag:s19], $0x1400  }
0x2f: {  	[sflag:s19] =	ssyncset.done $0x0  }
0x30: {  	[sflag:s19] =	ssyncadd.s32 $0xFFFFEC00  }
0x31: {  	[tilespmem:s20], [sflag:$0x3] =	stream.linear.gather [hbm4b:s11+s0], $0x1400, $0x38;
	[tilespmem:$0x1E800] =	vst v63  }
0x32: {  	_ =	swait.ge [sflag:s19], $0x1400  }
0x33: {  	[sflag:s19] =	ssyncset.done $0x0  }
0x34: {  	[sflag:s19] =	ssyncadd.s32 $0xFFFFEC00  }
0x35: {  	[tilespmem:s22], [sflag:$0x1] =	stream.indirect.gather [hbm4b:s5+s21], $0x80, s0, s21, $0xb8;
	[tilespmem:$0x1E800] =	vst v63  }
0x36: {  	_ = 	snop  }
0x37: {  	[tilespmem:s23], [sflag:$0x2] =	stream.indirect.gather [hbm4b:s5+s21], $0x80, s21, s21, $0xb8;
	[tilespmem:$0x1E800] =	vst v63  }
0x38: {  	_ =	swait.ge [sflag:s24], $0x4000  }
0x39: {  	[sflag:s24] =	ssyncset.done $0x0  }
0x3a: {  	s31 =	simm.s32 $0x1400;
	[sflag:s24] =	ssyncadd.s32 $0xFFFFC000  }
0x3b: {  	[spmem:s1] =	stream.indirect.scatter.add.f32 [tilespmem:s22], [sflag:$0x3], $0x80, s31, s21, $0xb8;
	[tilespmem:$0x1E800] =	vst v63  }
0x3c: {  	_ =	swait.ge [sflag:s19], $0x4000  }
0x3d: {  	[sflag:s19] =	ssyncset.done $0x0  }
0x3e: {  	s31 =	simm.s32 $0x100;
	[sflag:s19] =	ssyncadd.s32 $0xFFFFC000  }
0x3f: {  	[tilespmem:s22], [sflag:$0x1] =	stream.indirect.gather [hbm4b:s5+s21], $0x80, s31, s21, $0xb8;
	[tilespmem:$0x1E800] =	vst v63  }
0x40: {  	_ =	swait.ge [sflag:s25], $0x4000  }
0x41: {  	[sflag:s25] =	ssyncset.done $0x0  }
0x42: {  	s31 =	simm.s32 $0x1480;
	[sflag:s25] =	ssyncadd.s32 $0xFFFFC000  }
0x43: {  	[spmem:s1] =	stream.indirect.scatter.add.f32 [tilespmem:s23], [sflag:$0x3], $0x80, s31, s21, $0xb8;
	[tilespmem:$0x1E800] =	vst v63  }
0x44: {  	_ =	swait.ge [sflag:s19], $0x4000  }
0x45: {  	[sflag:s19] =	ssyncset.done $0x0  }
0x46: {  	s29 =	simm.s32 $0x400;
	s30 =	simm.s32 $0x180;
	[sflag:s19] =	ssyncadd.s32 $0xFFFFC000  }
.LBB2_8:
0x47: {  	[tilespmem:s23], [sflag:$0x2] =	stream.indirect.gather [hbm4b:s5+s21], $0x80, s30, s21, $0xb8;
	[tilespmem:$0x1E800] =	vst v63  }
0x48: {  	s0 =	smov.u32 s29  }
0x49: {  	p1 =	sne.s32 s29, $0x4800;
	s29 =	sadd.s32 $0x400, s29;
	_ =	swait.ge [sflag:s24], $0x4000  }
0x4a: {  	s0 =	sshra.s32 s0, $0x2;
	[sflag:s24] =	ssyncset.done $0x0  }
0x4b: {  	s30 =	sadd.s32 $0x1400, s0;
	[sflag:s24] =	ssyncadd.s32 $0xFFFFC000  }
0x4c: {  	[spmem:s1] =	stream.indirect.scatter.add.f32 [tilespmem:s22], [sflag:$0x3], $0x80, s30, s21, $0xb8;
	[tilespmem:$0x1E800] =	vst v63  }
0x4d: {  	_ =	swait.ge [sflag:s19], $0x4000  }
0x4e: {  	[sflag:s19] =	ssyncset.done $0x0  }
0x4f: {  	s30 =	sadd.s32 $0x100, s0;
	[sflag:s19] =	ssyncadd.s32 $0xFFFFC000  }
0x50: {  	[tilespmem:s22], [sflag:$0x1] =	stream.indirect.gather [hbm4b:s5+s21], $0x80, s30, s21, $0xb8;
	[tilespmem:$0x1E800] =	vst v63  }
0x51: {  	_ =	swait.ge [sflag:s25], $0x4000  }
0x52: {  	[sflag:s25] =	ssyncset.done $0x0  }
.Ltmp3:
0x53: {  	s30 =	sadd.s32 $0x1480, s0;
	[sflag:s25] =	ssyncadd.s32 $0xFFFFC000;
	(pc) =	sbr.rel @p1 .LBB2_8-.Ltmp3, $4  }
0x54: {  	[spmem:s1] =	stream.indirect.scatter.add.f32 [tilespmem:s23], [sflag:$0x3], $0x80, s30, s21, $0xb8;
	[tilespmem:$0x1E800] =	vst v63  }
0x55: {  	_ =	swait.ge [sflag:s19], $0x4000  }
0x56: {  	[sflag:s19] =	ssyncset.done $0x0  }
0x57: {  	s30 =	sadd.s32 $0x180, s0;
	[sflag:s19] =	ssyncadd.s32 $0xFFFFC000  }
0x58: {  	[tilespmem:s23], [sflag:$0x2] =	stream.indirect.gather [hbm4b:s5+s21], $0x80, s30, s21, $0xb8;
	[tilespmem:$0x1E800] =	vst v63  }
0x59: {  	_ =	swait.ge [sflag:s24], $0x4000  }
0x5a: {  	[sflag:s24] =	ssyncset.done $0x0  }
0x5b: {  	[sflag:s24] =	ssyncadd.s32 $0xFFFFC000  }
0x5c: {  	[spmem:s1] =	stream.indirect.scatter.add.f32 [tilespmem:s22], [sflag:$0x3], $0x80, s26, s21, $0xb8;
	[tilespmem:$0x1E800] =	vst v63  }
0x5d: {  	_ =	swait.ge [sflag:s19], $0x4000  }
0x5e: {  	[sflag:s19] =	ssyncset.done $0x0  }
0x5f: {  	[sflag:s19] =	ssyncadd.s32 $0xFFFFC000  }
0x60: {  	_ =	swait.ge [sflag:s25], $0x4000  }
0x61: {  	[sflag:s25] =	ssyncset.done $0x0  }
0x62: {  	[sflag:s25] =	ssyncadd.s32 $0xFFFFC000  }
0x63: {  	[spmem:s1] =	stream.indirect.scatter.add.f32 [tilespmem:s23], [sflag:$0x3], $0x80, s28, s21, $0xb8;
	[tilespmem:$0x1E800] =	vst v63  }
0x64: {  	_ =	swait.ge [sflag:s19], $0x4000  }
0x65: {  	[sflag:s19] =	ssyncset.done $0x0  }
0x66: {  	s0 =	simm.s32 $0x0;
	[sflag:s19] =	ssyncadd.s32 $0xFFFFC000  }
0x67: {  	[tilespmem:s0], [sflag:$0x3] =	stream.linear.gather [hbm4b:s12+s0], $0x1400, $0x38;
	[tilespmem:$0x1E800] =	vst v63  }
0x68: {  	_ =	swait.ge [sflag:s19], $0x1400  }
0x69: {  	[sflag:s19] =	ssyncset.done $0x0  }
0x6a: {  	[sflag:s19] =	ssyncadd.s32 $0xFFFFEC00  }
0x6b: {  	[tilespmem:s20], [sflag:$0x3] =	stream.linear.gather [hbm4b:s13+s0], $0x1400, $0x38;
	[tilespmem:$0x1E800] =	vst v63  }
0x6c: {  	_ =	swait.ge [sflag:s19], $0x1400  }
0x6d: {  	[sflag:s19] =	ssyncset.done $0x0  }
0x6e: {  	[sflag:s19] =	ssyncadd.s32 $0xFFFFEC00  }
0x6f: {  	[tilespmem:s22], [sflag:$0x1] =	stream.indirect.gather [hbm4b:s5+s21], $0x80, s0, s21, $0xb8;
	[tilespmem:$0x1E800] =	vst v63  }
0x70: {  	_ = 	snop  }
0x71: {  	[tilespmem:s23], [sflag:$0x2] =	stream.indirect.gather [hbm4b:s5+s21], $0x80, s21, s21, $0xb8;
	[tilespmem:$0x1E800] =	vst v63  }
0x72: {  	_ =	swait.ge [sflag:s24], $0x4000  }
0x73: {  	[sflag:s24] =	ssyncset.done $0x0  }
0x74: {  	s31 =	simm.s32 $0x1400;
	[sflag:s24] =	ssyncadd.s32 $0xFFFFC000  }
0x75: {  	[spmem:s1] =	stream.indirect.scatter.add.f32 [tilespmem:s22], [sflag:$0x3], $0x80, s31, s21, $0xb8;
	[tilespmem:$0x1E800] =	vst v63  }
0x76: {  	_ =	swait.ge [sflag:s19], $0x4000  }
0x77: {  	[sflag:s19] =	ssyncset.done $0x0  }
0x78: {  	s31 =	simm.s32 $0x100;
	[sflag:s19] =	ssyncadd.s32 $0xFFFFC000  }
0x79: {  	[tilespmem:s22], [sflag:$0x1] =	stream.indirect.gather [hbm4b:s5+s21], $0x80, s31, s21, $0xb8;
	[tilespmem:$0x1E800] =	vst v63  }
0x7a: {  	_ =	swait.ge [sflag:s25], $0x4000  }
0x7b: {  	[sflag:s25] =	ssyncset.done $0x0  }
0x7c: {  	s31 =	simm.s32 $0x1480;
	[sflag:s25] =	ssyncadd.s32 $0xFFFFC000  }
0x7d: {  	[spmem:s1] =	stream.indirect.scatter.add.f32 [tilespmem:s23], [sflag:$0x3], $0x80, s31, s21, $0xb8;
	[tilespmem:$0x1E800] =	vst v63  }
0x7e: {  	_ =	swait.ge [sflag:s19], $0x4000  }
0x7f: {  	[sflag:s19] =	ssyncset.done $0x0  }
0x80: {  	s29 =	simm.s32 $0x400;
	s30 =	simm.s32 $0x180;
	[sflag:s19] =	ssyncadd.s32 $0xFFFFC000  }
.LBB2_10:
0x81: {  	[tilespmem:s23], [sflag:$0x2] =	stream.indirect.gather [hbm4b:s5+s21], $0x80, s30, s21, $0xb8;
	[tilespmem:$0x1E800] =	vst v63  }
0x82: {  	s0 =	smov.u32 s29  }
0x83: {  	p1 =	sne.s32 s29, $0x4800;
	s29 =	sadd.s32 $0x400, s29;
	_ =	swait.ge [sflag:s24], $0x4000  }
0x84: {  	s0 =	sshra.s32 s0, $0x2;
	[sflag:s24] =	ssyncset.done $0x0  }
0x85: {  	s30 =	sadd.s32 $0x1400, s0;
	[sflag:s24] =	ssyncadd.s32 $0xFFFFC000  }
0x86: {  	[spmem:s1] =	stream.indirect.scatter.add.f32 [tilespmem:s22], [sflag:$0x3], $0x80, s30, s21, $0xb8;
	[tilespmem:$0x1E800] =	vst v63  }
0x87: {  	_ =	swait.ge [sflag:s19], $0x4000  }
0x88: {  	[sflag:s19] =	ssyncset.done $0x0  }
0x89: {  	s30 =	sadd.s32 $0x100, s0;
	[sflag:s19] =	ssyncadd.s32 $0xFFFFC000  }
0x8a: {  	[tilespmem:s22], [sflag:$0x1] =	stream.indirect.gather [hbm4b:s5+s21], $0x80, s30, s21, $0xb8;
	[tilespmem:$0x1E800] =	vst v63  }
0x8b: {  	_ =	swait.ge [sflag:s25], $0x4000  }
0x8c: {  	[sflag:s25] =	ssyncset.done $0x0  }
.Ltmp4:
0x8d: {  	s30 =	sadd.s32 $0x1480, s0;
	[sflag:s25] =	ssyncadd.s32 $0xFFFFC000;
	(pc) =	sbr.rel @p1 .LBB2_10-.Ltmp4, $4  }
0x8e: {  	[spmem:s1] =	stream.indirect.scatter.add.f32 [tilespmem:s23], [sflag:$0x3], $0x80, s30, s21, $0xb8;
	[tilespmem:$0x1E800] =	vst v63  }
0x8f: {  	_ =	swait.ge [sflag:s19], $0x4000  }
0x90: {  	[sflag:s19] =	ssyncset.done $0x0  }
0x91: {  	s30 =	sadd.s32 $0x180, s0;
	[sflag:s19] =	ssyncadd.s32 $0xFFFFC000  }
.Ltmp5:
0x92: {  	_ = 	snop;
	(pc) =	sbr.rel .LBB2_11-.Ltmp5, $1  }
0x93: {  	_ =	sdelay $0x3  }
.LBB2_2:
0x94: {  	s29 =	sor.u32 $0x1C03, s15  }
0x95: {  	[spmem:s18], [sflag:s29] =	dma.local [hbm:s9], $0x2800  }
0x96: {  	_ =	swait.ge [sflag:s19], $0x2800  }
0x97: {  	[sflag:s19] =	ssyncset.done $0x0  }
0x98: {  	[sflag:s19] =	ssyncadd.s32 $0xFFFFD800  }
0x99: {  	s30 =	simm.s32 $0x0;
	[bflag:$0x0] =	sbarrier.arrive $0xFFFF  }
0x9a: {  	[tilespmem:s30], [sflag:$0x3] =	stream.linear.gather [hbm4b:s10+s30], $0x1400, $0x38;
	[tilespmem:$0x1E800] =	vst v63  }
0x9b: {  	_ =	swait.ge [sflag:s19], $0x1400  }
0x9c: {  	[sflag:s19] =	ssyncset.done $0x0  }
0x9d: {  	[sflag:s19] =	ssyncadd.s32 $0xFFFFEC00  }
0x9e: {  	[tilespmem:s20], [sflag:$0x3] =	stream.linear.gather [hbm4b:s11+s30], $0x1400, $0x38;
	[tilespmem:$0x1E800] =	vst v63  }
0x9f: {  	_ =	swait.ge [sflag:s19], $0x1400  }
0xa0: {  	[sflag:s19] =	ssyncset.done $0x0  }
0xa1: {  	[sflag:s19] =	ssyncadd.s32 $0xFFFFEC00  }
0xa2: {  	[tilespmem:s22], [sflag:$0x1] =	stream.indirect.gather [hbm4b:s4+s21], $0x80, s30, s21, $0xb8;
	[tilespmem:$0x1E800] =	vst v63  }
0xa3: {  	_ = 	snop  }
0xa4: {  	[tilespmem:s23], [sflag:$0x2] =	stream.indirect.gather [hbm4b:s4+s21], $0x80, s21, s21, $0xb8;
	[tilespmem:$0x1E800] =	vst v63  }
0xa5: {  	_ =	swait.ge [sflag:s24], $0x4000  }
0xa6: {  	[sflag:s24] =	ssyncset.done $0x0  }
0xa7: {  	s30 =	simm.s32 $0x1400;
	[sflag:s24] =	ssyncadd.s32 $0xFFFFC000  }
0xa8: {  	[spmem:s1] =	stream.indirect.scatter.add.f32 [tilespmem:s22], [sflag:$0x3], $0x80, s30, s21, $0xb8;
	[tilespmem:$0x1E800] =	vst v63  }
0xa9: {  	_ =	swait.ge [sflag:s19], $0x4000  }
0xaa: {  	[sflag:s19] =	ssyncset.done $0x0  }
0xab: {  	s30 =	simm.s32 $0x100;
	[sflag:s19] =	ssyncadd.s32 $0xFFFFC000  }
0xac: {  	[tilespmem:s22], [sflag:$0x1] =	stream.indirect.gather [hbm4b:s4+s21], $0x80, s30, s21, $0xb8;
	[tilespmem:$0x1E800] =	vst v63  }
0xad: {  	_ =	swait.ge [sflag:s25], $0x4000  }
0xae: {  	[sflag:s25] =	ssyncset.done $0x0  }
0xaf: {  	s30 =	simm.s32 $0x1480;
	[sflag:s25] =	ssyncadd.s32 $0xFFFFC000  }
0xb0: {  	[spmem:s1] =	stream.indirect.scatter.add.f32 [tilespmem:s23], [sflag:$0x3], $0x80, s30, s21, $0xb8;
	[tilespmem:$0x1E800] =	vst v63  }
0xb1: {  	_ =	swait.ge [sflag:s19], $0x4000  }
0xb2: {  	[sflag:s19] =	ssyncset.done $0x0  }
0xb3: {  	s31 =	simm.s32 $0x180;
	s30 =	simm.s32 $0x400;
	[sflag:s19] =	ssyncadd.s32 $0xFFFFC000  }
.LBB2_3:
0xb4: {  	[tilespmem:s23], [sflag:$0x2] =	stream.indirect.gather [hbm4b:s4+s21], $0x80, s31, s21, $0xb8;
	[tilespmem:$0x1E800] =	vst v63  }
0xb5: {  	s31 =	smov.u32 s30  }
0xb6: {  	p1 =	sne.s32 s30, $0x4800;
	s30 =	sadd.s32 $0x400, s30;
	_ =	swait.ge [sflag:s24], $0x4000  }
0xb7: {  	s31 =	sshra.s32 s31, $0x2;
	[sflag:s24] =	ssyncset.done $0x0  }
0xb8: {  	s0 =	sadd.s32 $0x1400, s31;
	[sflag:s24] =	ssyncadd.s32 $0xFFFFC000  }
0xb9: {  	[spmem:s1] =	stream.indirect.scatter.add.f32 [tilespmem:s22], [sflag:$0x3], $0x80, s0, s21, $0xb8;
	[tilespmem:$0x1E800] =	vst v63  }
0xba: {  	_ =	swait.ge [sflag:s19], $0x4000  }
0xbb: {  	[sflag:s19] =	ssyncset.done $0x0  }
0xbc: {  	s0 =	sadd.s32 $0x100, s31;
	[sflag:s19] =	ssyncadd.s32 $0xFFFFC000  }
0xbd: {  	[tilespmem:s22], [sflag:$0x1] =	stream.indirect.gather [hbm4b:s4+s21], $0x80, s0, s21, $0xb8;
	[tilespmem:$0x1E800] =	vst v63  }
0xbe: {  	_ =	swait.ge [sflag:s25], $0x4000  }
0xbf: {  	[sflag:s25] =	ssyncset.done $0x0  }
.Ltmp6:
0xc0: {  	s0 =	sadd.s32 $0x1480, s31;
	[sflag:s25] =	ssyncadd.s32 $0xFFFFC000;
	(pc) =	sbr.rel @p1 .LBB2_3-.Ltmp6, $4  }
0xc1: {  	[spmem:s1] =	stream.indirect.scatter.add.f32 [tilespmem:s23], [sflag:$0x3], $0x80, s0, s21, $0xb8;
	[tilespmem:$0x1E800] =	vst v63  }
0xc2: {  	_ =	swait.ge [sflag:s19], $0x4000  }
0xc3: {  	[sflag:s19] =	ssyncset.done $0x0  }
0xc4: {  	s31 =	sadd.s32 $0x180, s31;
	[sflag:s19] =	ssyncadd.s32 $0xFFFFC000  }
0xc5: {  	[tilespmem:s23], [sflag:$0x2] =	stream.indirect.gather [hbm4b:s4+s21], $0x80, s31, s21, $0xb8;
	[tilespmem:$0x1E800] =	vst v63  }
0xc6: {  	_ =	swait.ge [sflag:s24], $0x4000  }
0xc7: {  	[sflag:s24] =	ssyncset.done $0x0  }
0xc8: {  	[sflag:s24] =	ssyncadd.s32 $0xFFFFC000  }
0xc9: {  	[spmem:s1] =	stream.indirect.scatter.add.f32 [tilespmem:s22], [sflag:$0x3], $0x80, s26, s21, $0xb8;
	[tilespmem:$0x1E800] =	vst v63  }
0xca: {  	_ =	swait.ge [sflag:s19], $0x4000  }
0xcb: {  	[sflag:s19] =	ssyncset.done $0x0  }
0xcc: {  	[sflag:s19] =	ssyncadd.s32 $0xFFFFC000  }
0xcd: {  	_ =	swait.ge [sflag:s25], $0x4000  }
0xce: {  	[sflag:s25] =	ssyncset.done $0x0  }
0xcf: {  	[sflag:s25] =	ssyncadd.s32 $0xFFFFC000  }
0xd0: {  	[spmem:s1] =	stream.indirect.scatter.add.f32 [tilespmem:s23], [sflag:$0x3], $0x80, s28, s21, $0xb8;
	[tilespmem:$0x1E800] =	vst v63  }
0xd1: {  	_ =	swait.ge [sflag:s19], $0x4000  }
0xd2: {  	[sflag:s19] =	ssyncset.done $0x0  }
0xd3: {  	s0 =	simm.s32 $0x0;
	[sflag:s19] =	ssyncadd.s32 $0xFFFFC000  }
0xd4: {  	[tilespmem:s0], [sflag:$0x3] =	stream.linear.gather [hbm4b:s12+s0], $0x1400, $0x38;
	[tilespmem:$0x1E800] =	vst v63  }
0xd5: {  	_ =	swait.ge [sflag:s19], $0x1400  }
0xd6: {  	[sflag:s19] =	ssyncset.done $0x0  }
0xd7: {  	[sflag:s19] =	ssyncadd.s32 $0xFFFFEC00  }
0xd8: {  	[tilespmem:s20], [sflag:$0x3] =	stream.linear.gather [hbm4b:s13+s0], $0x1400, $0x38;
	[tilespmem:$0x1E800] =	vst v63  }
0xd9: {  	_ =	swait.ge [sflag:s19], $0x1400  }
0xda: {  	[sflag:s19] =	ssyncset.done $0x0  }
0xdb: {  	[sflag:s19] =	ssyncadd.s32 $0xFFFFEC00  }
0xdc: {  	[tilespmem:s22], [sflag:$0x1] =	stream.indirect.gather [hbm4b:s4+s21], $0x80, s0, s21, $0xb8;
	[tilespmem:$0x1E800] =	vst v63  }
0xdd: {  	_ = 	snop  }
0xde: {  	[tilespmem:s23], [sflag:$0x2] =	stream.indirect.gather [hbm4b:s4+s21], $0x80, s21, s21, $0xb8;
	[tilespmem:$0x1E800] =	vst v63  }
0xdf: {  	_ =	swait.ge [sflag:s24], $0x4000  }
0xe0: {  	[sflag:s24] =	ssyncset.done $0x0  }
0xe1: {  	s0 =	simm.s32 $0x1400;
	[sflag:s24] =	ssyncadd.s32 $0xFFFFC000  }
0xe2: {  	[spmem:s1] =	stream.indirect.scatter.add.f32 [tilespmem:s22], [sflag:$0x3], $0x80, s0, s21, $0xb8;
	[tilespmem:$0x1E800] =	vst v63  }
0xe3: {  	_ =	swait.ge [sflag:s19], $0x4000  }
0xe4: {  	[sflag:s19] =	ssyncset.done $0x0  }
0xe5: {  	s0 =	simm.s32 $0x100;
	[sflag:s19] =	ssyncadd.s32 $0xFFFFC000  }
0xe6: {  	[tilespmem:s22], [sflag:$0x1] =	stream.indirect.gather [hbm4b:s4+s21], $0x80, s0, s21, $0xb8;
	[tilespmem:$0x1E800] =	vst v63  }
0xe7: {  	_ =	swait.ge [sflag:s25], $0x4000  }
0xe8: {  	[sflag:s25] =	ssyncset.done $0x0  }
0xe9: {  	s0 =	simm.s32 $0x1480;
	[sflag:s25] =	ssyncadd.s32 $0xFFFFC000  }
0xea: {  	[spmem:s1] =	stream.indirect.scatter.add.f32 [tilespmem:s23], [sflag:$0x3], $0x80, s0, s21, $0xb8;
	[tilespmem:$0x1E800] =	vst v63  }
0xeb: {  	_ =	swait.ge [sflag:s19], $0x4000  }
0xec: {  	[sflag:s19] =	ssyncset.done $0x0  }
0xed: {  	s30 =	simm.s32 $0x400;
	s31 =	simm.s32 $0x180;
	[sflag:s19] =	ssyncadd.s32 $0xFFFFC000  }
.LBB2_5:
0xee: {  	[tilespmem:s23], [sflag:$0x2] =	stream.indirect.gather [hbm4b:s4+s21], $0x80, s31, s21, $0xb8;
	[tilespmem:$0x1E800] =	vst v63  }
0xef: {  	s0 =	smov.u32 s30  }
0xf0: {  	p1 =	seq.s32 s30, $0x4800;
	s30 =	sadd.s32 $0x400, s30;
	_ =	swait.ge [sflag:s24], $0x4000  }
0xf1: {  	s0 =	sshra.s32 s0, $0x2;
	[sflag:s24] =	ssyncset.done $0x0  }
0xf2: {  	s31 =	sadd.s32 $0x1400, s0;
	[sflag:s24] =	ssyncadd.s32 $0xFFFFC000  }
0xf3: {  	[spmem:s1] =	stream.indirect.scatter.add.f32 [tilespmem:s22], [sflag:$0x3], $0x80, s31, s21, $0xb8;
	[tilespmem:$0x1E800] =	vst v63  }
0xf4: {  	_ =	swait.ge [sflag:s19], $0x4000  }
0xf5: {  	[sflag:s19] =	ssyncset.done $0x0  }
0xf6: {  	s31 =	sadd.s32 $0x100, s0;
	[sflag:s19] =	ssyncadd.s32 $0xFFFFC000  }
0xf7: {  	[tilespmem:s22], [sflag:$0x1] =	stream.indirect.gather [hbm4b:s4+s21], $0x80, s31, s21, $0xb8;
	[tilespmem:$0x1E800] =	vst v63  }
0xf8: {  	_ =	swait.ge [sflag:s25], $0x4000  }
0xf9: {  	[sflag:s25] =	ssyncset.done $0x0  }
.Ltmp7:
0xfa: {  	s31 =	sadd.s32 $0x1480, s0;
	[sflag:s25] =	ssyncadd.s32 $0xFFFFC000;
	(pc) =	sbr.rel @!p1 .LBB2_5-.Ltmp7, $4  }
0xfb: {  	[spmem:s1] =	stream.indirect.scatter.add.f32 [tilespmem:s23], [sflag:$0x3], $0x80, s31, s21, $0xb8;
	[tilespmem:$0x1E800] =	vst v63  }
0xfc: {  	_ =	swait.ge [sflag:s19], $0x4000  }
0xfd: {  	[sflag:s19] =	ssyncset.done $0x0  }
0xfe: {  	s31 =	sadd.s32 $0x180, s0;
	[sflag:s19] =	ssyncadd.s32 $0xFFFFC000  }
.Ltmp8:
0xff: {  	(pc) =	sbr.rel .LBB2_12-.Ltmp8, $3  }
0x100: {  	_ =	sdelay $0x1  }
0x101: {  	[tilespmem:s23], [sflag:$0x2] =	stream.indirect.gather [hbm4b:s4+s21], $0x80, s31, s21, $0xb8;
	[tilespmem:$0x1E800] =	vst v63  }
0x102: {  	s30 =	smov.u32 s7  }
.LBB2_13:
0x103: {  	_ =	sfence.sel $0x180000  }
0x104: {  	[bflag:$0x0] =	sbarrier.arrive $0xFFFF  }
0x105: {  	_ =	strace $0x9000004D  }
0x106: {  	[bflag:$0x2] =	sbarrier.arrive $0xFFFF  }
0x107: {  	p0 =	sne.s32 s3, $0x0;
	s0 =	rddreg [dreg:$0x3]  }
0x108: {  	s0 =	sadd.s32 @!p0 $0x100000, s0  }
0x109: {  	[sflag:s0] =	ssyncadd.tile.s32 @!p0 $0x1;
	_ =	shalt  }
.Lfunc_end2:
_tile_overlayer_lowered:
.L_overlay_start_2:
0x10a: {  	(tag) =	ssettag $0x2  }
0x10b: {  	s0 =	rddreg [dreg:$0x0];
	s2 =	stileid.u32  }
0x10c: {  	s1 =	rddreg [dreg:$0x1];
	p0 =	sne.s32 s2, $0x0  }
0x10d: {  	s3 =	rddreg [dreg:$0x2];
	[bflag:$0x3] =	sbarrier.arrive $0xFFFF;
	s2 =	simm.s32 @!p0 $0x1C03  }
0x10e: {  	[timem:s3], [sflag:s2] =	dma.local @!p0 [hbm:s0], s1  }
0x10f: {  	s0 =	simm.s32 @!p0 $0x3  }
0x110: {  	_ =	swait.ge @!p0 [sflag:s0], s1  }
0x111: {  	s1 =	ssub.s32 @!p0 $0x0, s1;
	[sflag:s0] =	ssyncset.done @!p0 $0x0  }
0x112: {  	[sflag:s0] =	ssyncadd.s32 @!p0 s1  }
0x113: {  	[bflag:$0x3] =	sbarrier.arrive $0xFFFF  }
0x114: {  	_ =	shalt  }

// kernel: kernel.8.cloned.1.call-start
scs
__scs_entry_jumppad:
0x0: {  	(pc) =	sbr.rel $0x88, $3  }
0x1: {  	(tag) =	ssettag $0x0;
	lr =	simm.s32 $0x1  }
0x2: {  	[smem:$0x3F99] =	sst lr;
	_ =	strace $0xD0000000  }
0x3: {  	_ = 	snop  }
0x4: {  	_ = 	snop  }
0x5: {  	_ = 	snop  }
0x6: {  	_ = 	snop  }
0x7: {  	_ = 	snop  }
__scs_overlays_trampoline_lowered:
0x8: {  	[smem:$0x3FA8] =	sst s0  }
0x9: {  	[smem:$0x3FA9] =	sst s1  }
0xa: {  	[smem:$0x3FAA] =	sst s2  }
0xb: {  	[smem:$0x3FAB] =	sst s3  }
0xc: {  	[smem:$0x3FAC] =	sst s4  }
0xd: {  	[smem:$0x3FAD] =	sst s5  }
0xe: {  	[smem:$0x3FAE] =	sst s6  }
0xf: {  	[smem:$0x3FAF] =	sst s7  }
0x10: {  	[smem:$0x3FB0] =	sst s8  }
0x11: {  	[smem:$0x3FB1] =	sst s9;
	s0 =	simm.s32 @!p0 $0x0  }
0x12: {  	s1 =	sld [smem:$0x3F97];
	s0 =	simm.s32 @p0 $0x1  }
0x13: {  	[smem:$0x3FB2] =	sst s0;
	s0 =	simm.s32 @!p1 $0x0  }
0x14: {  	s2 =	sld [smem:$0x3F96];
	s0 =	simm.s32 @p1 $0x1  }
0x15: {  	[smem:$0x3FB3] =	sst s0;
	s0 =	simm.s32 @!p2 $0x0  }
0x16: {  	s3 =	sld [smem:$0x3FDB];
	s0 =	simm.s32 @p2 $0x1  }
0x17: {  	s4 =	simm.s32 $0x1BF5;
	[smem:$0x3FB5] =	sst s0  }
0x18: {  	s0 =	sld [smem:$0x3F98];
	_ =	swait.ge [sflag:s4], $0x0  }
0x19: {  	s7 =	sld [smem:$0x3F99]  }
0x1a: {  	s8 =	sadd.s32 $0xFFFFE003, lr  }
0x1b: {  	s9 =	sadd.s32 $0xFFFFFEF7, lr;
	s5 =	simm.s32 $0xFFFFFFFF;
	p2 =	slt.u32 s8, $0xFFFFF086  }
0x1c: {  	p1 =	slt.u32 s9, $0xF7A;
	s5 =	simm.s32 @!p2 $0x0  }
0x1d: {  	s5 =	simm.s32 @p1 $0x1;
	p0 =	seq.s32 s7, s2  }
0x1e: {  	s7 =	smul.u32 @!p0 $0xF7A, s2;
	p2 =	seq.s32 @!p0 s5, $0x0  }
0x1f: {  	s9 =	smul.u32 $0xF7A, s1;
	s8 =	simm.s32 @!p0 $0x1BF5;
	p2 =	por !p2, p0  }
0x20: {  	[sflag:s8] =	ssyncset.s32 @!p0 $0xFFFFF086;
	s6 =	sadd.s32 @!p0 s3, s7;
	s7 =	simm.s32 @!p0 $0x108  }
0x21: {  	s3 =	sadd.s32 s3, s9;
	s6 =	sadd.s32 @!p0 $0x88, s6;
	s7 =	simm.s32 @p2 $0x1082  }
0x22: {  	[simem:s7], [sflag:s8] =	dma.local @!p0 [hbm:s6], $0xF7A  }
0x23: {  	s9 =	sor.u32 $0xD0000000, s2;
	s6 =	simm.s32 $0x108;
	_ =	swait.ge @!p0 [sflag:s8], $0x0  }
0x24: {  	s3 =	sadd.s32 $0x88, s3;
	s6 =	simm.s32 @!p1 $0x1082;
	[sflag:s4] =	ssyncset.s32 $0xFFFFF086  }
0x25: {  	[simem:s6], [sflag:s4] =	dma.local [hbm:s3], $0xF7A  }
0x26: {  	[smem:$0x3F99] =	sst s1;
	(tag) =	ssettag s2;
	_ =	strace s9  }
0x27: {  	s1 =	sld [smem:$0x3FA9]  }
0x28: {  	s2 =	sld [smem:$0x3FAA]  }
0x29: {  	s4 =	sld [smem:$0x3FAC]  }
0x2a: {  	p0 =	seq.s32 s5, $0x0;
	s5 =	sld [smem:$0x3FAD]  }
0x2b: {  	s6 =	sld [smem:$0x3FAE]  }
0x2c: {  	s7 =	sld [smem:$0x3FAF]  }
0x2d: {  	s3 =	simm.s32 $0x108;
	s8 =	sld [smem:$0x3FB0]  }
0x2e: {  	s3 =	simm.s32 @!p0 $0x1082;
	s9 =	sld [smem:$0x3FB1]  }
0x2f: {  	lr =	sadd.s32 s0, s3;
	s0 =	sld [smem:$0x3FA8]  }
0x30: {  	s3 =	sld [smem:$0x3FAB]  }
0x31: {  	[smem:$0x3FB4] =	sst s10  }
0x32: {  	s10 =	sld [smem:$0x3FB2];
	_ =	sdelay $0x3  }
0x33: {  	p0 =	seq.s32 s10, $0x1;
	s10 =	sld [smem:$0x3FB4];
	_ =	sdelay $0x3  }
0x34: {  	[smem:$0x3FB4] =	sst s10  }
0x35: {  	s10 =	sld [smem:$0x3FB3];
	_ =	sdelay $0x3  }
0x36: {  	p1 =	seq.s32 s10, $0x1;
	s10 =	sld [smem:$0x3FB4];
	_ =	sdelay $0x3  }
0x37: {  	[smem:$0x3FB4] =	sst s10  }
0x38: {  	s10 =	sld [smem:$0x3FB5]  }
0x39: {  	_ = 	snop;
	(pc) =	sbr.ind lr, $3  }
0x3a: {  	_ = 	snop  }
0x3b: {  	_ = 	snop  }
0x3c: {  	p2 =	seq.s32 s10, $0x1;
	s10 =	sld [smem:$0x3FB4]  }
0x3d: {  	_ =	shalt  }
0x3e: {  	_ =	shalt  }
0x3f: {  	_ =	shalt  }
0x40: {  	_ =	shalt  }
0x41: {  	_ =	shalt  }
0x42: {  	_ =	shalt  }
0x43: {  	_ =	shalt  }
0x44: {  	_ =	shalt  }
0x45: {  	_ =	shalt  }
0x46: {  	_ =	shalt  }
0x47: {  	_ =	shalt  }
0x48: {  	_ =	shalt  }
0x49: {  	_ =	shalt  }
0x4a: {  	_ =	shalt  }
0x4b: {  	_ =	shalt  }
0x4c: {  	_ =	shalt  }
0x4d: {  	_ =	shalt  }
0x4e: {  	_ =	shalt  }
0x4f: {  	_ =	shalt  }
0x50: {  	_ =	shalt  }
0x51: {  	_ =	shalt  }
0x52: {  	_ =	shalt  }
0x53: {  	_ =	shalt  }
0x54: {  	_ =	shalt  }
0x55: {  	_ =	shalt  }
0x56: {  	_ =	shalt  }
0x57: {  	_ =	shalt  }
0x58: {  	_ =	shalt  }
0x59: {  	_ =	shalt  }
0x5a: {  	_ =	shalt  }
0x5b: {  	_ =	shalt  }
0x5c: {  	_ =	shalt  }
0x5d: {  	_ =	shalt  }
0x5e: {  	_ =	shalt  }
0x5f: {  	_ =	shalt  }
0x60: {  	_ =	shalt  }
0x61: {  	_ =	shalt  }
0x62: {  	_ =	shalt  }
0x63: {  	_ =	shalt  }
0x64: {  	_ =	shalt  }
0x65: {  	_ =	shalt  }
0x66: {  	_ =	shalt  }
0x67: {  	_ =	shalt  }
0x68: {  	_ =	shalt  }
0x69: {  	_ =	shalt  }
0x6a: {  	_ =	shalt  }
0x6b: {  	_ =	shalt  }
0x6c: {  	_ =	shalt  }
0x6d: {  	_ =	shalt  }
0x6e: {  	_ =	shalt  }
0x6f: {  	_ =	shalt  }
0x70: {  	_ =	shalt  }
0x71: {  	_ =	shalt  }
0x72: {  	_ =	shalt  }
0x73: {  	_ =	shalt  }
0x74: {  	_ =	shalt  }
0x75: {  	_ =	shalt  }
0x76: {  	_ =	shalt  }
0x77: {  	_ =	shalt  }
0x78: {  	_ =	shalt  }
0x79: {  	_ =	shalt  }
0x7a: {  	_ =	shalt  }
0x7b: {  	_ =	shalt  }
0x7c: {  	_ =	shalt  }
0x7d: {  	_ =	shalt  }
0x7e: {  	_ =	shalt  }
0x7f: {  	_ =	shalt  }
0x80: {  	_ =	shalt  }
0x81: {  	_ =	shalt  }
0x82: {  	_ =	shalt  }
0x83: {  	_ =	shalt  }
0x84: {  	_ =	shalt  }
0x85: {  	_ =	shalt  }
0x86: {  	_ =	shalt  }
0x87: {  	_ =	shalt  }
.Lfunc_end0:
.L_simem_size_0:
called_computation_lowered:
.L_overlay_start_0:
0x88: {  	s2 =	sld [smem:$0x3FD9]  }
0x89: {  	s3 =	sld [smem:$0x3FFE];
	_ =	sdelay $0x1  }
0x8a: {  	s1 =	srdreg.scid  }
0x8b: {  	s0 =	sand.u32 $0x1, s1  }
0x8c: {  	s16 =	sshll.u32 s0, $0xA;
	s2 =	sadd.s32 s3, s2  }
0x8d: {  	s2 =	sadd.s32 s2, s16  }
0x8e: {  	[smem:$0x3FC0] =	sst s2  }
0x8f: {  	_ = 	snop  }
0x90: {  	(tm) =	ssettm $0x1  }
0x91: {  	s17 =	sld [smem:$0x3FFB];
	_ =	sdelay $0x3  }
0x92: {  	_ =	strace s17  }
0x93: {  	s2 =	sld [smem:$0x3FFC];
	_ =	sdelay $0x3  }
0x94: {  	_ =	strace s2  }
0x95: {  	s2 =	sld [smem:$0x3FFD];
	_ =	sdelay $0x3  }
0x96: {  	_ =	strace s2  }
0x97: {  	_ =	strace $0x8FFFFFFF  }
0x98: {  	s18 =	sld [smem:$0x3FDB];
	_ =	sdelay $0x1  }
0x99: {  	s19 =	simm.s32 $_scs_section_size  }
0x9a: {  	s4 =	simm.s32 $_size__tile_overlayer_lowered;
	s5 =	simm.s32 $_tile_overlayer_lowered  }
0x9b: {  	s22 =	simm.s32 $0x1BFF;
	s21 =	sshll.u32 s5, $0x1;
	s2 =	sadd.s32 s19, s18  }
0x9c: {  	s6 =	simm.s32 $0x0;
	s20 =	sshll.u32 s4, $0x1;
	s4 =	sadd.s32 s21, s2  }
0x9d: {  	[timem:s6], [sflag:s22] =	dma.local [hbm:s4], s20  }
0x9e: {  	_ =	swait.ge [sflag:s22], s20  }
0x9f: {  	s3 =	ssub.s32 $0x0, s20;
	[sflag:s22] =	ssyncset.done $0x0  }
0xa0: {  	[sflag:s22] =	ssyncadd.s32 s3;
	_ =	sdelay $0x1  }
0xa1: {  	s23 =	simm.s32 $0x1B8B  }
0xa2: {  	_ =	swait.ge [sflag:s23], $0x1  }
0xa3: {  	[sflag:s23] =	ssyncset.done $0x0  }
0xa4: {  	s25 =	simm.s32 $0x1B8E;
	s24 =	sld [smem:$0x3FFE];
	[sflag:s23] =	ssyncadd.s32 $0xFFFFFFFF  }
0xa5: {  	s26 =	simm.s32 $execute0_lowered;
	[smem:$0x3FD2] =	sst s25  }
0xa6: {  	s4 =	sshll.u32 s26, $0x1;
	_ =	strace $0x80000046;
	[dreg:$0x1] =	wrdreg $0xFFFFFFFF  }
0xa7: {  	s28 =	simm.s32 $_size_execute0_lowered;
	s2 =	sadd.s32 s2, s4;
	[dreg:$0x0] =	wrdreg $0x0  }
0xa8: {  	s4 =	sshll.u32 s28, $0x1;
	[dreg:$0x2] =	wrdreg s2  }
0xa9: {  	[dreg:$0x3] =	wrdreg s4  }
0xaa: {  	[dreg:$0x4] =	wrdreg $0xC0  }
0xab: {  	_ =	task [dreg:s6], $0x5FFFF  }
0xac: {  	[dreg:$0x1] =	wrdreg $0xFFFFFFFF  }
0xad: {  	[dreg:$0x0] =	wrdreg $0x60  }
0xae: {  	[dreg:$0x2] =	wrdreg s24  }
0xaf: {  	[dreg:$0x3] =	wrdreg $0x17000  }
0xb0: {  	[dreg:$0x4] =	wrdreg $0x9  }
0xb1: {  	_ =	task.clear_ibuf [dreg:s6], $0x5FFFF;
	_ =	strace $0x90000046  }
0xb2: {  	s29 =	simm.s32 $0x9;
	_ =	strace $0x80000048  }
0xb3: {  	_ =	swait.ge [sflag:s29], $0x1  }
0xb4: {  	[sflag:s29] =	ssyncadd.s32 $0xFFFFFFFF  }
0xb5: {  	_ =	strace $0x90000048  }
0xb6: {  	_ =	sfence  }
0xb7: {  	s30 =	sld [smem:$0x0];
	_ =	sdelay $0x2  }
0xb8: {  	s31 =	sshll.u32 s1, $0xD;
	s1 =	sshrl.u32 s1, $0x2  }
0xb9: {  	s3 =	sand.u32 $0x4000, s31;
	s1 =	sadd.s32 s1, s30  }
0xba: {  	s0 =	sor.u32 s3, s0;
	s1 =	sshll.u32 s1, $0x11  }
0xbb: {  	s0 =	sor.u32 s1, s0  }
0xbc: {  	s0 =	sadd.s32 $0x8F2B, s0  }
0xbd: {  	[sflag:s0] =	ssyncadd.remote.s32 $0x1  }
0xbe: {  	_ =	sfence.sel $0xFFFF  }
0xbf: {  	[dreg:$0x0] =	wrdreg $0xFFFFFFFF;
	(pc) =	sbr.abs _section_cstart, $3  }
0xc0: {  	[dreg:$0x1] =	wrdreg $0xFFFFFFFF  }
0xc1: {  	_ =	task.clear_ibuf [dreg:s6], $0x2FFFF;
	_ =	strace $0x9FFFFFFF  }
0xc2: {  	(tm) =	ssettm $0x7FFFFFFF  }
0xc3: {  	_ =	shalt  }
tec
execute0_lowered:
.L_overlay_start_1:
0x0: {  	(tag) =	ssettag $0x1  }
0x1: {  	s4 =	rddreg [dreg:$0x0];
	s0 =	srdreg.scid  }
0x2: {  	s2 =	rddreg [dreg:$0x1];
	s1 =	stileid.u32  }
0x3: {  	s3 =	simm.s32 $0x0;
	s10 =	simm.s32 $0x80;
	s11 =	simm.s32 $0x1400  }
0x4: {  	s14 =	simm.s32 $0x20;
	s15 =	simm.s32 $0x10;
	s16 =	simm.s32 $0x0  }
0x5: {  	s5 =	sand.u32 $0x1, s0;
	s0 =	rddreg [dreg:$0x2];
	s7 =	smul.u32 $0x500, s1  }
0x6: {  	[smem:$0x7FF] =	sst s3;
	s30 =	smul.u32 $0xA00, s1;
	s12 =	sshll.u32 s1, $0x6  }
0x7: {  	s6 =	sshll.u32 s5, $0x4;
	s8 =	sshll.u32 s5, $0x7;
	_ =	strace $0x80000047  }
0x8: {  	s5 =	ssub.s32 $0x2, s5;
	s12 =	sor.u32 $0x1C01, s12;
	s6 =	sor.u32 s1, s6  }
0x9: {  	s7 =	sor.u32 s8, s7;
	s31 =	sshrl.u32 s5, $0x1;
	s6 =	smul.u32 $0x280, s6  }
0xa: {  	s8 =	sshrl.u32 s30, $0x2;
	s7 =	sshrl.u32 s7, $0x3;
	s9 =	ssub.s32 s5, s31  }
0xb: {  	s5 =	sadd.s32 s8, s2;
	s8 =	simm.s32 $0x1;
	s6 =	sadd.s32 s6, s4  }
0xc: {  	s7 =	sadd.s32 s7, s4;
	s13 =	sshrl.u32 s5, $0x3;
	s4 =	sadd.s32 $0x3200, s6  }
0xd: {  	v0 =	vimm.f32 $0.0e+00;
	v1 =	vimm.f32 $1.000000000e+00;
	s6 =	sadd.s32 $0x8200, s7;
	s7 =	smax.u32 s9, $0x1;
	s9 =	simm.s32 $0x1480  }
.LBB2_1:
0xe: {  	[tilespmem:$0x1480] =	vst v0  }
0xf: {  	[tilespmem:$0x1490] =	vst v0  }
0x10: {  	[tilespmem:$0x14A0] =	vst v0  }
0x11: {  	[tilespmem:$0x14B0] =	vst v0  }
0x12: {  	[tilespmem:$0x14C0] =	vst v0  }
0x13: {  	[tilespmem:$0x14D0] =	vst v0  }
0x14: {  	[tilespmem:$0x14E0] =	vst v0  }
0x15: {  	[tilespmem:$0x14F0] =	vst v0  }
0x16: {  	[tilespmem:$0x1500] =	vst v0  }
0x17: {  	[tilespmem:$0x1510] =	vst v0  }
0x18: {  	[tilespmem:$0x1520] =	vst v0  }
0x19: {  	[tilespmem:$0x1530] =	vst v0  }
0x1a: {  	[tilespmem:$0x1540] =	vst v0  }
0x1b: {  	[tilespmem:$0x1550] =	vst v0  }
0x1c: {  	[tilespmem:$0x1560] =	vst v0  }
0x1d: {  	[tilespmem:$0x1570] =	vst v0  }
0x1e: {  	[tilespmem:$0x1580] =	vst v0  }
0x1f: {  	[tilespmem:$0x1590] =	vst v0  }
0x20: {  	[tilespmem:$0x15A0] =	vst v0  }
0x21: {  	[tilespmem:$0x15B0] =	vst v0  }
0x22: {  	[tilespmem:$0x15C0] =	vst v0  }
0x23: {  	[tilespmem:$0x15D0] =	vst v0  }
0x24: {  	[tilespmem:$0x15E0] =	vst v0  }
0x25: {  	[tilespmem:$0x15F0] =	vst v0  }
0x26: {  	[tilespmem:$0x1600] =	vst v0  }
0x27: {  	[tilespmem:$0x1610] =	vst v0  }
0x28: {  	[tilespmem:$0x1620] =	vst v0  }
0x29: {  	[tilespmem:$0x1630] =	vst v0  }
0x2a: {  	[tilespmem:$0x1640] =	vst v0  }
0x2b: {  	[tilespmem:$0x1650] =	vst v0  }
0x2c: {  	[tilespmem:$0x1660] =	vst v0  }
0x2d: {  	[tilespmem:$0x1670] =	vst v0  }
0x2e: {  	[tilespmem:$0x1680] =	vst v0  }
0x2f: {  	[tilespmem:$0x1690] =	vst v0  }
0x30: {  	[tilespmem:$0x16A0] =	vst v0  }
0x31: {  	[tilespmem:$0x16B0] =	vst v0  }
0x32: {  	[tilespmem:$0x16C0] =	vst v0  }
0x33: {  	[tilespmem:$0x16D0] =	vst v0  }
0x34: {  	[tilespmem:$0x16E0] =	vst v0  }
0x35: {  	[tilespmem:$0x16F0] =	vst v0  }
0x36: {  	[tilespmem:$0x1400] =	vst v1  }
0x37: {  	[tilespmem:$0x1410] =	vst v1  }
0x38: {  	[tilespmem:$0x1420] =	vst v1  }
0x39: {  	[tilespmem:$0x1430] =	vst v1  }
0x3a: {  	[tilespmem:$0x1440] =	vst v1  }
0x3b: {  	[tilespmem:$0x1450] =	vst v1  }
0x3c: {  	[tilespmem:$0x1460] =	vst v1  }
0x3d: {  	[tilespmem:$0x1470] =	vst v1  }
0x3e: {  	[tilespmem:s3], [sflag:$0x1] =	stream.linear.gather [hbm4b:s4+s3], $0x1400, $0x38;
	[tilespmem:$0x1980] =	vst v63  }
0x3f: {  	_ =	swait.ge [sflag:s8], $0x1400  }
0x40: {  	[sflag:s8] =	ssyncset.done $0x0  }
0x41: {  	[sflag:s8] =	ssyncadd.s32 $0xFFFFEC00  }
0x42: {  	[spmem:s5] =	stream.linear.scatter [tilespmem:s9], [sflag:$0x1], $0x280, $0x38;
	[tilespmem:$0x1980] =	vst v63  }
0x43: {  	_ =	swait.ge [sflag:s8], $0x280  }
0x44: {  	[sflag:s8] =	ssyncset.done $0x0  }
0x45: {  	[sflag:s8] =	ssyncadd.s32 $0xFFFFFD80  }
0x46: {  	s17 =	simm.s32 $0x0;
	[bflag:$0x0] =	sbarrier.arrive $0xFFFF  }
0x47: {  	[spmem:s2] =	stream.indirect.scatter.add.f32 [tilespmem:s11], [sflag:$0x1], $0x1, s17, s10, $0xb8;
	[tilespmem:$0x1980] =	vst v63  }
0x48: {  	_ =	swait.ge [sflag:s8], $0x80  }
0x49: {  	s17 =	simm.s32 $0x200;
	[sflag:s8] =	ssyncset.done $0x0  }
.LBB2_2:
0x4a: {  	s18 =	sshra.s32 s17, $0x2;
	[sflag:s8] =	ssyncadd.s32 $0xFFFFFF80;
	p0 =	sne.s32 s17, $0x4E00  }
0x4b: {  	[spmem:s2] =	stream.indirect.scatter.add.f32 [tilespmem:s11], [sflag:$0x1], $0x1, s18, s10, $0xb8;
	[tilespmem:$0x1980] =	vst v63  }
.Ltmp0:
0x4c: {  	_ = 	snop;
	(pc) =	sbr.rel @p0 .LBB2_2-.Ltmp0, $4  }
0x4d: {  	_ = 	snop  }
0x4e: {  	s17 =	sadd.s32 $0x200, s17  }
0x4f: {  	_ =	swait.ge [sflag:s8], $0x80  }
0x50: {  	[sflag:s8] =	ssyncset.done $0x0  }
0x51: {  	s16 =	sadd.s32 $0x1, s16  }
0x52: {  	[sflag:s8] =	ssyncadd.s32 $0xFFFFFF80;
	p0 =	sne.s32 s16, s7  }
.Ltmp1:
0x53: {  	[bflag:$0x0] =	sbarrier.arrive $0xFFFF;
	(pc) =	sbr.rel @p0 .LBB2_1-.Ltmp1, $4  }
0x54: {  	[hbm:s6@s14], [sflag:s12] =	dma.strided [spmem:s13@s15], $0x50, s8, $0x10   }
0x55: {  	_ =	swait.ge [sflag:s8], $0x50  }
0x56: {  	[sflag:s8] =	ssyncset.done $0x0  }
0x57: {  	[sflag:s8] =	ssyncadd.s32 $0xFFFFFFB0  }
0x58: {  	_ =	sfence.sel $0x180000  }
0x59: {  	[bflag:$0x0] =	sbarrier.arrive $0xFFFF  }
0x5a: {  	p0 =	sne.s32 s1, $0x0;
	_ =	strace $0x90000047  }
0x5b: {  	s0 =	sadd.s32 @!p0 $0x100000, s0;
	[bflag:$0x2] =	sbarrier.arrive $0xFFFF  }
0x5c: {  	[sflag:s0] =	ssyncadd.tile.s32 @!p0 $0x1;
	_ =	shalt  }
.Lfunc_end2:
_tile_overlayer_lowered:
.L_overlay_start_2:
0x5d: {  	(tag) =	ssettag $0x2  }
0x5e: {  	s0 =	rddreg [dreg:$0x0];
	s2 =	stileid.u32  }
0x5f: {  	s1 =	rddreg [dreg:$0x1];
	p0 =	sne.s32 s2, $0x0  }
0x60: {  	s3 =	rddreg [dreg:$0x2];
	[bflag:$0x3] =	sbarrier.arrive $0xFFFF;
	s2 =	simm.s32 @!p0 $0x1C01  }
0x61: {  	[timem:s3], [sflag:s2] =	dma.local @!p0 [hbm:s0], s1  }
0x62: {  	s0 =	simm.s32 @!p0 $0x1  }
0x63: {  	_ =	swait.ge @!p0 [sflag:s0], s1  }
0x64: {  	s1 =	ssub.s32 @!p0 $0x0, s1;
	[sflag:s0] =	ssyncset.done @!p0 $0x0  }
0x65: {  	[sflag:s0] =	ssyncadd.s32 @!p0 s1  }
0x66: {  	[bflag:$0x3] =	sbarrier.arrive $0xFFFF  }
0x67: {  	_ =	shalt  }

</sc_bundles>
